<compile_context>
chip_gen: v7x
topology: tpu7x:2x2x1
jax: 0.10.2.dev20260603
libtpu: 0.0.44.dev20260713+nightly
codegen_flags: <defaults>
</compile_context>

<pallas_src>
import functools

import jax
import jax.numpy as jnp
import numpy as np
from jax import lax
from jax.experimental import pallas as pl
from jax.experimental.pallas import tpu as pltpu
from jax.experimental.pallas import tpu_sc as plsc

D_MODEL = 512
MAX_LEN = 100
BATCH = 1024
TOKENS = BATCH * MAX_LEN

NC = 2
NS = 16
L = 16
NW = NC * NS
CHUNK = BATCH // NW
NBUF = 4
AHEAD = 2
VLANES = D_MODEL // L
RUNROLL = 1


def _pos_encoding_np():
    even_i = np.arange(0, D_MODEL, 2, dtype=np.float32)
    denominator = np.power(10000.0, even_i / D_MODEL)
    position = np.arange(MAX_LEN, dtype=np.float32).reshape(MAX_LEN, 1)
    even_pe = np.sin(position / denominator)
    odd_pe = np.cos(position / denominator)
    return np.stack([even_pe, odd_pe], axis=2).reshape(MAX_LEN, D_MODEL)


_PE = _pos_encoding_np()


def _make_kernel():
    mesh = plsc.VectorSubcoreMesh(core_axis_name="c", subcore_axis_name="s")

    @functools.partial(
        pl.kernel,
        mesh=mesh,
        out_type=jax.ShapeDtypeStruct((TOKENS, D_MODEL), jnp.float32),
        scratch_types=[
            pltpu.VMEM((MAX_LEN * CHUNK,), jnp.int32),
            pltpu.VMEM((MAX_LEN, D_MODEL), jnp.float32),
        ]
        + [pltpu.VMEM((CHUNK, D_MODEL), jnp.float32) for _ in range(NBUF)]
        + [pltpu.SemaphoreType.DMA, pltpu.SemaphoreType.DMA],
    )
    def k(idx_hbm, table_hbm, pe_hbm, out_hbm, idx_v, pe_v,
          rows0, rows1, rows2, rows3, gsem, wsem):
        bufs = (rows0, rows1, rows2, rows3)
        wid = lax.axis_index("s") * NC + lax.axis_index("c")
        b0 = wid * CHUNK
        pltpu.sync_copy(pe_hbm, pe_v)
        pltpu.sync_copy(idx_hbm.at[pl.ds(wid * MAX_LEN * CHUNK, MAX_LEN * CHUNK)],
                        idx_v)

        def gather(c, buf):
            pltpu.async_copy(
                table_hbm.at[idx_v.at[pl.ds(c * CHUNK, CHUNK)]], buf, gsem
            )

        def drain_gather(buf):
            pltpu.make_async_copy(table_hbm.at[pl.ds(0, CHUNK)], buf, gsem).wait()

        def store(c, buf):
            pltpu.async_copy(buf, out_hbm.at[pl.ds(c * BATCH + b0, CHUNK)], wsem)

        def drain_store(buf):
            pltpu.make_async_copy(buf, out_hbm.at[pl.ds(0, CHUNK)], wsem).wait()

        def add_pe(c, buf):
            pe_regs = tuple(pe_v[c, pl.ds(cc * L, L)] for cc in range(VLANES))

            def add_rows(rr, regs):
                for u in range(RUNROLL):
                    r = rr * RUNROLL + u
                    for cc in range(VLANES):
                        sl = pl.ds(cc * L, L)
                        buf[r, sl] = buf[r, sl] + regs[cc]
                return regs

            lax.fori_loop(0, CHUNK // RUNROLL, add_rows, pe_regs)

        for c in range(AHEAD):
            gather(c, bufs[c])

        def body(j, carry):
            for kk in range(NBUF):
                c = NBUF * j + kk
                drain_gather(bufs[kk])

                @pl.when(c >= AHEAD)
                def _():
                    drain_store(bufs[(kk + AHEAD) % NBUF])

                @pl.when(c < MAX_LEN - AHEAD)
                def _():
                    gather(c + AHEAD, bufs[(kk + AHEAD) % NBUF])

                add_pe(c, bufs[kk])
                store(c, bufs[kk])
            return carry

        lax.fori_loop(0, MAX_LEN // NBUF, body, None)
        for kk in range(AHEAD):
            drain_store(bufs[(MAX_LEN - AHEAD + kk) % NBUF])

    return k


def kernel(indices, table):
    idx_r = (indices.astype(jnp.int32)
             .T.reshape(MAX_LEN, NW, CHUNK)
             .transpose(1, 0, 2)
             .reshape(TOKENS))
    pe = jnp.asarray(_PE)
    out = _make_kernel()(idx_r, table, pe)
    return out.reshape(MAX_LEN, BATCH, D_MODEL).transpose(1, 0, 2)

# --- scband reference (transcript-rebuilt; emitter-appended) ---
"""Pipeline reference for scband-sentence-embedding-13125420057300 (READ-ONLY COPY).

The authoritative reference and input builder live on the scoring server;
editing this copy changes nothing except your own understanding.
"""

import jax, jax.numpy as jnp
import numpy as np

D_MODEL = 512
MAX_LEN = 100
VOCAB = 32000
BATCH = 1024


def positional_encoding():
    even_i = jnp.arange(0, D_MODEL, 2, dtype=jnp.float32)
    denominator = jnp.power(10000.0, even_i / D_MODEL)
    position = jnp.arange(MAX_LEN, dtype=jnp.float32).reshape(MAX_LEN, 1)
    even_PE = jnp.sin(position / denominator)
    odd_PE = jnp.cos(position / denominator)
    stacked = jnp.stack([even_PE, odd_PE], axis=2)
    PE = stacked.reshape(MAX_LEN, D_MODEL)
    return PE


def setup_inputs(seed: int = 0) -> dict:
    key = jax.random.key(seed)
    k1, k2 = jax.random.split(key)
    indices = jax.random.randint(k1, (BATCH, MAX_LEN), 0, VOCAB)
    table = jax.random.normal(k2, (VOCAB, D_MODEL), dtype=jnp.float32) * 0.02
    return {"indices": indices, "table": table}


def reference(indices, table):
    # embedding gather: [B, L] -> [B, L, D]
    emb = jnp.take(table, indices, axis=0)
    pos = positional_encoding()  # [L, D]
    # dropout is identity in eval mode
    out = emb + pos[None, :, :]
    return out

if __name__ == "__main__":
    import jax
    _d = setup_inputs()
    print(jax.jit(kernel)(*tuple(_d.values())))

</pallas_src>

<mosaic_0001>
#map = affine_map<(d0, d1) -> (0)>
#map1 = affine_map<(d0, d1) -> (0, 0)>
module attributes {stable_mosaic.version = 14 : i64} {
  func.func @k(%arg0: i32, %arg1: i32, %arg2: memref<102400xi32, #tpu.memory_space<hbm>>, %arg3: memref<32000x512xf32, #tpu.memory_space<hbm>>, %arg4: memref<100x512xf32, #tpu.memory_space<hbm>>, %arg5: memref<102400x512xf32, #tpu.memory_space<hbm>>, %arg6: memref<3200xi32, #tpu.memory_space<vmem>>, %arg7: memref<100x512xf32, #tpu.memory_space<vmem>>, %arg8: memref<32x512xf32, #tpu.memory_space<vmem>>, %arg9: memref<32x512xf32, #tpu.memory_space<vmem>>, %arg10: memref<32x512xf32, #tpu.memory_space<vmem>>, %arg11: memref<32x512xf32, #tpu.memory_space<vmem>>, %arg12: memref<!tpu.dma_semaphore, #tpu.memory_space<semaphore_mem>>, %arg13: memref<!tpu.dma_semaphore, #tpu.memory_space<semaphore_mem>>) attributes {dimension_semantics = [#tpu.dimension_semantics<core_parallel>, #tpu.dimension_semantics<subcore_parallel>], iteration_bounds = array<i64: 2, 16>, scalar_prefetch = 0 : i64, scratch_operands = 8 : i64, tpu.core_type = #tpu.core_type<sc_vector_subcore>, window_params = [{transform_indices = #map}, {transform_indices = #map1}, {transform_indices = #map1}, {transform_indices = #map1}]} {
    %mul3A = arith.constant 2 : i32
    %mul3A_0 = arith.muli %arg1, %mul3A : i32
    %add3A = arith.addi %mul3A_0, %arg0 : i32
    %mul3A_1 = arith.constant 32 : i32
    %mul3A_2 = arith.muli %add3A, %mul3A_1 : i32
    "tpu.region"() ({
      %run_scoped3A = tpu.sem_alloc : memref<!tpu.dma_semaphore, #tpu.memory_space<semaphore_mem>>
      tpu.enqueue_dma source(%arg4 : memref<100x512xf32, #tpu.memory_space<hbm>>) target(%arg7 : memref<100x512xf32, #tpu.memory_space<vmem>>) target_semaphore(%run_scoped3A : memref<!tpu.dma_semaphore, #tpu.memory_space<semaphore_mem>>)
      tpu.wait_dma2 semaphore(%run_scoped3A : memref<!tpu.dma_semaphore, #tpu.memory_space<semaphore_mem>>) src(%arg4 : memref<100x512xf32, #tpu.memory_space<hbm>>) dst(%arg7 : memref<100x512xf32, #tpu.memory_space<vmem>>)
      tpu.yield
    }) : () -> ()
    %mul3A_3 = arith.constant 100 : i32
    %mul3A_4 = arith.muli %add3A, %mul3A_3 : i32
    %mul3A_5 = arith.constant 32 : i32
    %mul3A_6 = arith.muli %mul3A_4, %mul3A_5 : i32
    "tpu.region"() ({
      %run_scoped3A = tpu.sem_alloc : memref<!tpu.dma_semaphore, #tpu.memory_space<semaphore_mem>>
      %dma_start3A_31 = tpu.memref_slice %arg2[%mul3A_6] : memref<102400xi32, #tpu.memory_space<hbm>> -> memref<3200xi32, #tpu.memory_space<hbm>>
      %dma_start3A_32 = tpu.memref_slice %arg2[%mul3A_6] : memref<102400xi32, #tpu.memory_space<hbm>> -> memref<3200xi32, #tpu.memory_space<hbm>>
      tpu.enqueue_dma source(%dma_start3A_32 : memref<3200xi32, #tpu.memory_space<hbm>>) target(%arg6 : memref<3200xi32, #tpu.memory_space<vmem>>) target_semaphore(%run_scoped3A : memref<!tpu.dma_semaphore, #tpu.memory_space<semaphore_mem>>)
      %dma_wait3A_33 = tpu.memref_slice %arg2[%mul3A_6] : memref<102400xi32, #tpu.memory_space<hbm>> -> memref<3200xi32, #tpu.memory_space<hbm>>
      %dma_wait3A_34 = tpu.memref_slice %arg2[%mul3A_6] : memref<102400xi32, #tpu.memory_space<hbm>> -> memref<3200xi32, #tpu.memory_space<hbm>>
      tpu.wait_dma2 semaphore(%run_scoped3A : memref<!tpu.dma_semaphore, #tpu.memory_space<semaphore_mem>>) src(%dma_wait3A_34 : memref<3200xi32, #tpu.memory_space<hbm>>) dst(%arg6 : memref<3200xi32, #tpu.memory_space<vmem>>)
      tpu.yield
    }) : () -> ()
    %dma_start3A = arith.constant 0 : i32
    %dma_start3A_7 = tpu.memref_slice %arg6[%dma_start3A] : memref<3200xi32, #tpu.memory_space<vmem>> -> memref<32xi32, #tpu.memory_space<vmem>>
    %dma_start3A_8 = arith.constant 0 : i32
    %dma_start3A_9 = arith.constant 0 : i32
    %dma_start3A_10 = tpu.memref_slice %arg3[%dma_start3A_8, %dma_start3A_9] : memref<32000x512xf32, #tpu.memory_space<hbm>> -> memref<32000x512xf32, #tpu.memory_space<hbm>>
    tpu.enqueue_indirect_dma source(%dma_start3A_10 : memref<32000x512xf32, #tpu.memory_space<hbm>>) target(%arg8 : memref<32x512xf32, #tpu.memory_space<vmem>>) offsets(%dma_start3A_7 : memref<32xi32, #tpu.memory_space<vmem>>) semaphore(%arg12 : memref<!tpu.dma_semaphore, #tpu.memory_space<semaphore_mem>>)
    %dma_start3A_11 = arith.constant 32 : i32
    %dma_start3A_12 = tpu.memref_slice %arg6[%dma_start3A_11] : memref<3200xi32, #tpu.memory_space<vmem>> -> memref<32xi32, #tpu.memory_space<vmem>>
    %dma_start3A_13 = arith.constant 0 : i32
    %dma_start3A_14 = arith.constant 0 : i32
    %dma_start3A_15 = tpu.memref_slice %arg3[%dma_start3A_13, %dma_start3A_14] : memref<32000x512xf32, #tpu.memory_space<hbm>> -> memref<32000x512xf32, #tpu.memory_space<hbm>>
    tpu.enqueue_indirect_dma source(%dma_start3A_15 : memref<32000x512xf32, #tpu.memory_space<hbm>>) target(%arg9 : memref<32x512xf32, #tpu.memory_space<vmem>>) offsets(%dma_start3A_12 : memref<32xi32, #tpu.memory_space<vmem>>) semaphore(%arg12 : memref<!tpu.dma_semaphore, #tpu.memory_space<semaphore_mem>>)
    %scan3A = arith.constant 0 : i32
    %scan3A_16 = arith.constant 25 : i32
    %scan3A_17 = arith.addi %scan3A, %scan3A_16 : i32
    %scan3A_18 = arith.constant 1 : i32
    scf.for %scan3A_31 = %scan3A to %scan3A_17 step %scan3A_18  : i32 {
      %mul3A_32 = arith.constant 4 : i32
      %mul3A_33 = arith.muli %mul3A_32, %scan3A_31 : i32
      %add3A_34 = arith.constant 0 : i32
      %add3A_35 = arith.addi %mul3A_33, %add3A_34 : i32
      %dma_wait3A_36 = arith.constant 0 : i32
      %dma_wait3A_37 = arith.constant 0 : i32
      %dma_wait3A_38 = tpu.memref_slice %arg3[%dma_wait3A_36, %dma_wait3A_37] : memref<32000x512xf32, #tpu.memory_space<hbm>> -> memref<32x512xf32, #tpu.memory_space<hbm>>
      %dma_wait3A_39 = arith.constant 0 : i32
      %dma_wait3A_40 = arith.constant 0 : i32
      %dma_wait3A_41 = tpu.memref_slice %arg3[%dma_wait3A_39, %dma_wait3A_40] : memref<32000x512xf32, #tpu.memory_space<hbm>> -> memref<32x512xf32, #tpu.memory_space<hbm>>
      tpu.wait_dma2 semaphore(%arg12 : memref<!tpu.dma_semaphore, #tpu.memory_space<semaphore_mem>>) src(%dma_wait3A_41 : memref<32x512xf32, #tpu.memory_space<hbm>>) dst(%arg8 : memref<32x512xf32, #tpu.memory_space<vmem>>)
      %ge3A = arith.constant 2 : i32
      %ge3A_42 = arith.cmpi sge, %add3A_35, %ge3A : i32
      %convert_element_type3A = arith.extui %ge3A_42 : i1 to i32
      %cond3A = arith.constant 0 : i32
      %cond3A_43 = arith.cmpi ne, %convert_element_type3A, %cond3A : i32
      scf.if %cond3A_43 {
        %dma_wait3A_667 = arith.constant 0 : i32
        %dma_wait3A_668 = arith.constant 0 : i32
        %dma_wait3A_669 = tpu.memref_slice %arg5[%dma_wait3A_667, %dma_wait3A_668] : memref<102400x512xf32, #tpu.memory_space<hbm>> -> memref<32x512xf32, #tpu.memory_space<hbm>>
        %dma_wait3A_670 = arith.constant 0 : i32
        %dma_wait3A_671 = arith.constant 0 : i32
        %dma_wait3A_672 = tpu.memref_slice %arg5[%dma_wait3A_670, %dma_wait3A_671] : memref<102400x512xf32, #tpu.memory_space<hbm>> -> memref<32x512xf32, #tpu.memory_space<hbm>>
        tpu.wait_dma2 semaphore(%arg13 : memref<!tpu.dma_semaphore, #tpu.memory_space<semaphore_mem>>) src(%arg10 : memref<32x512xf32, #tpu.memory_space<vmem>>) dst(%dma_wait3A_672 : memref<32x512xf32, #tpu.memory_space<hbm>>)
      } else {
      }
      %lt3A = arith.constant 98 : i32
      %lt3A_44 = arith.cmpi slt, %add3A_35, %lt3A : i32
      %convert_element_type3A_45 = arith.extui %lt3A_44 : i1 to i32
      %cond3A_46 = arith.constant 0 : i32
      %cond3A_47 = arith.cmpi ne, %convert_element_type3A_45, %cond3A_46 : i32
      scf.if %cond3A_47 {
        %add3A_667 = arith.constant 2 : i32
        %add3A_668 = arith.addi %add3A_35, %add3A_667 : i32
        %mul3A_669 = arith.constant 32 : i32
        %mul3A_670 = arith.muli %add3A_668, %mul3A_669 : i32
        %dma_start3A_671 = tpu.memref_slice %arg6[%mul3A_670] : memref<3200xi32, #tpu.memory_space<vmem>> -> memref<32xi32, #tpu.memory_space<vmem>>
        %dma_start3A_672 = arith.constant 0 : i32
        %dma_start3A_673 = arith.constant 0 : i32
        %dma_start3A_674 = tpu.memref_slice %arg3[%dma_start3A_672, %dma_start3A_673] : memref<32000x512xf32, #tpu.memory_space<hbm>> -> memref<32000x512xf32, #tpu.memory_space<hbm>>
        tpu.enqueue_indirect_dma source(%dma_start3A_674 : memref<32000x512xf32, #tpu.memory_space<hbm>>) target(%arg10 : memref<32x512xf32, #tpu.memory_space<vmem>>) offsets(%dma_start3A_671 : memref<32xi32, #tpu.memory_space<vmem>>) semaphore(%arg12 : memref<!tpu.dma_semaphore, #tpu.memory_space<semaphore_mem>>)
      } else {
      }
      %get3A = arith.index_cast %add3A_35 : i32 to index
      %get3A_48 = arith.constant 0 : index
      %get3A_49 = tpu.vector_load %arg7[%get3A, %get3A_48] {strides = array<i32>} : memref<100x512xf32, #tpu.memory_space<vmem>>, vector<1x16xf32>,
      %get3A_50 = vector.shape_cast %get3A_49 : vector<1x16xf32> to vector<16xf32>
      %get3A_51 = arith.index_cast %add3A_35 : i32 to index
      %get3A_52 = arith.constant 16 : index
      %get3A_53 = tpu.vector_load %arg7[%get3A_51, %get3A_52] {strides = array<i32>} : memref<100x512xf32, #tpu.memory_space<vmem>>, vector<1x16xf32>,
      %get3A_54 = vector.shape_cast %get3A_53 : vector<1x16xf32> to vector<16xf32>
      %get3A_55 = arith.index_cast %add3A_35 : i32 to index
      %get3A_56 = arith.constant 32 : index
      %get3A_57 = tpu.vector_load %arg7[%get3A_55, %get3A_56] {strides = array<i32>} : memref<100x512xf32, #tpu.memory_space<vmem>>, vector<1x16xf32>,
      %get3A_58 = vector.shape_cast %get3A_57 : vector<1x16xf32> to vector<16xf32>
      %get3A_59 = arith.index_cast %add3A_35 : i32 to index
      %get3A_60 = arith.constant 48 : index
      %get3A_61 = tpu.vector_load %arg7[%get3A_59, %get3A_60] {strides = array<i32>} : memref<100x512xf32, #tpu.memory_space<vmem>>, vector<1x16xf32>,
      %get3A_62 = vector.shape_cast %get3A_61 : vector<1x16xf32> to vector<16xf32>
      %get3A_63 = arith.index_cast %add3A_35 : i32 to index
      %get3A_64 = arith.constant 64 : index
      %get3A_65 = tpu.vector_load %arg7[%get3A_63, %get3A_64] {strides = array<i32>} : memref<100x512xf32, #tpu.memory_space<vmem>>, vector<1x16xf32>,
      %get3A_66 = vector.shape_cast %get3A_65 : vector<1x16xf32> to vector<16xf32>
      %get3A_67 = arith.index_cast %add3A_35 : i32 to index
      %get3A_68 = arith.constant 80 : index
      %get3A_69 = tpu.vector_load %arg7[%get3A_67, %get3A_68] {strides = array<i32>} : memref<100x512xf32, #tpu.memory_space<vmem>>, vector<1x16xf32>,
      %get3A_70 = vector.shape_cast %get3A_69 : vector<1x16xf32> to vector<16xf32>
      %get3A_71 = arith.index_cast %add3A_35 : i32 to index
      %get3A_72 = arith.constant 96 : index
      %get3A_73 = tpu.vector_load %arg7[%get3A_71, %get3A_72] {strides = array<i32>} : memref<100x512xf32, #tpu.memory_space<vmem>>, vector<1x16xf32>,
      %get3A_74 = vector.shape_cast %get3A_73 : vector<1x16xf32> to vector<16xf32>
      %get3A_75 = arith.index_cast %add3A_35 : i32 to index
      %get3A_76 = arith.constant 112 : index
      %get3A_77 = tpu.vector_load %arg7[%get3A_75, %get3A_76] {strides = array<i32>} : memref<100x512xf32, #tpu.memory_space<vmem>>, vector<1x16xf32>,
      %get3A_78 = vector.shape_cast %get3A_77 : vector<1x16xf32> to vector<16xf32>
      %get3A_79 = arith.index_cast %add3A_35 : i32 to index
      %get3A_80 = arith.constant 128 : index
      %get3A_81 = tpu.vector_load %arg7[%get3A_79, %get3A_80] {strides = array<i32>} : memref<100x512xf32, #tpu.memory_space<vmem>>, vector<1x16xf32>,
      %get3A_82 = vector.shape_cast %get3A_81 : vector<1x16xf32> to vector<16xf32>
      %get3A_83 = arith.index_cast %add3A_35 : i32 to index
      %get3A_84 = arith.constant 144 : index
      %get3A_85 = tpu.vector_load %arg7[%get3A_83, %get3A_84] {strides = array<i32>} : memref<100x512xf32, #tpu.memory_space<vmem>>, vector<1x16xf32>,
      %get3A_86 = vector.shape_cast %get3A_85 : vector<1x16xf32> to vector<16xf32>
      %get3A_87 = arith.index_cast %add3A_35 : i32 to index
      %get3A_88 = arith.constant 160 : index
      %get3A_89 = tpu.vector_load %arg7[%get3A_87, %get3A_88] {strides = array<i32>} : memref<100x512xf32, #tpu.memory_space<vmem>>, vector<1x16xf32>,
      %get3A_90 = vector.shape_cast %get3A_89 : vector<1x16xf32> to vector<16xf32>
      %get3A_91 = arith.index_cast %add3A_35 : i32 to index
      %get3A_92 = arith.constant 176 : index
      %get3A_93 = tpu.vector_load %arg7[%get3A_91, %get3A_92] {strides = array<i32>} : memref<100x512xf32, #tpu.memory_space<vmem>>, vector<1x16xf32>,
      %get3A_94 = vector.shape_cast %get3A_93 : vector<1x16xf32> to vector<16xf32>
      %get3A_95 = arith.index_cast %add3A_35 : i32 to index
      %get3A_96 = arith.constant 192 : index
      %get3A_97 = tpu.vector_load %arg7[%get3A_95, %get3A_96] {strides = array<i32>} : memref<100x512xf32, #tpu.memory_space<vmem>>, vector<1x16xf32>,
      %get3A_98 = vector.shape_cast %get3A_97 : vector<1x16xf32> to vector<16xf32>
      %get3A_99 = arith.index_cast %add3A_35 : i32 to index
      %get3A_100 = arith.constant 208 : index
      %get3A_101 = tpu.vector_load %arg7[%get3A_99, %get3A_100] {strides = array<i32>} : memref<100x512xf32, #tpu.memory_space<vmem>>, vector<1x16xf32>,
      %get3A_102 = vector.shape_cast %get3A_101 : vector<1x16xf32> to vector<16xf32>
      %get3A_103 = arith.index_cast %add3A_35 : i32 to index
      %get3A_104 = arith.constant 224 : index
      %get3A_105 = tpu.vector_load %arg7[%get3A_103, %get3A_104] {strides = array<i32>} : memref<100x512xf32, #tpu.memory_space<vmem>>, vector<1x16xf32>,
      %get3A_106 = vector.shape_cast %get3A_105 : vector<1x16xf32> to vector<16xf32>
      %get3A_107 = arith.index_cast %add3A_35 : i32 to index
      %get3A_108 = arith.constant 240 : index
      %get3A_109 = tpu.vector_load %arg7[%get3A_107, %get3A_108] {strides = array<i32>} : memref<100x512xf32, #tpu.memory_space<vmem>>, vector<1x16xf32>,
      %get3A_110 = vector.shape_cast %get3A_109 : vector<1x16xf32> to vector<16xf32>
      %get3A_111 = arith.index_cast %add3A_35 : i32 to index
      %get3A_112 = arith.constant 256 : index
      %get3A_113 = tpu.vector_load %arg7[%get3A_111, %get3A_112] {strides = array<i32>} : memref<100x512xf32, #tpu.memory_space<vmem>>, vector<1x16xf32>,
      %get3A_114 = vector.shape_cast %get3A_113 : vector<1x16xf32> to vector<16xf32>
      %get3A_115 = arith.index_cast %add3A_35 : i32 to index
      %get3A_116 = arith.constant 272 : index
      %get3A_117 = tpu.vector_load %arg7[%get3A_115, %get3A_116] {strides = array<i32>} : memref<100x512xf32, #tpu.memory_space<vmem>>, vector<1x16xf32>,
      %get3A_118 = vector.shape_cast %get3A_117 : vector<1x16xf32> to vector<16xf32>
      %get3A_119 = arith.index_cast %add3A_35 : i32 to index
      %get3A_120 = arith.constant 288 : index
      %get3A_121 = tpu.vector_load %arg7[%get3A_119, %get3A_120] {strides = array<i32>} : memref<100x512xf32, #tpu.memory_space<vmem>>, vector<1x16xf32>,
      %get3A_122 = vector.shape_cast %get3A_121 : vector<1x16xf32> to vector<16xf32>
      %get3A_123 = arith.index_cast %add3A_35 : i32 to index
      %get3A_124 = arith.constant 304 : index
      %get3A_125 = tpu.vector_load %arg7[%get3A_123, %get3A_124] {strides = array<i32>} : memref<100x512xf32, #tpu.memory_space<vmem>>, vector<1x16xf32>,
      %get3A_126 = vector.shape_cast %get3A_125 : vector<1x16xf32> to vector<16xf32>
      %get3A_127 = arith.index_cast %add3A_35 : i32 to index
      %get3A_128 = arith.constant 320 : index
      %get3A_129 = tpu.vector_load %arg7[%get3A_127, %get3A_128] {strides = array<i32>} : memref<100x512xf32, #tpu.memory_space<vmem>>, vector<1x16xf32>,
      %get3A_130 = vector.shape_cast %get3A_129 : vector<1x16xf32> to vector<16xf32>
      %get3A_131 = arith.index_cast %add3A_35 : i32 to index
      %get3A_132 = arith.constant 336 : index
      %get3A_133 = tpu.vector_load %arg7[%get3A_131, %get3A_132] {strides = array<i32>} : memref<100x512xf32, #tpu.memory_space<vmem>>, vector<1x16xf32>,
      %get3A_134 = vector.shape_cast %get3A_133 : vector<1x16xf32> to vector<16xf32>
      %get3A_135 = arith.index_cast %add3A_35 : i32 to index
      %get3A_136 = arith.constant 352 : index
      %get3A_137 = tpu.vector_load %arg7[%get3A_135, %get3A_136] {strides = array<i32>} : memref<100x512xf32, #tpu.memory_space<vmem>>, vector<1x16xf32>,
      %get3A_138 = vector.shape_cast %get3A_137 : vector<1x16xf32> to vector<16xf32>
      %get3A_139 = arith.index_cast %add3A_35 : i32 to index
      %get3A_140 = arith.constant 368 : index
      %get3A_141 = tpu.vector_load %arg7[%get3A_139, %get3A_140] {strides = array<i32>} : memref<100x512xf32, #tpu.memory_space<vmem>>, vector<1x16xf32>,
      %get3A_142 = vector.shape_cast %get3A_141 : vector<1x16xf32> to vector<16xf32>
      %get3A_143 = arith.index_cast %add3A_35 : i32 to index
      %get3A_144 = arith.constant 384 : index
      %get3A_145 = tpu.vector_load %arg7[%get3A_143, %get3A_144] {strides = array<i32>} : memref<100x512xf32, #tpu.memory_space<vmem>>, vector<1x16xf32>,
      %get3A_146 = vector.shape_cast %get3A_145 : vector<1x16xf32> to vector<16xf32>
      %get3A_147 = arith.index_cast %add3A_35 : i32 to index
      %get3A_148 = arith.constant 400 : index
      %get3A_149 = tpu.vector_load %arg7[%get3A_147, %get3A_148] {strides = array<i32>} : memref<100x512xf32, #tpu.memory_space<vmem>>, vector<1x16xf32>,
      %get3A_150 = vector.shape_cast %get3A_149 : vector<1x16xf32> to vector<16xf32>
      %get3A_151 = arith.index_cast %add3A_35 : i32 to index
      %get3A_152 = arith.constant 416 : index
      %get3A_153 = tpu.vector_load %arg7[%get3A_151, %get3A_152] {strides = array<i32>} : memref<100x512xf32, #tpu.memory_space<vmem>>, vector<1x16xf32>,
      %get3A_154 = vector.shape_cast %get3A_153 : vector<1x16xf32> to vector<16xf32>
      %get3A_155 = arith.index_cast %add3A_35 : i32 to index
      %get3A_156 = arith.constant 432 : index
      %get3A_157 = tpu.vector_load %arg7[%get3A_155, %get3A_156] {strides = array<i32>} : memref<100x512xf32, #tpu.memory_space<vmem>>, vector<1x16xf32>,
      %get3A_158 = vector.shape_cast %get3A_157 : vector<1x16xf32> to vector<16xf32>
      %get3A_159 = arith.index_cast %add3A_35 : i32 to index
      %get3A_160 = arith.constant 448 : index
      %get3A_161 = tpu.vector_load %arg7[%get3A_159, %get3A_160] {strides = array<i32>} : memref<100x512xf32, #tpu.memory_space<vmem>>, vector<1x16xf32>,
      %get3A_162 = vector.shape_cast %get3A_161 : vector<1x16xf32> to vector<16xf32>
      %get3A_163 = arith.index_cast %add3A_35 : i32 to index
      %get3A_164 = arith.constant 464 : index
      %get3A_165 = tpu.vector_load %arg7[%get3A_163, %get3A_164] {strides = array<i32>} : memref<100x512xf32, #tpu.memory_space<vmem>>, vector<1x16xf32>,
      %get3A_166 = vector.shape_cast %get3A_165 : vector<1x16xf32> to vector<16xf32>
      %get3A_167 = arith.index_cast %add3A_35 : i32 to index
      %get3A_168 = arith.constant 480 : index
      %get3A_169 = tpu.vector_load %arg7[%get3A_167, %get3A_168] {strides = array<i32>} : memref<100x512xf32, #tpu.memory_space<vmem>>, vector<1x16xf32>,
      %get3A_170 = vector.shape_cast %get3A_169 : vector<1x16xf32> to vector<16xf32>
      %get3A_171 = arith.index_cast %add3A_35 : i32 to index
      %get3A_172 = arith.constant 496 : index
      %get3A_173 = tpu.vector_load %arg7[%get3A_171, %get3A_172] {strides = array<i32>} : memref<100x512xf32, #tpu.memory_space<vmem>>, vector<1x16xf32>,
      %get3A_174 = vector.shape_cast %get3A_173 : vector<1x16xf32> to vector<16xf32>
      %scan3A_175 = arith.constant 0 : i32
      %scan3A_176 = arith.constant 32 : i32
      %scan3A_177 = arith.addi %scan3A_175, %scan3A_176 : i32
      %scan3A_178 = arith.constant 1 : i32
      scf.for %scan3A_667 = %scan3A_175 to %scan3A_177 step %scan3A_178  : i32 {
        %mul3A_668 = arith.constant 1 : i32
        %mul3A_669 = arith.muli %scan3A_667, %mul3A_668 : i32
        %add3A_670 = arith.constant 0 : i32
        %add3A_671 = arith.addi %mul3A_669, %add3A_670 : i32
        %get3A_672 = arith.index_cast %add3A_671 : i32 to index
        %get3A_673 = arith.constant 0 : index
        %get3A_674 = tpu.vector_load %arg8[%get3A_672, %get3A_673] {strides = array<i32>} : memref<32x512xf32, #tpu.memory_space<vmem>>, vector<1x16xf32>,
        %get3A_675 = vector.shape_cast %get3A_674 : vector<1x16xf32> to vector<16xf32>
        %add3A_676 = arith.addf %get3A_675, %get3A_50 : vector<16xf32>
        %swap3A = arith.index_cast %add3A_671 : i32 to index
        %swap3A_677 = arith.constant 0 : index
        %swap3A_678 = tpu.vector_load %arg8[%swap3A, %swap3A_677] {strides = array<i32>} : memref<32x512xf32, #tpu.memory_space<vmem>>, vector<1x16xf32>,
        %swap3A_679 = vector.shape_cast %swap3A_678 : vector<1x16xf32> to vector<16xf32>
        %swap3A_680 = vector.shape_cast %add3A_676 : vector<16xf32> to vector<1x16xf32>
        tpu.vector_store %arg8[%swap3A, %swap3A_677], %swap3A_680 {strides = array<i32>} : memref<32x512xf32, #tpu.memory_space<vmem>>, vector<1x16xf32>,
        %get3A_681 = arith.index_cast %add3A_671 : i32 to index
        %get3A_682 = arith.constant 16 : index
        %get3A_683 = tpu.vector_load %arg8[%get3A_681, %get3A_682] {strides = array<i32>} : memref<32x512xf32, #tpu.memory_space<vmem>>, vector<1x16xf32>,
        %get3A_684 = vector.shape_cast %get3A_683 : vector<1x16xf32> to vector<16xf32>
        %add3A_685 = arith.addf %get3A_684, %get3A_54 : vector<16xf32>
        %swap3A_686 = arith.index_cast %add3A_671 : i32 to index
        %swap3A_687 = arith.constant 16 : index
        %swap3A_688 = tpu.vector_load %arg8[%swap3A_686, %swap3A_687] {strides = array<i32>} : memref<32x512xf32, #tpu.memory_space<vmem>>, vector<1x16xf32>,
        %swap3A_689 = vector.shape_cast %swap3A_688 : vector<1x16xf32> to vector<16xf32>
        %swap3A_690 = vector.shape_cast %add3A_685 : vector<16xf32> to vector<1x16xf32>
        tpu.vector_store %arg8[%swap3A_686, %swap3A_687], %swap3A_690 {strides = array<i32>} : memref<32x512xf32, #tpu.memory_space<vmem>>, vector<1x16xf32>,
        %get3A_691 = arith.index_cast %add3A_671 : i32 to index
        %get3A_692 = arith.constant 32 : index
        %get3A_693 = tpu.vector_load %arg8[%get3A_691, %get3A_692] {strides = array<i32>} : memref<32x512xf32, #tpu.memory_space<vmem>>, vector<1x16xf32>,
        %get3A_694 = vector.shape_cast %get3A_693 : vector<1x16xf32> to vector<16xf32>
        %add3A_695 = arith.addf %get3A_694, %get3A_58 : vector<16xf32>
        %swap3A_696 = arith.index_cast %add3A_671 : i32 to index
        %swap3A_697 = arith.constant 32 : index
        %swap3A_698 = tpu.vector_load %arg8[%swap3A_696, %swap3A_697] {strides = array<i32>} : memref<32x512xf32, #tpu.memory_space<vmem>>, vector<1x16xf32>,
        %swap3A_699 = vector.shape_cast %swap3A_698 : vector<1x16xf32> to vector<16xf32>
        %swap3A_700 = vector.shape_cast %add3A_695 : vector<16xf32> to vector<1x16xf32>
        tpu.vector_store %arg8[%swap3A_696, %swap3A_697], %swap3A_700 {strides = array<i32>} : memref<32x512xf32, #tpu.memory_space<vmem>>, vector<1x16xf32>,
        %get3A_701 = arith.index_cast %add3A_671 : i32 to index
        %get3A_702 = arith.constant 48 : index
        %get3A_703 = tpu.vector_load %arg8[%get3A_701, %get3A_702] {strides = array<i32>} : memref<32x512xf32, #tpu.memory_space<vmem>>, vector<1x16xf32>,
        %get3A_704 = vector.shape_cast %get3A_703 : vector<1x16xf32> to vector<16xf32>
        %add3A_705 = arith.addf %get3A_704, %get3A_62 : vector<16xf32>
        %swap3A_706 = arith.index_cast %add3A_671 : i32 to index
        %swap3A_707 = arith.constant 48 : index
        %swap3A_708 = tpu.vector_load %arg8[%swap3A_706, %swap3A_707] {strides = array<i32>} : memref<32x512xf32, #tpu.memory_space<vmem>>, vector<1x16xf32>,
        %swap3A_709 = vector.shape_cast %swap3A_708 : vector<1x16xf32> to vector<16xf32>
        %swap3A_710 = vector.shape_cast %add3A_705 : vector<16xf32> to vector<1x16xf32>
        tpu.vector_store %arg8[%swap3A_706, %swap3A_707], %swap3A_710 {strides = array<i32>} : memref<32x512xf32, #tpu.memory_space<vmem>>, vector<1x16xf32>,
        %get3A_711 = arith.index_cast %add3A_671 : i32 to index
        %get3A_712 = arith.constant 64 : index
        %get3A_713 = tpu.vector_load %arg8[%get3A_711, %get3A_712] {strides = array<i32>} : memref<32x512xf32, #tpu.memory_space<vmem>>, vector<1x16xf32>,
        %get3A_714 = vector.shape_cast %get3A_713 : vector<1x16xf32> to vector<16xf32>
        %add3A_715 = arith.addf %get3A_714, %get3A_66 : vector<16xf32>
        %swap3A_716 = arith.index_cast %add3A_671 : i32 to index
        %swap3A_717 = arith.constant 64 : index
        %swap3A_718 = tpu.vector_load %arg8[%swap3A_716, %swap3A_717] {strides = array<i32>} : memref<32x512xf32, #tpu.memory_space<vmem>>, vector<1x16xf32>,
        %swap3A_719 = vector.shape_cast %swap3A_718 : vector<1x16xf32> to vector<16xf32>
        %swap3A_720 = vector.shape_cast %add3A_715 : vector<16xf32> to vector<1x16xf32>
        tpu.vector_store %arg8[%swap3A_716, %swap3A_717], %swap3A_720 {strides = array<i32>} : memref<32x512xf32, #tpu.memory_space<vmem>>, vector<1x16xf32>,
        %get3A_721 = arith.index_cast %add3A_671 : i32 to index
        %get3A_722 = arith.constant 80 : index
        %get3A_723 = tpu.vector_load %arg8[%get3A_721, %get3A_722] {strides = array<i32>} : memref<32x512xf32, #tpu.memory_space<vmem>>, vector<1x16xf32>,
        %get3A_724 = vector.shape_cast %get3A_723 : vector<1x16xf32> to vector<16xf32>
        %add3A_725 = arith.addf %get3A_724, %get3A_70 : vector<16xf32>
        %swap3A_726 = arith.index_cast %add3A_671 : i32 to index
        %swap3A_727 = arith.constant 80 : index
        %swap3A_728 = tpu.vector_load %arg8[%swap3A_726, %swap3A_727] {strides = array<i32>} : memref<32x512xf32, #tpu.memory_space<vmem>>, vector<1x16xf32>,
        %swap3A_729 = vector.shape_cast %swap3A_728 : vector<1x16xf32> to vector<16xf32>
        %swap3A_730 = vector.shape_cast %add3A_725 : vector<16xf32> to vector<1x16xf32>
        tpu.vector_store %arg8[%swap3A_726, %swap3A_727], %swap3A_730 {strides = array<i32>} : memref<32x512xf32, #tpu.memory_space<vmem>>, vector<1x16xf32>,
        %get3A_731 = arith.index_cast %add3A_671 : i32 to index
        %get3A_732 = arith.constant 96 : index
        %get3A_733 = tpu.vector_load %arg8[%get3A_731, %get3A_732] {strides = array<i32>} : memref<32x512xf32, #tpu.memory_space<vmem>>, vector<1x16xf32>,
        %get3A_734 = vector.shape_cast %get3A_733 : vector<1x16xf32> to vector<16xf32>
        %add3A_735 = arith.addf %get3A_734, %get3A_74 : vector<16xf32>
        %swap3A_736 = arith.index_cast %add3A_671 : i32 to index
        %swap3A_737 = arith.constant 96 : index
        %swap3A_738 = tpu.vector_load %arg8[%swap3A_736, %swap3A_737] {strides = array<i32>} : memref<32x512xf32, #tpu.memory_space<vmem>>, vector<1x16xf32>,
        %swap3A_739 = vector.shape_cast %swap3A_738 : vector<1x16xf32> to vector<16xf32>
        %swap3A_740 = vector.shape_cast %add3A_735 : vector<16xf32> to vector<1x16xf32>
        tpu.vector_store %arg8[%swap3A_736, %swap3A_737], %swap3A_740 {strides = array<i32>} : memref<32x512xf32, #tpu.memory_space<vmem>>, vector<1x16xf32>,
        %get3A_741 = arith.index_cast %add3A_671 : i32 to index
        %get3A_742 = arith.constant 112 : index
        %get3A_743 = tpu.vector_load %arg8[%get3A_741, %get3A_742] {strides = array<i32>} : memref<32x512xf32, #tpu.memory_space<vmem>>, vector<1x16xf32>,
        %get3A_744 = vector.shape_cast %get3A_743 : vector<1x16xf32> to vector<16xf32>
        %add3A_745 = arith.addf %get3A_744, %get3A_78 : vector<16xf32>
        %swap3A_746 = arith.index_cast %add3A_671 : i32 to index
        %swap3A_747 = arith.constant 112 : index
        %swap3A_748 = tpu.vector_load %arg8[%swap3A_746, %swap3A_747] {strides = array<i32>} : memref<32x512xf32, #tpu.memory_space<vmem>>, vector<1x16xf32>,
        %swap3A_749 = vector.shape_cast %swap3A_748 : vector<1x16xf32> to vector<16xf32>
        %swap3A_750 = vector.shape_cast %add3A_745 : vector<16xf32> to vector<1x16xf32>
        tpu.vector_store %arg8[%swap3A_746, %swap3A_747], %swap3A_750 {strides = array<i32>} : memref<32x512xf32, #tpu.memory_space<vmem>>, vector<1x16xf32>,
        %get3A_751 = arith.index_cast %add3A_671 : i32 to index
        %get3A_752 = arith.constant 128 : index
        %get3A_753 = tpu.vector_load %arg8[%get3A_751, %get3A_752] {strides = array<i32>} : memref<32x512xf32, #tpu.memory_space<vmem>>, vector<1x16xf32>,
        %get3A_754 = vector.shape_cast %get3A_753 : vector<1x16xf32> to vector<16xf32>
        %add3A_755 = arith.addf %get3A_754, %get3A_82 : vector<16xf32>
        %swap3A_756 = arith.index_cast %add3A_671 : i32 to index
        %swap3A_757 = arith.constant 128 : index
        %swap3A_758 = tpu.vector_load %arg8[%swap3A_756, %swap3A_757] {strides = array<i32>} : memref<32x512xf32, #tpu.memory_space<vmem>>, vector<1x16xf32>,
        %swap3A_759 = vector.shape_cast %swap3A_758 : vector<1x16xf32> to vector<16xf32>
        %swap3A_760 = vector.shape_cast %add3A_755 : vector<16xf32> to vector<1x16xf32>
        tpu.vector_store %arg8[%swap3A_756, %swap3A_757], %swap3A_760 {strides = array<i32>} : memref<32x512xf32, #tpu.memory_space<vmem>>, vector<1x16xf32>,
        %get3A_761 = arith.index_cast %add3A_671 : i32 to index
        %get3A_762 = arith.constant 144 : index
        %get3A_763 = tpu.vector_load %arg8[%get3A_761, %get3A_762] {strides = array<i32>} : memref<32x512xf32, #tpu.memory_space<vmem>>, vector<1x16xf32>,
        %get3A_764 = vector.shape_cast %get3A_763 : vector<1x16xf32> to vector<16xf32>
        %add3A_765 = arith.addf %get3A_764, %get3A_86 : vector<16xf32>
        %swap3A_766 = arith.index_cast %add3A_671 : i32 to index
        %swap3A_767 = arith.constant 144 : index
        %swap3A_768 = tpu.vector_load %arg8[%swap3A_766, %swap3A_767] {strides = array<i32>} : memref<32x512xf32, #tpu.memory_space<vmem>>, vector<1x16xf32>,
        %swap3A_769 = vector.shape_cast %swap3A_768 : vector<1x16xf32> to vector<16xf32>
        %swap3A_770 = vector.shape_cast %add3A_765 : vector<16xf32> to vector<1x16xf32>
        tpu.vector_store %arg8[%swap3A_766, %swap3A_767], %swap3A_770 {strides = array<i32>} : memref<32x512xf32, #tpu.memory_space<vmem>>, vector<1x16xf32>,
        %get3A_771 = arith.index_cast %add3A_671 : i32 to index
        %get3A_772 = arith.constant 160 : index
        %get3A_773 = tpu.vector_load %arg8[%get3A_771, %get3A_772] {strides = array<i32>} : memref<32x512xf32, #tpu.memory_space<vmem>>, vector<1x16xf32>,
        %get3A_774 = vector.shape_cast %get3A_773 : vector<1x16xf32> to vector<16xf32>
        %add3A_775 = arith.addf %get3A_774, %get3A_90 : vector<16xf32>
        %swap3A_776 = arith.index_cast %add3A_671 : i32 to index
        %swap3A_777 = arith.constant 160 : index
        %swap3A_778 = tpu.vector_load %arg8[%swap3A_776, %swap3A_777] {strides = array<i32>} : memref<32x512xf32, #tpu.memory_space<vmem>>, vector<1x16xf32>,
        %swap3A_779 = vector.shape_cast %swap3A_778 : vector<1x16xf32> to vector<16xf32>
        %swap3A_780 = vector.shape_cast %add3A_775 : vector<16xf32> to vector<1x16xf32>
        tpu.vector_store %arg8[%swap3A_776, %swap3A_777], %swap3A_780 {strides = array<i32>} : memref<32x512xf32, #tpu.memory_space<vmem>>, vector<1x16xf32>,
        %get3A_781 = arith.index_cast %add3A_671 : i32 to index
        %get3A_782 = arith.constant 176 : index
        %get3A_783 = tpu.vector_load %arg8[%get3A_781, %get3A_782] {strides = array<i32>} : memref<32x512xf32, #tpu.memory_space<vmem>>, vector<1x16xf32>,
        %get3A_784 = vector.shape_cast %get3A_783 : vector<1x16xf32> to vector<16xf32>
        %add3A_785 = arith.addf %get3A_784, %get3A_94 : vector<16xf32>
        %swap3A_786 = arith.index_cast %add3A_671 : i32 to index
        %swap3A_787 = arith.constant 176 : index
        %swap3A_788 = tpu.vector_load %arg8[%swap3A_786, %swap3A_787] {strides = array<i32>} : memref<32x512xf32, #tpu.memory_space<vmem>>, vector<1x16xf32>,
        %swap3A_789 = vector.shape_cast %swap3A_788 : vector<1x16xf32> to vector<16xf32>
        %swap3A_790 = vector.shape_cast %add3A_785 : vector<16xf32> to vector<1x16xf32>
        tpu.vector_store %arg8[%swap3A_786, %swap3A_787], %swap3A_790 {strides = array<i32>} : memref<32x512xf32, #tpu.memory_space<vmem>>, vector<1x16xf32>,
        %get3A_791 = arith.index_cast %add3A_671 : i32 to index
        %get3A_792 = arith.constant 192 : index
        %get3A_793 = tpu.vector_load %arg8[%get3A_791, %get3A_792] {strides = array<i32>} : memref<32x512xf32, #tpu.memory_space<vmem>>, vector<1x16xf32>,
        %get3A_794 = vector.shape_cast %get3A_793 : vector<1x16xf32> to vector<16xf32>
        %add3A_795 = arith.addf %get3A_794, %get3A_98 : vector<16xf32>
        %swap3A_796 = arith.index_cast %add3A_671 : i32 to index
        %swap3A_797 = arith.constant 192 : index
        %swap3A_798 = tpu.vector_load %arg8[%swap3A_796, %swap3A_797] {strides = array<i32>} : memref<32x512xf32, #tpu.memory_space<vmem>>, vector<1x16xf32>,
        %swap3A_799 = vector.shape_cast %swap3A_798 : vector<1x16xf32> to vector<16xf32>
        %swap3A_800 = vector.shape_cast %add3A_795 : vector<16xf32> to vector<1x16xf32>
        tpu.vector_store %arg8[%swap3A_796, %swap3A_797], %swap3A_800 {strides = array<i32>} : memref<32x512xf32, #tpu.memory_space<vmem>>, vector<1x16xf32>,
        %get3A_801 = arith.index_cast %add3A_671 : i32 to index
        %get3A_802 = arith.constant 208 : index
        %get3A_803 = tpu.vector_load %arg8[%get3A_801, %get3A_802] {strides = array<i32>} : memref<32x512xf32, #tpu.memory_space<vmem>>, vector<1x16xf32>,
        %get3A_804 = vector.shape_cast %get3A_803 : vector<1x16xf32> to vector<16xf32>
        %add3A_805 = arith.addf %get3A_804, %get3A_102 : vector<16xf32>
        %swap3A_806 = arith.index_cast %add3A_671 : i32 to index
        %swap3A_807 = arith.constant 208 : index
        %swap3A_808 = tpu.vector_load %arg8[%swap3A_806, %swap3A_807] {strides = array<i32>} : memref<32x512xf32, #tpu.memory_space<vmem>>, vector<1x16xf32>,
        %swap3A_809 = vector.shape_cast %swap3A_808 : vector<1x16xf32> to vector<16xf32>
        %swap3A_810 = vector.shape_cast %add3A_805 : vector<16xf32> to vector<1x16xf32>
        tpu.vector_store %arg8[%swap3A_806, %swap3A_807], %swap3A_810 {strides = array<i32>} : memref<32x512xf32, #tpu.memory_space<vmem>>, vector<1x16xf32>,
        %get3A_811 = arith.index_cast %add3A_671 : i32 to index
        %get3A_812 = arith.constant 224 : index
        %get3A_813 = tpu.vector_load %arg8[%get3A_811, %get3A_812] {strides = array<i32>} : memref<32x512xf32, #tpu.memory_space<vmem>>, vector<1x16xf32>,
        %get3A_814 = vector.shape_cast %get3A_813 : vector<1x16xf32> to vector<16xf32>
        %add3A_815 = arith.addf %get3A_814, %get3A_106 : vector<16xf32>
        %swap3A_816 = arith.index_cast %add3A_671 : i32 to index
        %swap3A_817 = arith.constant 224 : index
        %swap3A_818 = tpu.vector_load %arg8[%swap3A_816, %swap3A_817] {strides = array<i32>} : memref<32x512xf32, #tpu.memory_space<vmem>>, vector<1x16xf32>,
        %swap3A_819 = vector.shape_cast %swap3A_818 : vector<1x16xf32> to vector<16xf32>
        %swap3A_820 = vector.shape_cast %add3A_815 : vector<16xf32> to vector<1x16xf32>
        tpu.vector_store %arg8[%swap3A_816, %swap3A_817], %swap3A_820 {strides = array<i32>} : memref<32x512xf32, #tpu.memory_space<vmem>>, vector<1x16xf32>,
        %get3A_821 = arith.index_cast %add3A_671 : i32 to index
        %get3A_822 = arith.constant 240 : index
        %get3A_823 = tpu.vector_load %arg8[%get3A_821, %get3A_822] {strides = array<i32>} : memref<32x512xf32, #tpu.memory_space<vmem>>, vector<1x16xf32>,
        %get3A_824 = vector.shape_cast %get3A_823 : vector<1x16xf32> to vector<16xf32>
        %add3A_825 = arith.addf %get3A_824, %get3A_110 : vector<16xf32>
        %swap3A_826 = arith.index_cast %add3A_671 : i32 to index
        %swap3A_827 = arith.constant 240 : index
        %swap3A_828 = tpu.vector_load %arg8[%swap3A_826, %swap3A_827] {strides = array<i32>} : memref<32x512xf32, #tpu.memory_space<vmem>>, vector<1x16xf32>,
        %swap3A_829 = vector.shape_cast %swap3A_828 : vector<1x16xf32> to vector<16xf32>
        %swap3A_830 = vector.shape_cast %add3A_825 : vector<16xf32> to vector<1x16xf32>
        tpu.vector_store %arg8[%swap3A_826, %swap3A_827], %swap3A_830 {strides = array<i32>} : memref<32x512xf32, #tpu.memory_space<vmem>>, vector<1x16xf32>,
        %get3A_831 = arith.index_cast %add3A_671 : i32 to index
        %get3A_832 = arith.constant 256 : index
        %get3A_833 = tpu.vector_load %arg8[%get3A_831, %get3A_832] {strides = array<i32>} : memref<32x512xf32, #tpu.memory_space<vmem>>, vector<1x16xf32>,
        %get3A_834 = vector.shape_cast %get3A_833 : vector<1x16xf32> to vector<16xf32>
        %add3A_835 = arith.addf %get3A_834, %get3A_114 : vector<16xf32>
        %swap3A_836 = arith.index_cast %add3A_671 : i32 to index
        %swap3A_837 = arith.constant 256 : index
        %swap3A_838 = tpu.vector_load %arg8[%swap3A_836, %swap3A_837] {strides = array<i32>} : memref<32x512xf32, #tpu.memory_space<vmem>>, vector<1x16xf32>,
        %swap3A_839 = vector.shape_cast %swap3A_838 : vector<1x16xf32> to vector<16xf32>
        %swap3A_840 = vector.shape_cast %add3A_835 : vector<16xf32> to vector<1x16xf32>
        tpu.vector_store %arg8[%swap3A_836, %swap3A_837], %swap3A_840 {strides = array<i32>} : memref<32x512xf32, #tpu.memory_space<vmem>>, vector<1x16xf32>,
        %get3A_841 = arith.index_cast %add3A_671 : i32 to index
        %get3A_842 = arith.constant 272 : index
        %get3A_843 = tpu.vector_load %arg8[%get3A_841, %get3A_842] {strides = array<i32>} : memref<32x512xf32, #tpu.memory_space<vmem>>, vector<1x16xf32>,
        %get3A_844 = vector.shape_cast %get3A_843 : vector<1x16xf32> to vector<16xf32>
        %add3A_845 = arith.addf %get3A_844, %get3A_118 : vector<16xf32>
        %swap3A_846 = arith.index_cast %add3A_671 : i32 to index
        %swap3A_847 = arith.constant 272 : index
        %swap3A_848 = tpu.vector_load %arg8[%swap3A_846, %swap3A_847] {strides = array<i32>} : memref<32x512xf32, #tpu.memory_space<vmem>>, vector<1x16xf32>,
        %swap3A_849 = vector.shape_cast %swap3A_848 : vector<1x16xf32> to vector<16xf32>
        %swap3A_850 = vector.shape_cast %add3A_845 : vector<16xf32> to vector<1x16xf32>
        tpu.vector_store %arg8[%swap3A_846, %swap3A_847], %swap3A_850 {strides = array<i32>} : memref<32x512xf32, #tpu.memory_space<vmem>>, vector<1x16xf32>,
        %get3A_851 = arith.index_cast %add3A_671 : i32 to index
        %get3A_852 = arith.constant 288 : index
        %get3A_853 = tpu.vector_load %arg8[%get3A_851, %get3A_852] {strides = array<i32>} : memref<32x512xf32, #tpu.memory_space<vmem>>, vector<1x16xf32>,
        %get3A_854 = vector.shape_cast %get3A_853 : vector<1x16xf32> to vector<16xf32>
        %add3A_855 = arith.addf %get3A_854, %get3A_122 : vector<16xf32>
        %swap3A_856 = arith.index_cast %add3A_671 : i32 to index
        %swap3A_857 = arith.constant 288 : index
        %swap3A_858 = tpu.vector_load %arg8[%swap3A_856, %swap3A_857] {strides = array<i32>} : memref<32x512xf32, #tpu.memory_space<vmem>>, vector<1x16xf32>,
        %swap3A_859 = vector.shape_cast %swap3A_858 : vector<1x16xf32> to vector<16xf32>
        %swap3A_860 = vector.shape_cast %add3A_855 : vector<16xf32> to vector<1x16xf32>
        tpu.vector_store %arg8[%swap3A_856, %swap3A_857], %swap3A_860 {strides = array<i32>} : memref<32x512xf32, #tpu.memory_space<vmem>>, vector<1x16xf32>,
        %get3A_861 = arith.index_cast %add3A_671 : i32 to index
        %get3A_862 = arith.constant 304 : index
        %get3A_863 = tpu.vector_load %arg8[%get3A_861, %get3A_862] {strides = array<i32>} : memref<32x512xf32, #tpu.memory_space<vmem>>, vector<1x16xf32>,
        %get3A_864 = vector.shape_cast %get3A_863 : vector<1x16xf32> to vector<16xf32>
        %add3A_865 = arith.addf %get3A_864, %get3A_126 : vector<16xf32>
        %swap3A_866 = arith.index_cast %add3A_671 : i32 to index
        %swap3A_867 = arith.constant 304 : index
        %swap3A_868 = tpu.vector_load %arg8[%swap3A_866, %swap3A_867] {strides = array<i32>} : memref<32x512xf32, #tpu.memory_space<vmem>>, vector<1x16xf32>,
        %swap3A_869 = vector.shape_cast %swap3A_868 : vector<1x16xf32> to vector<16xf32>
        %swap3A_870 = vector.shape_cast %add3A_865 : vector<16xf32> to vector<1x16xf32>
        tpu.vector_store %arg8[%swap3A_866, %swap3A_867], %swap3A_870 {strides = array<i32>} : memref<32x512xf32, #tpu.memory_space<vmem>>, vector<1x16xf32>,
        %get3A_871 = arith.index_cast %add3A_671 : i32 to index
        %get3A_872 = arith.constant 320 : index
        %get3A_873 = tpu.vector_load %arg8[%get3A_871, %get3A_872] {strides = array<i32>} : memref<32x512xf32, #tpu.memory_space<vmem>>, vector<1x16xf32>,
        %get3A_874 = vector.shape_cast %get3A_873 : vector<1x16xf32> to vector<16xf32>
        %add3A_875 = arith.addf %get3A_874, %get3A_130 : vector<16xf32>
        %swap3A_876 = arith.index_cast %add3A_671 : i32 to index
        %swap3A_877 = arith.constant 320 : index
        %swap3A_878 = tpu.vector_load %arg8[%swap3A_876, %swap3A_877] {strides = array<i32>} : memref<32x512xf32, #tpu.memory_space<vmem>>, vector<1x16xf32>,
        %swap3A_879 = vector.shape_cast %swap3A_878 : vector<1x16xf32> to vector<16xf32>
        %swap3A_880 = vector.shape_cast %add3A_875 : vector<16xf32> to vector<1x16xf32>
        tpu.vector_store %arg8[%swap3A_876, %swap3A_877], %swap3A_880 {strides = array<i32>} : memref<32x512xf32, #tpu.memory_space<vmem>>, vector<1x16xf32>,
        %get3A_881 = arith.index_cast %add3A_671 : i32 to index
        %get3A_882 = arith.constant 336 : index
        %get3A_883 = tpu.vector_load %arg8[%get3A_881, %get3A_882] {strides = array<i32>} : memref<32x512xf32, #tpu.memory_space<vmem>>, vector<1x16xf32>,
        %get3A_884 = vector.shape_cast %get3A_883 : vector<1x16xf32> to vector<16xf32>
        %add3A_885 = arith.addf %get3A_884, %get3A_134 : vector<16xf32>
        %swap3A_886 = arith.index_cast %add3A_671 : i32 to index
        %swap3A_887 = arith.constant 336 : index
        %swap3A_888 = tpu.vector_load %arg8[%swap3A_886, %swap3A_887] {strides = array<i32>} : memref<32x512xf32, #tpu.memory_space<vmem>>, vector<1x16xf32>,
        %swap3A_889 = vector.shape_cast %swap3A_888 : vector<1x16xf32> to vector<16xf32>
        %swap3A_890 = vector.shape_cast %add3A_885 : vector<16xf32> to vector<1x16xf32>
        tpu.vector_store %arg8[%swap3A_886, %swap3A_887], %swap3A_890 {strides = array<i32>} : memref<32x512xf32, #tpu.memory_space<vmem>>, vector<1x16xf32>,
        %get3A_891 = arith.index_cast %add3A_671 : i32 to index
        %get3A_892 = arith.constant 352 : index
        %get3A_893 = tpu.vector_load %arg8[%get3A_891, %get3A_892] {strides = array<i32>} : memref<32x512xf32, #tpu.memory_space<vmem>>, vector<1x16xf32>,
        %get3A_894 = vector.shape_cast %get3A_893 : vector<1x16xf32> to vector<16xf32>
        %add3A_895 = arith.addf %get3A_894, %get3A_138 : vector<16xf32>
        %swap3A_896 = arith.index_cast %add3A_671 : i32 to index
        %swap3A_897 = arith.constant 352 : index
        %swap3A_898 = tpu.vector_load %arg8[%swap3A_896, %swap3A_897] {strides = array<i32>} : memref<32x512xf32, #tpu.memory_space<vmem>>, vector<1x16xf32>,
        %swap3A_899 = vector.shape_cast %swap3A_898 : vector<1x16xf32> to vector<16xf32>
        %swap3A_900 = vector.shape_cast %add3A_895 : vector<16xf32> to vector<1x16xf32>
        tpu.vector_store %arg8[%swap3A_896, %swap3A_897], %swap3A_900 {strides = array<i32>} : memref<32x512xf32, #tpu.memory_space<vmem>>, vector<1x16xf32>,
        %get3A_901 = arith.index_cast %add3A_671 : i32 to index
        %get3A_902 = arith.constant 368 : index
        %get3A_903 = tpu.vector_load %arg8[%get3A_901, %get3A_902] {strides = array<i32>} : memref<32x512xf32, #tpu.memory_space<vmem>>, vector<1x16xf32>,
        %get3A_904 = vector.shape_cast %get3A_903 : vector<1x16xf32> to vector<16xf32>
        %add3A_905 = arith.addf %get3A_904, %get3A_142 : vector<16xf32>
        %swap3A_906 = arith.index_cast %add3A_671 : i32 to index
        %swap3A_907 = arith.constant 368 : index
        %swap3A_908 = tpu.vector_load %arg8[%swap3A_906, %swap3A_907] {strides = array<i32>} : memref<32x512xf32, #tpu.memory_space<vmem>>, vector<1x16xf32>,
        %swap3A_909 = vector.shape_cast %swap3A_908 : vector<1x16xf32> to vector<16xf32>
        %swap3A_910 = vector.shape_cast %add3A_905 : vector<16xf32> to vector<1x16xf32>
        tpu.vector_store %arg8[%swap3A_906, %swap3A_907], %swap3A_910 {strides = array<i32>} : memref<32x512xf32, #tpu.memory_space<vmem>>, vector<1x16xf32>,
        %get3A_911 = arith.index_cast %add3A_671 : i32 to index
        %get3A_912 = arith.constant 384 : index
        %get3A_913 = tpu.vector_load %arg8[%get3A_911, %get3A_912] {strides = array<i32>} : memref<32x512xf32, #tpu.memory_space<vmem>>, vector<1x16xf32>,
        %get3A_914 = vector.shape_cast %get3A_913 : vector<1x16xf32> to vector<16xf32>
        %add3A_915 = arith.addf %get3A_914, %get3A_146 : vector<16xf32>
        %swap3A_916 = arith.index_cast %add3A_671 : i32 to index
        %swap3A_917 = arith.constant 384 : index
        %swap3A_918 = tpu.vector_load %arg8[%swap3A_916, %swap3A_917] {strides = array<i32>} : memref<32x512xf32, #tpu.memory_space<vmem>>, vector<1x16xf32>,
        %swap3A_919 = vector.shape_cast %swap3A_918 : vector<1x16xf32> to vector<16xf32>
        %swap3A_920 = vector.shape_cast %add3A_915 : vector<16xf32> to vector<1x16xf32>
        tpu.vector_store %arg8[%swap3A_916, %swap3A_917], %swap3A_920 {strides = array<i32>} : memref<32x512xf32, #tpu.memory_space<vmem>>, vector<1x16xf32>,
        %get3A_921 = arith.index_cast %add3A_671 : i32 to index
        %get3A_922 = arith.constant 400 : index
        %get3A_923 = tpu.vector_load %arg8[%get3A_921, %get3A_922] {strides = array<i32>} : memref<32x512xf32, #tpu.memory_space<vmem>>, vector<1x16xf32>,
        %get3A_924 = vector.shape_cast %get3A_923 : vector<1x16xf32> to vector<16xf32>
        %add3A_925 = arith.addf %get3A_924, %get3A_150 : vector<16xf32>
        %swap3A_926 = arith.index_cast %add3A_671 : i32 to index
        %swap3A_927 = arith.constant 400 : index
        %swap3A_928 = tpu.vector_load %arg8[%swap3A_926, %swap3A_927] {strides = array<i32>} : memref<32x512xf32, #tpu.memory_space<vmem>>, vector<1x16xf32>,
        %swap3A_929 = vector.shape_cast %swap3A_928 : vector<1x16xf32> to vector<16xf32>
        %swap3A_930 = vector.shape_cast %add3A_925 : vector<16xf32> to vector<1x16xf32>
        tpu.vector_store %arg8[%swap3A_926, %swap3A_927], %swap3A_930 {strides = array<i32>} : memref<32x512xf32, #tpu.memory_space<vmem>>, vector<1x16xf32>,
        %get3A_931 = arith.index_cast %add3A_671 : i32 to index
        %get3A_932 = arith.constant 416 : index
        %get3A_933 = tpu.vector_load %arg8[%get3A_931, %get3A_932] {strides = array<i32>} : memref<32x512xf32, #tpu.memory_space<vmem>>, vector<1x16xf32>,
        %get3A_934 = vector.shape_cast %get3A_933 : vector<1x16xf32> to vector<16xf32>
        %add3A_935 = arith.addf %get3A_934, %get3A_154 : vector<16xf32>
        %swap3A_936 = arith.index_cast %add3A_671 : i32 to index
        %swap3A_937 = arith.constant 416 : index
        %swap3A_938 = tpu.vector_load %arg8[%swap3A_936, %swap3A_937] {strides = array<i32>} : memref<32x512xf32, #tpu.memory_space<vmem>>, vector<1x16xf32>,
        %swap3A_939 = vector.shape_cast %swap3A_938 : vector<1x16xf32> to vector<16xf32>
        %swap3A_940 = vector.shape_cast %add3A_935 : vector<16xf32> to vector<1x16xf32>
        tpu.vector_store %arg8[%swap3A_936, %swap3A_937], %swap3A_940 {strides = array<i32>} : memref<32x512xf32, #tpu.memory_space<vmem>>, vector<1x16xf32>,
        %get3A_941 = arith.index_cast %add3A_671 : i32 to index
        %get3A_942 = arith.constant 432 : index
        %get3A_943 = tpu.vector_load %arg8[%get3A_941, %get3A_942] {strides = array<i32>} : memref<32x512xf32, #tpu.memory_space<vmem>>, vector<1x16xf32>,
        %get3A_944 = vector.shape_cast %get3A_943 : vector<1x16xf32> to vector<16xf32>
        %add3A_945 = arith.addf %get3A_944, %get3A_158 : vector<16xf32>
        %swap3A_946 = arith.index_cast %add3A_671 : i32 to index
        %swap3A_947 = arith.constant 432 : index
        %swap3A_948 = tpu.vector_load %arg8[%swap3A_946, %swap3A_947] {strides = array<i32>} : memref<32x512xf32, #tpu.memory_space<vmem>>, vector<1x16xf32>,
        %swap3A_949 = vector.shape_cast %swap3A_948 : vector<1x16xf32> to vector<16xf32>
        %swap3A_950 = vector.shape_cast %add3A_945 : vector<16xf32> to vector<1x16xf32>
        tpu.vector_store %arg8[%swap3A_946, %swap3A_947], %swap3A_950 {strides = array<i32>} : memref<32x512xf32, #tpu.memory_space<vmem>>, vector<1x16xf32>,
        %get3A_951 = arith.index_cast %add3A_671 : i32 to index
        %get3A_952 = arith.constant 448 : index
        %get3A_953 = tpu.vector_load %arg8[%get3A_951, %get3A_952] {strides = array<i32>} : memref<32x512xf32, #tpu.memory_space<vmem>>, vector<1x16xf32>,
        %get3A_954 = vector.shape_cast %get3A_953 : vector<1x16xf32> to vector<16xf32>
        %add3A_955 = arith.addf %get3A_954, %get3A_162 : vector<16xf32>
        %swap3A_956 = arith.index_cast %add3A_671 : i32 to index
        %swap3A_957 = arith.constant 448 : index
        %swap3A_958 = tpu.vector_load %arg8[%swap3A_956, %swap3A_957] {strides = array<i32>} : memref<32x512xf32, #tpu.memory_space<vmem>>, vector<1x16xf32>,
        %swap3A_959 = vector.shape_cast %swap3A_958 : vector<1x16xf32> to vector<16xf32>
        %swap3A_960 = vector.shape_cast %add3A_955 : vector<16xf32> to vector<1x16xf32>
        tpu.vector_store %arg8[%swap3A_956, %swap3A_957], %swap3A_960 {strides = array<i32>} : memref<32x512xf32, #tpu.memory_space<vmem>>, vector<1x16xf32>,
        %get3A_961 = arith.index_cast %add3A_671 : i32 to index
        %get3A_962 = arith.constant 464 : index
        %get3A_963 = tpu.vector_load %arg8[%get3A_961, %get3A_962] {strides = array<i32>} : memref<32x512xf32, #tpu.memory_space<vmem>>, vector<1x16xf32>,
        %get3A_964 = vector.shape_cast %get3A_963 : vector<1x16xf32> to vector<16xf32>
        %add3A_965 = arith.addf %get3A_964, %get3A_166 : vector<16xf32>
        %swap3A_966 = arith.index_cast %add3A_671 : i32 to index
        %swap3A_967 = arith.constant 464 : index
        %swap3A_968 = tpu.vector_load %arg8[%swap3A_966, %swap3A_967] {strides = array<i32>} : memref<32x512xf32, #tpu.memory_space<vmem>>, vector<1x16xf32>,
        %swap3A_969 = vector.shape_cast %swap3A_968 : vector<1x16xf32> to vector<16xf32>
        %swap3A_970 = vector.shape_cast %add3A_965 : vector<16xf32> to vector<1x16xf32>
        tpu.vector_store %arg8[%swap3A_966, %swap3A_967], %swap3A_970 {strides = array<i32>} : memref<32x512xf32, #tpu.memory_space<vmem>>, vector<1x16xf32>,
        %get3A_971 = arith.index_cast %add3A_671 : i32 to index
        %get3A_972 = arith.constant 480 : index
        %get3A_973 = tpu.vector_load %arg8[%get3A_971, %get3A_972] {strides = array<i32>} : memref<32x512xf32, #tpu.memory_space<vmem>>, vector<1x16xf32>,
        %get3A_974 = vector.shape_cast %get3A_973 : vector<1x16xf32> to vector<16xf32>
        %add3A_975 = arith.addf %get3A_974, %get3A_170 : vector<16xf32>
        %swap3A_976 = arith.index_cast %add3A_671 : i32 to index
        %swap3A_977 = arith.constant 480 : index
        %swap3A_978 = tpu.vector_load %arg8[%swap3A_976, %swap3A_977] {strides = array<i32>} : memref<32x512xf32, #tpu.memory_space<vmem>>, vector<1x16xf32>,
        %swap3A_979 = vector.shape_cast %swap3A_978 : vector<1x16xf32> to vector<16xf32>
        %swap3A_980 = vector.shape_cast %add3A_975 : vector<16xf32> to vector<1x16xf32>
        tpu.vector_store %arg8[%swap3A_976, %swap3A_977], %swap3A_980 {strides = array<i32>} : memref<32x512xf32, #tpu.memory_space<vmem>>, vector<1x16xf32>,
        %get3A_981 = arith.index_cast %add3A_671 : i32 to index
        %get3A_982 = arith.constant 496 : index
        %get3A_983 = tpu.vector_load %arg8[%get3A_981, %get3A_982] {strides = array<i32>} : memref<32x512xf32, #tpu.memory_space<vmem>>, vector<1x16xf32>,
        %get3A_984 = vector.shape_cast %get3A_983 : vector<1x16xf32> to vector<16xf32>
        %add3A_985 = arith.addf %get3A_984, %get3A_174 : vector<16xf32>
        %swap3A_986 = arith.index_cast %add3A_671 : i32 to index
        %swap3A_987 = arith.constant 496 : index
        %swap3A_988 = tpu.vector_load %arg8[%swap3A_986, %swap3A_987] {strides = array<i32>} : memref<32x512xf32, #tpu.memory_space<vmem>>, vector<1x16xf32>,
        %swap3A_989 = vector.shape_cast %swap3A_988 : vector<1x16xf32> to vector<16xf32>
        %swap3A_990 = vector.shape_cast %add3A_985 : vector<16xf32> to vector<1x16xf32>
        tpu.vector_store %arg8[%swap3A_986, %swap3A_987], %swap3A_990 {strides = array<i32>} : memref<32x512xf32, #tpu.memory_space<vmem>>, vector<1x16xf32>,
      }
      %scan3A_179 = arith.constant 32 : i32
      %mul3A_180 = arith.constant 1024 : i32
      %mul3A_181 = arith.muli %add3A_35, %mul3A_180 : i32
      %add3A_182 = arith.addi %mul3A_181, %mul3A_2 : i32
      %dma_start3A_183 = arith.constant 0 : i32
      %dma_start3A_184 = tpu.memref_slice %arg5[%add3A_182, %dma_start3A_183] : memref<102400x512xf32, #tpu.memory_space<hbm>> -> memref<32x512xf32, #tpu.memory_space<hbm>>
      %dma_start3A_185 = arith.constant 0 : i32
      %dma_start3A_186 = tpu.memref_slice %arg5[%add3A_182, %dma_start3A_185] : memref<102400x512xf32, #tpu.memory_space<hbm>> -> memref<32x512xf32, #tpu.memory_space<hbm>>
      tpu.enqueue_dma source(%arg8 : memref<32x512xf32, #tpu.memory_space<vmem>>) target(%dma_start3A_186 : memref<32x512xf32, #tpu.memory_space<hbm>>) target_semaphore(%arg13 : memref<!tpu.dma_semaphore, #tpu.memory_space<semaphore_mem>>)
      %mul3A_187 = arith.constant 4 : i32
      %mul3A_188 = arith.muli %mul3A_187, %scan3A_31 : i32
      %add3A_189 = arith.constant 1 : i32
      %add3A_190 = arith.addi %mul3A_188, %add3A_189 : i32
      %dma_wait3A_191 = arith.constant 0 : i32
      %dma_wait3A_192 = arith.constant 0 : i32
      %dma_wait3A_193 = tpu.memref_slice %arg3[%dma_wait3A_191, %dma_wait3A_192] : memref<32000x512xf32, #tpu.memory_space<hbm>> -> memref<32x512xf32, #tpu.memory_space<hbm>>
      %dma_wait3A_194 = arith.constant 0 : i32
      %dma_wait3A_195 = arith.constant 0 : i32
      %dma_wait3A_196 = tpu.memref_slice %arg3[%dma_wait3A_194, %dma_wait3A_195] : memref<32000x512xf32, #tpu.memory_space<hbm>> -> memref<32x512xf32, #tpu.memory_space<hbm>>
      tpu.wait_dma2 semaphore(%arg12 : memref<!tpu.dma_semaphore, #tpu.memory_space<semaphore_mem>>) src(%dma_wait3A_196 : memref<32x512xf32, #tpu.memory_space<hbm>>) dst(%arg9 : memref<32x512xf32, #tpu.memory_space<vmem>>)
      %ge3A_197 = arith.constant 2 : i32
      %ge3A_198 = arith.cmpi sge, %add3A_190, %ge3A_197 : i32
      %convert_element_type3A_199 = arith.extui %ge3A_198 : i1 to i32
      %cond3A_200 = arith.constant 0 : i32
      %cond3A_201 = arith.cmpi ne, %convert_element_type3A_199, %cond3A_200 : i32
      scf.if %cond3A_201 {
        %dma_wait3A_667 = arith.constant 0 : i32
        %dma_wait3A_668 = arith.constant 0 : i32
        %dma_wait3A_669 = tpu.memref_slice %arg5[%dma_wait3A_667, %dma_wait3A_668] : memref<102400x512xf32, #tpu.memory_space<hbm>> -> memref<32x512xf32, #tpu.memory_space<hbm>>
        %dma_wait3A_670 = arith.constant 0 : i32
        %dma_wait3A_671 = arith.constant 0 : i32
        %dma_wait3A_672 = tpu.memref_slice %arg5[%dma_wait3A_670, %dma_wait3A_671] : memref<102400x512xf32, #tpu.memory_space<hbm>> -> memref<32x512xf32, #tpu.memory_space<hbm>>
        tpu.wait_dma2 semaphore(%arg13 : memref<!tpu.dma_semaphore, #tpu.memory_space<semaphore_mem>>) src(%arg11 : memref<32x512xf32, #tpu.memory_space<vmem>>) dst(%dma_wait3A_672 : memref<32x512xf32, #tpu.memory_space<hbm>>)
      } else {
      }
      %lt3A_202 = arith.constant 98 : i32
      %lt3A_203 = arith.cmpi slt, %add3A_190, %lt3A_202 : i32
      %convert_element_type3A_204 = arith.extui %lt3A_203 : i1 to i32
      %cond3A_205 = arith.constant 0 : i32
      %cond3A_206 = arith.cmpi ne, %convert_element_type3A_204, %cond3A_205 : i32
      scf.if %cond3A_206 {
        %add3A_667 = arith.constant 2 : i32
        %add3A_668 = arith.addi %add3A_190, %add3A_667 : i32
        %mul3A_669 = arith.constant 32 : i32
        %mul3A_670 = arith.muli %add3A_668, %mul3A_669 : i32
        %dma_start3A_671 = tpu.memref_slice %arg6[%mul3A_670] : memref<3200xi32, #tpu.memory_space<vmem>> -> memref<32xi32, #tpu.memory_space<vmem>>
        %dma_start3A_672 = arith.constant 0 : i32
        %dma_start3A_673 = arith.constant 0 : i32
        %dma_start3A_674 = tpu.memref_slice %arg3[%dma_start3A_672, %dma_start3A_673] : memref<32000x512xf32, #tpu.memory_space<hbm>> -> memref<32000x512xf32, #tpu.memory_space<hbm>>
        tpu.enqueue_indirect_dma source(%dma_start3A_674 : memref<32000x512xf32, #tpu.memory_space<hbm>>) target(%arg11 : memref<32x512xf32, #tpu.memory_space<vmem>>) offsets(%dma_start3A_671 : memref<32xi32, #tpu.memory_space<vmem>>) semaphore(%arg12 : memref<!tpu.dma_semaphore, #tpu.memory_space<semaphore_mem>>)
      } else {
      }
      %get3A_207 = arith.index_cast %add3A_190 : i32 to index
      %get3A_208 = arith.constant 0 : index
      %get3A_209 = tpu.vector_load %arg7[%get3A_207, %get3A_208] {strides = array<i32>} : memref<100x512xf32, #tpu.memory_space<vmem>>, vector<1x16xf32>,
      %get3A_210 = vector.shape_cast %get3A_209 : vector<1x16xf32> to vector<16xf32>
      %get3A_211 = arith.index_cast %add3A_190 : i32 to index
      %get3A_212 = arith.constant 16 : index
      %get3A_213 = tpu.vector_load %arg7[%get3A_211, %get3A_212] {strides = array<i32>} : memref<100x512xf32, #tpu.memory_space<vmem>>, vector<1x16xf32>,
      %get3A_214 = vector.shape_cast %get3A_213 : vector<1x16xf32> to vector<16xf32>
      %get3A_215 = arith.index_cast %add3A_190 : i32 to index
      %get3A_216 = arith.constant 32 : index
      %get3A_217 = tpu.vector_load %arg7[%get3A_215, %get3A_216] {strides = array<i32>} : memref<100x512xf32, #tpu.memory_space<vmem>>, vector<1x16xf32>,
      %get3A_218 = vector.shape_cast %get3A_217 : vector<1x16xf32> to vector<16xf32>
      %get3A_219 = arith.index_cast %add3A_190 : i32 to index
      %get3A_220 = arith.constant 48 : index
      %get3A_221 = tpu.vector_load %arg7[%get3A_219, %get3A_220] {strides = array<i32>} : memref<100x512xf32, #tpu.memory_space<vmem>>, vector<1x16xf32>,
      %get3A_222 = vector.shape_cast %get3A_221 : vector<1x16xf32> to vector<16xf32>
      %get3A_223 = arith.index_cast %add3A_190 : i32 to index
      %get3A_224 = arith.constant 64 : index
      %get3A_225 = tpu.vector_load %arg7[%get3A_223, %get3A_224] {strides = array<i32>} : memref<100x512xf32, #tpu.memory_space<vmem>>, vector<1x16xf32>,
      %get3A_226 = vector.shape_cast %get3A_225 : vector<1x16xf32> to vector<16xf32>
      %get3A_227 = arith.index_cast %add3A_190 : i32 to index
      %get3A_228 = arith.constant 80 : index
      %get3A_229 = tpu.vector_load %arg7[%get3A_227, %get3A_228] {strides = array<i32>} : memref<100x512xf32, #tpu.memory_space<vmem>>, vector<1x16xf32>,
      %get3A_230 = vector.shape_cast %get3A_229 : vector<1x16xf32> to vector<16xf32>
      %get3A_231 = arith.index_cast %add3A_190 : i32 to index
      %get3A_232 = arith.constant 96 : index
      %get3A_233 = tpu.vector_load %arg7[%get3A_231, %get3A_232] {strides = array<i32>} : memref<100x512xf32, #tpu.memory_space<vmem>>, vector<1x16xf32>,
      %get3A_234 = vector.shape_cast %get3A_233 : vector<1x16xf32> to vector<16xf32>
      %get3A_235 = arith.index_cast %add3A_190 : i32 to index
      %get3A_236 = arith.constant 112 : index
      %get3A_237 = tpu.vector_load %arg7[%get3A_235, %get3A_236] {strides = array<i32>} : memref<100x512xf32, #tpu.memory_space<vmem>>, vector<1x16xf32>,
      %get3A_238 = vector.shape_cast %get3A_237 : vector<1x16xf32> to vector<16xf32>
      %get3A_239 = arith.index_cast %add3A_190 : i32 to index
      %get3A_240 = arith.constant 128 : index
      %get3A_241 = tpu.vector_load %arg7[%get3A_239, %get3A_240] {strides = array<i32>} : memref<100x512xf32, #tpu.memory_space<vmem>>, vector<1x16xf32>,
      %get3A_242 = vector.shape_cast %get3A_241 : vector<1x16xf32> to vector<16xf32>
      %get3A_243 = arith.index_cast %add3A_190 : i32 to index
      %get3A_244 = arith.constant 144 : index
      %get3A_245 = tpu.vector_load %arg7[%get3A_243, %get3A_244] {strides = array<i32>} : memref<100x512xf32, #tpu.memory_space<vmem>>, vector<1x16xf32>,
      %get3A_246 = vector.shape_cast %get3A_245 : vector<1x16xf32> to vector<16xf32>
      %get3A_247 = arith.index_cast %add3A_190 : i32 to index
      %get3A_248 = arith.constant 160 : index
      %get3A_249 = tpu.vector_load %arg7[%get3A_247, %get3A_248] {strides = array<i32>} : memref<100x512xf32, #tpu.memory_space<vmem>>, vector<1x16xf32>,
      %get3A_250 = vector.shape_cast %get3A_249 : vector<1x16xf32> to vector<16xf32>
      %get3A_251 = arith.index_cast %add3A_190 : i32 to index
      %get3A_252 = arith.constant 176 : index
      %get3A_253 = tpu.vector_load %arg7[%get3A_251, %get3A_252] {strides = array<i32>} : memref<100x512xf32, #tpu.memory_space<vmem>>, vector<1x16xf32>,
      %get3A_254 = vector.shape_cast %get3A_253 : vector<1x16xf32> to vector<16xf32>
      %get3A_255 = arith.index_cast %add3A_190 : i32 to index
      %get3A_256 = arith.constant 192 : index
      %get3A_257 = tpu.vector_load %arg7[%get3A_255, %get3A_256] {strides = array<i32>} : memref<100x512xf32, #tpu.memory_space<vmem>>, vector<1x16xf32>,
      %get3A_258 = vector.shape_cast %get3A_257 : vector<1x16xf32> to vector<16xf32>
      %get3A_259 = arith.index_cast %add3A_190 : i32 to index
      %get3A_260 = arith.constant 208 : index
      %get3A_261 = tpu.vector_load %arg7[%get3A_259, %get3A_260] {strides = array<i32>} : memref<100x512xf32, #tpu.memory_space<vmem>>, vector<1x16xf32>,
      %get3A_262 = vector.shape_cast %get3A_261 : vector<1x16xf32> to vector<16xf32>
      %get3A_263 = arith.index_cast %add3A_190 : i32 to index
      %get3A_264 = arith.constant 224 : index
      %get3A_265 = tpu.vector_load %arg7[%get3A_263, %get3A_264] {strides = array<i32>} : memref<100x512xf32, #tpu.memory_space<vmem>>, vector<1x16xf32>,
      %get3A_266 = vector.shape_cast %get3A_265 : vector<1x16xf32> to vector<16xf32>
      %get3A_267 = arith.index_cast %add3A_190 : i32 to index
      %get3A_268 = arith.constant 240 : index
      %get3A_269 = tpu.vector_load %arg7[%get3A_267, %get3A_268] {strides = array<i32>} : memref<100x512xf32, #tpu.memory_space<vmem>>, vector<1x16xf32>,
      %get3A_270 = vector.shape_cast %get3A_269 : vector<1x16xf32> to vector<16xf32>
      %get3A_271 = arith.index_cast %add3A_190 : i32 to index
      %get3A_272 = arith.constant 256 : index
      %get3A_273 = tpu.vector_load %arg7[%get3A_271, %get3A_272] {strides = array<i32>} : memref<100x512xf32, #tpu.memory_space<vmem>>, vector<1x16xf32>,
      %get3A_274 = vector.shape_cast %get3A_273 : vector<1x16xf32> to vector<16xf32>
      %get3A_275 = arith.index_cast %add3A_190 : i32 to index
      %get3A_276 = arith.constant 272 : index
      %get3A_277 = tpu.vector_load %arg7[%get3A_275, %get3A_276] {strides = array<i32>} : memref<100x512xf32, #tpu.memory_space<vmem>>, vector<1x16xf32>,
      %get3A_278 = vector.shape_cast %get3A_277 : vector<1x16xf32> to vector<16xf32>
      %get3A_279 = arith.index_cast %add3A_190 : i32 to index
      %get3A_280 = arith.constant 288 : index
      %get3A_281 = tpu.vector_load %arg7[%get3A_279, %get3A_280] {strides = array<i32>} : memref<100x512xf32, #tpu.memory_space<vmem>>, vector<1x16xf32>,
      %get3A_282 = vector.shape_cast %get3A_281 : vector<1x16xf32> to vector<16xf32>
      %get3A_283 = arith.index_cast %add3A_190 : i32 to index
      %get3A_284 = arith.constant 304 : index
      %get3A_285 = tpu.vector_load %arg7[%get3A_283, %get3A_284] {strides = array<i32>} : memref<100x512xf32, #tpu.memory_space<vmem>>, vector<1x16xf32>,
      %get3A_286 = vector.shape_cast %get3A_285 : vector<1x16xf32> to vector<16xf32>
      %get3A_287 = arith.index_cast %add3A_190 : i32 to index
      %get3A_288 = arith.constant 320 : index
      %get3A_289 = tpu.vector_load %arg7[%get3A_287, %get3A_288] {strides = array<i32>} : memref<100x512xf32, #tpu.memory_space<vmem>>, vector<1x16xf32>,
      %get3A_290 = vector.shape_cast %get3A_289 : vector<1x16xf32> to vector<16xf32>
      %get3A_291 = arith.index_cast %add3A_190 : i32 to index
      %get3A_292 = arith.constant 336 : index
      %get3A_293 = tpu.vector_load %arg7[%get3A_291, %get3A_292] {strides = array<i32>} : memref<100x512xf32, #tpu.memory_space<vmem>>, vector<1x16xf32>,
      %get3A_294 = vector.shape_cast %get3A_293 : vector<1x16xf32> to vector<16xf32>
      %get3A_295 = arith.index_cast %add3A_190 : i32 to index
      %get3A_296 = arith.constant 352 : index
      %get3A_297 = tpu.vector_load %arg7[%get3A_295, %get3A_296] {strides = array<i32>} : memref<100x512xf32, #tpu.memory_space<vmem>>, vector<1x16xf32>,
      %get3A_298 = vector.shape_cast %get3A_297 : vector<1x16xf32> to vector<16xf32>
      %get3A_299 = arith.index_cast %add3A_190 : i32 to index
      %get3A_300 = arith.constant 368 : index
      %get3A_301 = tpu.vector_load %arg7[%get3A_299, %get3A_300] {strides = array<i32>} : memref<100x512xf32, #tpu.memory_space<vmem>>, vector<1x16xf32>,
      %get3A_302 = vector.shape_cast %get3A_301 : vector<1x16xf32> to vector<16xf32>
      %get3A_303 = arith.index_cast %add3A_190 : i32 to index
      %get3A_304 = arith.constant 384 : index
      %get3A_305 = tpu.vector_load %arg7[%get3A_303, %get3A_304] {strides = array<i32>} : memref<100x512xf32, #tpu.memory_space<vmem>>, vector<1x16xf32>,
      %get3A_306 = vector.shape_cast %get3A_305 : vector<1x16xf32> to vector<16xf32>
      %get3A_307 = arith.index_cast %add3A_190 : i32 to index
      %get3A_308 = arith.constant 400 : index
      %get3A_309 = tpu.vector_load %arg7[%get3A_307, %get3A_308] {strides = array<i32>} : memref<100x512xf32, #tpu.memory_space<vmem>>, vector<1x16xf32>,
      %get3A_310 = vector.shape_cast %get3A_309 : vector<1x16xf32> to vector<16xf32>
      %get3A_311 = arith.index_cast %add3A_190 : i32 to index
      %get3A_312 = arith.constant 416 : index
      %get3A_313 = tpu.vector_load %arg7[%get3A_311, %get3A_312] {strides = array<i32>} : memref<100x512xf32, #tpu.memory_space<vmem>>, vector<1x16xf32>,
      %get3A_314 = vector.shape_cast %get3A_313 : vector<1x16xf32> to vector<16xf32>
      %get3A_315 = arith.index_cast %add3A_190 : i32 to index
      %get3A_316 = arith.constant 432 : index
      %get3A_317 = tpu.vector_load %arg7[%get3A_315, %get3A_316] {strides = array<i32>} : memref<100x512xf32, #tpu.memory_space<vmem>>, vector<1x16xf32>,
      %get3A_318 = vector.shape_cast %get3A_317 : vector<1x16xf32> to vector<16xf32>
      %get3A_319 = arith.index_cast %add3A_190 : i32 to index
      %get3A_320 = arith.constant 448 : index
      %get3A_321 = tpu.vector_load %arg7[%get3A_319, %get3A_320] {strides = array<i32>} : memref<100x512xf32, #tpu.memory_space<vmem>>, vector<1x16xf32>,
      %get3A_322 = vector.shape_cast %get3A_321 : vector<1x16xf32> to vector<16xf32>
      %get3A_323 = arith.index_cast %add3A_190 : i32 to index
      %get3A_324 = arith.constant 464 : index
      %get3A_325 = tpu.vector_load %arg7[%get3A_323, %get3A_324] {strides = array<i32>} : memref<100x512xf32, #tpu.memory_space<vmem>>, vector<1x16xf32>,
      %get3A_326 = vector.shape_cast %get3A_325 : vector<1x16xf32> to vector<16xf32>
      %get3A_327 = arith.index_cast %add3A_190 : i32 to index
      %get3A_328 = arith.constant 480 : index
      %get3A_329 = tpu.vector_load %arg7[%get3A_327, %get3A_328] {strides = array<i32>} : memref<100x512xf32, #tpu.memory_space<vmem>>, vector<1x16xf32>,
      %get3A_330 = vector.shape_cast %get3A_329 : vector<1x16xf32> to vector<16xf32>
      %get3A_331 = arith.index_cast %add3A_190 : i32 to index
      %get3A_332 = arith.constant 496 : index
      %get3A_333 = tpu.vector_load %arg7[%get3A_331, %get3A_332] {strides = array<i32>} : memref<100x512xf32, #tpu.memory_space<vmem>>, vector<1x16xf32>,
      %get3A_334 = vector.shape_cast %get3A_333 : vector<1x16xf32> to vector<16xf32>
      %scan3A_335 = arith.constant 0 : i32
      %scan3A_336 = arith.constant 32 : i32
      %scan3A_337 = arith.addi %scan3A_335, %scan3A_336 : i32
      %scan3A_338 = arith.constant 1 : i32
      scf.for %scan3A_667 = %scan3A_335 to %scan3A_337 step %scan3A_338  : i32 {
        %mul3A_668 = arith.constant 1 : i32
        %mul3A_669 = arith.muli %scan3A_667, %mul3A_668 : i32
        %add3A_670 = arith.constant 0 : i32
        %add3A_671 = arith.addi %mul3A_669, %add3A_670 : i32
        %get3A_672 = arith.index_cast %add3A_671 : i32 to index
        %get3A_673 = arith.constant 0 : index
        %get3A_674 = tpu.vector_load %arg9[%get3A_672, %get3A_673] {strides = array<i32>} : memref<32x512xf32, #tpu.memory_space<vmem>>, vector<1x16xf32>,
        %get3A_675 = vector.shape_cast %get3A_674 : vector<1x16xf32> to vector<16xf32>
        %add3A_676 = arith.addf %get3A_675, %get3A_210 : vector<16xf32>
        %swap3A = arith.index_cast %add3A_671 : i32 to index
        %swap3A_677 = arith.constant 0 : index
        %swap3A_678 = tpu.vector_load %arg9[%swap3A, %swap3A_677] {strides = array<i32>} : memref<32x512xf32, #tpu.memory_space<vmem>>, vector<1x16xf32>,
        %swap3A_679 = vector.shape_cast %swap3A_678 : vector<1x16xf32> to vector<16xf32>
        %swap3A_680 = vector.shape_cast %add3A_676 : vector<16xf32> to vector<1x16xf32>
        tpu.vector_store %arg9[%swap3A, %swap3A_677], %swap3A_680 {strides = array<i32>} : memref<32x512xf32, #tpu.memory_space<vmem>>, vector<1x16xf32>,
        %get3A_681 = arith.index_cast %add3A_671 : i32 to index
        %get3A_682 = arith.constant 16 : index
        %get3A_683 = tpu.vector_load %arg9[%get3A_681, %get3A_682] {strides = array<i32>} : memref<32x512xf32, #tpu.memory_space<vmem>>, vector<1x16xf32>,
        %get3A_684 = vector.shape_cast %get3A_683 : vector<1x16xf32> to vector<16xf32>
        %add3A_685 = arith.addf %get3A_684, %get3A_214 : vector<16xf32>
        %swap3A_686 = arith.index_cast %add3A_671 : i32 to index
        %swap3A_687 = arith.constant 16 : index
        %swap3A_688 = tpu.vector_load %arg9[%swap3A_686, %swap3A_687] {strides = array<i32>} : memref<32x512xf32, #tpu.memory_space<vmem>>, vector<1x16xf32>,
        %swap3A_689 = vector.shape_cast %swap3A_688 : vector<1x16xf32> to vector<16xf32>
        %swap3A_690 = vector.shape_cast %add3A_685 : vector<16xf32> to vector<1x16xf32>
        tpu.vector_store %arg9[%swap3A_686, %swap3A_687], %swap3A_690 {strides = array<i32>} : memref<32x512xf32, #tpu.memory_space<vmem>>, vector<1x16xf32>,
        %get3A_691 = arith.index_cast %add3A_671 : i32 to index
        %get3A_692 = arith.constant 32 : index
        %get3A_693 = tpu.vector_load %arg9[%get3A_691, %get3A_692] {strides = array<i32>} : memref<32x512xf32, #tpu.memory_space<vmem>>, vector<1x16xf32>,
        %get3A_694 = vector.shape_cast %get3A_693 : vector<1x16xf32> to vector<16xf32>
        %add3A_695 = arith.addf %get3A_694, %get3A_218 : vector<16xf32>
        %swap3A_696 = arith.index_cast %add3A_671 : i32 to index
        %swap3A_697 = arith.constant 32 : index
        %swap3A_698 = tpu.vector_load %arg9[%swap3A_696, %swap3A_697] {strides = array<i32>} : memref<32x512xf32, #tpu.memory_space<vmem>>, vector<1x16xf32>,
        %swap3A_699 = vector.shape_cast %swap3A_698 : vector<1x16xf32> to vector<16xf32>
        %swap3A_700 = vector.shape_cast %add3A_695 : vector<16xf32> to vector<1x16xf32>
        tpu.vector_store %arg9[%swap3A_696, %swap3A_697], %swap3A_700 {strides = array<i32>} : memref<32x512xf32, #tpu.memory_space<vmem>>, vector<1x16xf32>,
        %get3A_701 = arith.index_cast %add3A_671 : i32 to index
        %get3A_702 = arith.constant 48 : index
        %get3A_703 = tpu.vector_load %arg9[%get3A_701, %get3A_702] {strides = array<i32>} : memref<32x512xf32, #tpu.memory_space<vmem>>, vector<1x16xf32>,
        %get3A_704 = vector.shape_cast %get3A_703 : vector<1x16xf32> to vector<16xf32>
        %add3A_705 = arith.addf %get3A_704, %get3A_222 : vector<16xf32>
        %swap3A_706 = arith.index_cast %add3A_671 : i32 to index
        %swap3A_707 = arith.constant 48 : index
        %swap3A_708 = tpu.vector_load %arg9[%swap3A_706, %swap3A_707] {strides = array<i32>} : memref<32x512xf32, #tpu.memory_space<vmem>>, vector<1x16xf32>,
        %swap3A_709 = vector.shape_cast %swap3A_708 : vector<1x16xf32> to vector<16xf32>
        %swap3A_710 = vector.shape_cast %add3A_705 : vector<16xf32> to vector<1x16xf32>
        tpu.vector_store %arg9[%swap3A_706, %swap3A_707], %swap3A_710 {strides = array<i32>} : memref<32x512xf32, #tpu.memory_space<vmem>>, vector<1x16xf32>,
        %get3A_711 = arith.index_cast %add3A_671 : i32 to index
        %get3A_712 = arith.constant 64 : index
        %get3A_713 = tpu.vector_load %arg9[%get3A_711, %get3A_712] {strides = array<i32>} : memref<32x512xf32, #tpu.memory_space<vmem>>, vector<1x16xf32>,
        %get3A_714 = vector.shape_cast %get3A_713 : vector<1x16xf32> to vector<16xf32>
        %add3A_715 = arith.addf %get3A_714, %get3A_226 : vector<16xf32>
        %swap3A_716 = arith.index_cast %add3A_671 : i32 to index
        %swap3A_717 = arith.constant 64 : index
        %swap3A_718 = tpu.vector_load %arg9[%swap3A_716, %swap3A_717] {strides = array<i32>} : memref<32x512xf32, #tpu.memory_space<vmem>>, vector<1x16xf32>,
        %swap3A_719 = vector.shape_cast %swap3A_718 : vector<1x16xf32> to vector<16xf32>
        %swap3A_720 = vector.shape_cast %add3A_715 : vector<16xf32> to vector<1x16xf32>
        tpu.vector_store %arg9[%swap3A_716, %swap3A_717], %swap3A_720 {strides = array<i32>} : memref<32x512xf32, #tpu.memory_space<vmem>>, vector<1x16xf32>,
        %get3A_721 = arith.index_cast %add3A_671 : i32 to index
        %get3A_722 = arith.constant 80 : index
        %get3A_723 = tpu.vector_load %arg9[%get3A_721, %get3A_722] {strides = array<i32>} : memref<32x512xf32, #tpu.memory_space<vmem>>, vector<1x16xf32>,
        %get3A_724 = vector.shape_cast %get3A_723 : vector<1x16xf32> to vector<16xf32>
        %add3A_725 = arith.addf %get3A_724, %get3A_230 : vector<16xf32>
        %swap3A_726 = arith.index_cast %add3A_671 : i32 to index
        %swap3A_727 = arith.constant 80 : index
        %swap3A_728 = tpu.vector_load %arg9[%swap3A_726, %swap3A_727] {strides = array<i32>} : memref<32x512xf32, #tpu.memory_space<vmem>>, vector<1x16xf32>,
        %swap3A_729 = vector.shape_cast %swap3A_728 : vector<1x16xf32> to vector<16xf32>
        %swap3A_730 = vector.shape_cast %add3A_725 : vector<16xf32> to vector<1x16xf32>
        tpu.vector_store %arg9[%swap3A_726, %swap3A_727], %swap3A_730 {strides = array<i32>} : memref<32x512xf32, #tpu.memory_space<vmem>>, vector<1x16xf32>,
        %get3A_731 = arith.index_cast %add3A_671 : i32 to index
        %get3A_732 = arith.constant 96 : index
        %get3A_733 = tpu.vector_load %arg9[%get3A_731, %get3A_732] {strides = array<i32>} : memref<32x512xf32, #tpu.memory_space<vmem>>, vector<1x16xf32>,
        %get3A_734 = vector.shape_cast %get3A_733 : vector<1x16xf32> to vector<16xf32>
        %add3A_735 = arith.addf %get3A_734, %get3A_234 : vector<16xf32>
        %swap3A_736 = arith.index_cast %add3A_671 : i32 to index
        %swap3A_737 = arith.constant 96 : index
        %swap3A_738 = tpu.vector_load %arg9[%swap3A_736, %swap3A_737] {strides = array<i32>} : memref<32x512xf32, #tpu.memory_space<vmem>>, vector<1x16xf32>,
        %swap3A_739 = vector.shape_cast %swap3A_738 : vector<1x16xf32> to vector<16xf32>
        %swap3A_740 = vector.shape_cast %add3A_735 : vector<16xf32> to vector<1x16xf32>
        tpu.vector_store %arg9[%swap3A_736, %swap3A_737], %swap3A_740 {strides = array<i32>} : memref<32x512xf32, #tpu.memory_space<vmem>>, vector<1x16xf32>,
        %get3A_741 = arith.index_cast %add3A_671 : i32 to index
        %get3A_742 = arith.constant 112 : index
        %get3A_743 = tpu.vector_load %arg9[%get3A_741, %get3A_742] {strides = array<i32>} : memref<32x512xf32, #tpu.memory_space<vmem>>, vector<1x16xf32>,
        %get3A_744 = vector.shape_cast %get3A_743 : vector<1x16xf32> to vector<16xf32>
        %add3A_745 = arith.addf %get3A_744, %get3A_238 : vector<16xf32>
        %swap3A_746 = arith.index_cast %add3A_671 : i32 to index
        %swap3A_747 = arith.constant 112 : index
        %swap3A_748 = tpu.vector_load %arg9[%swap3A_746, %swap3A_747] {strides = array<i32>} : memref<32x512xf32, #tpu.memory_space<vmem>>, vector<1x16xf32>,
        %swap3A_749 = vector.shape_cast %swap3A_748 : vector<1x16xf32> to vector<16xf32>
        %swap3A_750 = vector.shape_cast %add3A_745 : vector<16xf32> to vector<1x16xf32>
        tpu.vector_store %arg9[%swap3A_746, %swap3A_747], %swap3A_750 {strides = array<i32>} : memref<32x512xf32, #tpu.memory_space<vmem>>, vector<1x16xf32>,
        %get3A_751 = arith.index_cast %add3A_671 : i32 to index
        %get3A_752 = arith.constant 128 : index
        %get3A_753 = tpu.vector_load %arg9[%get3A_751, %get3A_752] {strides = array<i32>} : memref<32x512xf32, #tpu.memory_space<vmem>>, vector<1x16xf32>,
        %get3A_754 = vector.shape_cast %get3A_753 : vector<1x16xf32> to vector<16xf32>
        %add3A_755 = arith.addf %get3A_754, %get3A_242 : vector<16xf32>
        %swap3A_756 = arith.index_cast %add3A_671 : i32 to index
        %swap3A_757 = arith.constant 128 : index
        %swap3A_758 = tpu.vector_load %arg9[%swap3A_756, %swap3A_757] {strides = array<i32>} : memref<32x512xf32, #tpu.memory_space<vmem>>, vector<1x16xf32>,
        %swap3A_759 = vector.shape_cast %swap3A_758 : vector<1x16xf32> to vector<16xf32>
        %swap3A_760 = vector.shape_cast %add3A_755 : vector<16xf32> to vector<1x16xf32>
        tpu.vector_store %arg9[%swap3A_756, %swap3A_757], %swap3A_760 {strides = array<i32>} : memref<32x512xf32, #tpu.memory_space<vmem>>, vector<1x16xf32>,
        %get3A_761 = arith.index_cast %add3A_671 : i32 to index
        %get3A_762 = arith.constant 144 : index
        %get3A_763 = tpu.vector_load %arg9[%get3A_761, %get3A_762] {strides = array<i32>} : memref<32x512xf32, #tpu.memory_space<vmem>>, vector<1x16xf32>,
        %get3A_764 = vector.shape_cast %get3A_763 : vector<1x16xf32> to vector<16xf32>
        %add3A_765 = arith.addf %get3A_764, %get3A_246 : vector<16xf32>
        %swap3A_766 = arith.index_cast %add3A_671 : i32 to index
        %swap3A_767 = arith.constant 144 : index
        %swap3A_768 = tpu.vector_load %arg9[%swap3A_766, %swap3A_767] {strides = array<i32>} : memref<32x512xf32, #tpu.memory_space<vmem>>, vector<1x16xf32>,
        %swap3A_769 = vector.shape_cast %swap3A_768 : vector<1x16xf32> to vector<16xf32>
        %swap3A_770 = vector.shape_cast %add3A_765 : vector<16xf32> to vector<1x16xf32>
        tpu.vector_store %arg9[%swap3A_766, %swap3A_767], %swap3A_770 {strides = array<i32>} : memref<32x512xf32, #tpu.memory_space<vmem>>, vector<1x16xf32>,
        %get3A_771 = arith.index_cast %add3A_671 : i32 to index
        %get3A_772 = arith.constant 160 : index
        %get3A_773 = tpu.vector_load %arg9[%get3A_771, %get3A_772] {strides = array<i32>} : memref<32x512xf32, #tpu.memory_space<vmem>>, vector<1x16xf32>,
        %get3A_774 = vector.shape_cast %get3A_773 : vector<1x16xf32> to vector<16xf32>
        %add3A_775 = arith.addf %get3A_774, %get3A_250 : vector<16xf32>
        %swap3A_776 = arith.index_cast %add3A_671 : i32 to index
        %swap3A_777 = arith.constant 160 : index
        %swap3A_778 = tpu.vector_load %arg9[%swap3A_776, %swap3A_777] {strides = array<i32>} : memref<32x512xf32, #tpu.memory_space<vmem>>, vector<1x16xf32>,
        %swap3A_779 = vector.shape_cast %swap3A_778 : vector<1x16xf32> to vector<16xf32>
        %swap3A_780 = vector.shape_cast %add3A_775 : vector<16xf32> to vector<1x16xf32>
        tpu.vector_store %arg9[%swap3A_776, %swap3A_777], %swap3A_780 {strides = array<i32>} : memref<32x512xf32, #tpu.memory_space<vmem>>, vector<1x16xf32>,
        %get3A_781 = arith.index_cast %add3A_671 : i32 to index
        %get3A_782 = arith.constant 176 : index
        %get3A_783 = tpu.vector_load %arg9[%get3A_781, %get3A_782] {strides = array<i32>} : memref<32x512xf32, #tpu.memory_space<vmem>>, vector<1x16xf32>,
        %get3A_784 = vector.shape_cast %get3A_783 : vector<1x16xf32> to vector<16xf32>
        %add3A_785 = arith.addf %get3A_784, %get3A_254 : vector<16xf32>
        %swap3A_786 = arith.index_cast %add3A_671 : i32 to index
        %swap3A_787 = arith.constant 176 : index
        %swap3A_788 = tpu.vector_load %arg9[%swap3A_786, %swap3A_787] {strides = array<i32>} : memref<32x512xf32, #tpu.memory_space<vmem>>, vector<1x16xf32>,
        %swap3A_789 = vector.shape_cast %swap3A_788 : vector<1x16xf32> to vector<16xf32>
        %swap3A_790 = vector.shape_cast %add3A_785 : vector<16xf32> to vector<1x16xf32>
        tpu.vector_store %arg9[%swap3A_786, %swap3A_787], %swap3A_790 {strides = array<i32>} : memref<32x512xf32, #tpu.memory_space<vmem>>, vector<1x16xf32>,
        %get3A_791 = arith.index_cast %add3A_671 : i32 to index
        %get3A_792 = arith.constant 192 : index
        %get3A_793 = tpu.vector_load %arg9[%get3A_791, %get3A_792] {strides = array<i32>} : memref<32x512xf32, #tpu.memory_space<vmem>>, vector<1x16xf32>,
        %get3A_794 = vector.shape_cast %get3A_793 : vector<1x16xf32> to vector<16xf32>
        %add3A_795 = arith.addf %get3A_794, %get3A_258 : vector<16xf32>
        %swap3A_796 = arith.index_cast %add3A_671 : i32 to index
        %swap3A_797 = arith.constant 192 : index
        %swap3A_798 = tpu.vector_load %arg9[%swap3A_796, %swap3A_797] {strides = array<i32>} : memref<32x512xf32, #tpu.memory_space<vmem>>, vector<1x16xf32>,
        %swap3A_799 = vector.shape_cast %swap3A_798 : vector<1x16xf32> to vector<16xf32>
        %swap3A_800 = vector.shape_cast %add3A_795 : vector<16xf32> to vector<1x16xf32>
        tpu.vector_store %arg9[%swap3A_796, %swap3A_797], %swap3A_800 {strides = array<i32>} : memref<32x512xf32, #tpu.memory_space<vmem>>, vector<1x16xf32>,
        %get3A_801 = arith.index_cast %add3A_671 : i32 to index
        %get3A_802 = arith.constant 208 : index
        %get3A_803 = tpu.vector_load %arg9[%get3A_801, %get3A_802] {strides = array<i32>} : memref<32x512xf32, #tpu.memory_space<vmem>>, vector<1x16xf32>,
        %get3A_804 = vector.shape_cast %get3A_803 : vector<1x16xf32> to vector<16xf32>
        %add3A_805 = arith.addf %get3A_804, %get3A_262 : vector<16xf32>
        %swap3A_806 = arith.index_cast %add3A_671 : i32 to index
        %swap3A_807 = arith.constant 208 : index
        %swap3A_808 = tpu.vector_load %arg9[%swap3A_806, %swap3A_807] {strides = array<i32>} : memref<32x512xf32, #tpu.memory_space<vmem>>, vector<1x16xf32>,
        %swap3A_809 = vector.shape_cast %swap3A_808 : vector<1x16xf32> to vector<16xf32>
        %swap3A_810 = vector.shape_cast %add3A_805 : vector<16xf32> to vector<1x16xf32>
        tpu.vector_store %arg9[%swap3A_806, %swap3A_807], %swap3A_810 {strides = array<i32>} : memref<32x512xf32, #tpu.memory_space<vmem>>, vector<1x16xf32>,
        %get3A_811 = arith.index_cast %add3A_671 : i32 to index
        %get3A_812 = arith.constant 224 : index
        %get3A_813 = tpu.vector_load %arg9[%get3A_811, %get3A_812] {strides = array<i32>} : memref<32x512xf32, #tpu.memory_space<vmem>>, vector<1x16xf32>,
        %get3A_814 = vector.shape_cast %get3A_813 : vector<1x16xf32> to vector<16xf32>
        %add3A_815 = arith.addf %get3A_814, %get3A_266 : vector<16xf32>
        %swap3A_816 = arith.index_cast %add3A_671 : i32 to index
        %swap3A_817 = arith.constant 224 : index
        %swap3A_818 = tpu.vector_load %arg9[%swap3A_816, %swap3A_817] {strides = array<i32>} : memref<32x512xf32, #tpu.memory_space<vmem>>, vector<1x16xf32>,
        %swap3A_819 = vector.shape_cast %swap3A_818 : vector<1x16xf32> to vector<16xf32>
        %swap3A_820 = vector.shape_cast %add3A_815 : vector<16xf32> to vector<1x16xf32>
        tpu.vector_store %arg9[%swap3A_816, %swap3A_817], %swap3A_820 {strides = array<i32>} : memref<32x512xf32, #tpu.memory_space<vmem>>, vector<1x16xf32>,
        %get3A_821 = arith.index_cast %add3A_671 : i32 to index
        %get3A_822 = arith.constant 240 : index
        %get3A_823 = tpu.vector_load %arg9[%get3A_821, %get3A_822] {strides = array<i32>} : memref<32x512xf32, #tpu.memory_space<vmem>>, vector<1x16xf32>,
        %get3A_824 = vector.shape_cast %get3A_823 : vector<1x16xf32> to vector<16xf32>
        %add3A_825 = arith.addf %get3A_824, %get3A_270 : vector<16xf32>
        %swap3A_826 = arith.index_cast %add3A_671 : i32 to index
        %swap3A_827 = arith.constant 240 : index
        %swap3A_828 = tpu.vector_load %arg9[%swap3A_826, %swap3A_827] {strides = array<i32>} : memref<32x512xf32, #tpu.memory_space<vmem>>, vector<1x16xf32>,
        %swap3A_829 = vector.shape_cast %swap3A_828 : vector<1x16xf32> to vector<16xf32>
        %swap3A_830 = vector.shape_cast %add3A_825 : vector<16xf32> to vector<1x16xf32>
        tpu.vector_store %arg9[%swap3A_826, %swap3A_827], %swap3A_830 {strides = array<i32>} : memref<32x512xf32, #tpu.memory_space<vmem>>, vector<1x16xf32>,
        %get3A_831 = arith.index_cast %add3A_671 : i32 to index
        %get3A_832 = arith.constant 256 : index
        %get3A_833 = tpu.vector_load %arg9[%get3A_831, %get3A_832] {strides = array<i32>} : memref<32x512xf32, #tpu.memory_space<vmem>>, vector<1x16xf32>,
        %get3A_834 = vector.shape_cast %get3A_833 : vector<1x16xf32> to vector<16xf32>
        %add3A_835 = arith.addf %get3A_834, %get3A_274 : vector<16xf32>
        %swap3A_836 = arith.index_cast %add3A_671 : i32 to index
        %swap3A_837 = arith.constant 256 : index
        %swap3A_838 = tpu.vector_load %arg9[%swap3A_836, %swap3A_837] {strides = array<i32>} : memref<32x512xf32, #tpu.memory_space<vmem>>, vector<1x16xf32>,
        %swap3A_839 = vector.shape_cast %swap3A_838 : vector<1x16xf32> to vector<16xf32>
        %swap3A_840 = vector.shape_cast %add3A_835 : vector<16xf32> to vector<1x16xf32>
        tpu.vector_store %arg9[%swap3A_836, %swap3A_837], %swap3A_840 {strides = array<i32>} : memref<32x512xf32, #tpu.memory_space<vmem>>, vector<1x16xf32>,
        %get3A_841 = arith.index_cast %add3A_671 : i32 to index
        %get3A_842 = arith.constant 272 : index
        %get3A_843 = tpu.vector_load %arg9[%get3A_841, %get3A_842] {strides = array<i32>} : memref<32x512xf32, #tpu.memory_space<vmem>>, vector<1x16xf32>,
        %get3A_844 = vector.shape_cast %get3A_843 : vector<1x16xf32> to vector<16xf32>
        %add3A_845 = arith.addf %get3A_844, %get3A_278 : vector<16xf32>
        %swap3A_846 = arith.index_cast %add3A_671 : i32 to index
        %swap3A_847 = arith.constant 272 : index
        %swap3A_848 = tpu.vector_load %arg9[%swap3A_846, %swap3A_847] {strides = array<i32>} : memref<32x512xf32, #tpu.memory_space<vmem>>, vector<1x16xf32>,
        %swap3A_849 = vector.shape_cast %swap3A_848 : vector<1x16xf32> to vector<16xf32>
        %swap3A_850 = vector.shape_cast %add3A_845 : vector<16xf32> to vector<1x16xf32>
        tpu.vector_store %arg9[%swap3A_846, %swap3A_847], %swap3A_850 {strides = array<i32>} : memref<32x512xf32, #tpu.memory_space<vmem>>, vector<1x16xf32>,
        %get3A_851 = arith.index_cast %add3A_671 : i32 to index
        %get3A_852 = arith.constant 288 : index
        %get3A_853 = tpu.vector_load %arg9[%get3A_851, %get3A_852] {strides = array<i32>} : memref<32x512xf32, #tpu.memory_space<vmem>>, vector<1x16xf32>,
        %get3A_854 = vector.shape_cast %get3A_853 : vector<1x16xf32> to vector<16xf32>
        %add3A_855 = arith.addf %get3A_854, %get3A_282 : vector<16xf32>
        %swap3A_856 = arith.index_cast %add3A_671 : i32 to index
        %swap3A_857 = arith.constant 288 : index
        %swap3A_858 = tpu.vector_load %arg9[%swap3A_856, %swap3A_857] {strides = array<i32>} : memref<32x512xf32, #tpu.memory_space<vmem>>, vector<1x16xf32>,
        %swap3A_859 = vector.shape_cast %swap3A_858 : vector<1x16xf32> to vector<16xf32>
        %swap3A_860 = vector.shape_cast %add3A_855 : vector<16xf32> to vector<1x16xf32>
        tpu.vector_store %arg9[%swap3A_856, %swap3A_857], %swap3A_860 {strides = array<i32>} : memref<32x512xf32, #tpu.memory_space<vmem>>, vector<1x16xf32>,
        %get3A_861 = arith.index_cast %add3A_671 : i32 to index
        %get3A_862 = arith.constant 304 : index
        %get3A_863 = tpu.vector_load %arg9[%get3A_861, %get3A_862] {strides = array<i32>} : memref<32x512xf32, #tpu.memory_space<vmem>>, vector<1x16xf32>,
        %get3A_864 = vector.shape_cast %get3A_863 : vector<1x16xf32> to vector<16xf32>
        %add3A_865 = arith.addf %get3A_864, %get3A_286 : vector<16xf32>
        %swap3A_866 = arith.index_cast %add3A_671 : i32 to index
        %swap3A_867 = arith.constant 304 : index
        %swap3A_868 = tpu.vector_load %arg9[%swap3A_866, %swap3A_867] {strides = array<i32>} : memref<32x512xf32, #tpu.memory_space<vmem>>, vector<1x16xf32>,
        %swap3A_869 = vector.shape_cast %swap3A_868 : vector<1x16xf32> to vector<16xf32>
        %swap3A_870 = vector.shape_cast %add3A_865 : vector<16xf32> to vector<1x16xf32>
        tpu.vector_store %arg9[%swap3A_866, %swap3A_867], %swap3A_870 {strides = array<i32>} : memref<32x512xf32, #tpu.memory_space<vmem>>, vector<1x16xf32>,
        %get3A_871 = arith.index_cast %add3A_671 : i32 to index
        %get3A_872 = arith.constant 320 : index
        %get3A_873 = tpu.vector_load %arg9[%get3A_871, %get3A_872] {strides = array<i32>} : memref<32x512xf32, #tpu.memory_space<vmem>>, vector<1x16xf32>,
        %get3A_874 = vector.shape_cast %get3A_873 : vector<1x16xf32> to vector<16xf32>
        %add3A_875 = arith.addf %get3A_874, %get3A_290 : vector<16xf32>
        %swap3A_876 = arith.index_cast %add3A_671 : i32 to index
        %swap3A_877 = arith.constant 320 : index
        %swap3A_878 = tpu.vector_load %arg9[%swap3A_876, %swap3A_877] {strides = array<i32>} : memref<32x512xf32, #tpu.memory_space<vmem>>, vector<1x16xf32>,
        %swap3A_879 = vector.shape_cast %swap3A_878 : vector<1x16xf32> to vector<16xf32>
        %swap3A_880 = vector.shape_cast %add3A_875 : vector<16xf32> to vector<1x16xf32>
        tpu.vector_store %arg9[%swap3A_876, %swap3A_877], %swap3A_880 {strides = array<i32>} : memref<32x512xf32, #tpu.memory_space<vmem>>, vector<1x16xf32>,
        %get3A_881 = arith.index_cast %add3A_671 : i32 to index
        %get3A_882 = arith.constant 336 : index
        %get3A_883 = tpu.vector_load %arg9[%get3A_881, %get3A_882] {strides = array<i32>} : memref<32x512xf32, #tpu.memory_space<vmem>>, vector<1x16xf32>,
        %get3A_884 = vector.shape_cast %get3A_883 : vector<1x16xf32> to vector<16xf32>
        %add3A_885 = arith.addf %get3A_884, %get3A_294 : vector<16xf32>
        %swap3A_886 = arith.index_cast %add3A_671 : i32 to index
        %swap3A_887 = arith.constant 336 : index
        %swap3A_888 = tpu.vector_load %arg9[%swap3A_886, %swap3A_887] {strides = array<i32>} : memref<32x512xf32, #tpu.memory_space<vmem>>, vector<1x16xf32>,
        %swap3A_889 = vector.shape_cast %swap3A_888 : vector<1x16xf32> to vector<16xf32>
        %swap3A_890 = vector.shape_cast %add3A_885 : vector<16xf32> to vector<1x16xf32>
        tpu.vector_store %arg9[%swap3A_886, %swap3A_887], %swap3A_890 {strides = array<i32>} : memref<32x512xf32, #tpu.memory_space<vmem>>, vector<1x16xf32>,
        %get3A_891 = arith.index_cast %add3A_671 : i32 to index
        %get3A_892 = arith.constant 352 : index
        %get3A_893 = tpu.vector_load %arg9[%get3A_891, %get3A_892] {strides = array<i32>} : memref<32x512xf32, #tpu.memory_space<vmem>>, vector<1x16xf32>,
        %get3A_894 = vector.shape_cast %get3A_893 : vector<1x16xf32> to vector<16xf32>
        %add3A_895 = arith.addf %get3A_894, %get3A_298 : vector<16xf32>
        %swap3A_896 = arith.index_cast %add3A_671 : i32 to index
        %swap3A_897 = arith.constant 352 : index
        %swap3A_898 = tpu.vector_load %arg9[%swap3A_896, %swap3A_897] {strides = array<i32>} : memref<32x512xf32, #tpu.memory_space<vmem>>, vector<1x16xf32>,
        %swap3A_899 = vector.shape_cast %swap3A_898 : vector<1x16xf32> to vector<16xf32>
        %swap3A_900 = vector.shape_cast %add3A_895 : vector<16xf32> to vector<1x16xf32>
        tpu.vector_store %arg9[%swap3A_896, %swap3A_897], %swap3A_900 {strides = array<i32>} : memref<32x512xf32, #tpu.memory_space<vmem>>, vector<1x16xf32>,
        %get3A_901 = arith.index_cast %add3A_671 : i32 to index
        %get3A_902 = arith.constant 368 : index
        %get3A_903 = tpu.vector_load %arg9[%get3A_901, %get3A_902] {strides = array<i32>} : memref<32x512xf32, #tpu.memory_space<vmem>>, vector<1x16xf32>,
        %get3A_904 = vector.shape_cast %get3A_903 : vector<1x16xf32> to vector<16xf32>
        %add3A_905 = arith.addf %get3A_904, %get3A_302 : vector<16xf32>
        %swap3A_906 = arith.index_cast %add3A_671 : i32 to index
        %swap3A_907 = arith.constant 368 : index
        %swap3A_908 = tpu.vector_load %arg9[%swap3A_906, %swap3A_907] {strides = array<i32>} : memref<32x512xf32, #tpu.memory_space<vmem>>, vector<1x16xf32>,
        %swap3A_909 = vector.shape_cast %swap3A_908 : vector<1x16xf32> to vector<16xf32>
        %swap3A_910 = vector.shape_cast %add3A_905 : vector<16xf32> to vector<1x16xf32>
        tpu.vector_store %arg9[%swap3A_906, %swap3A_907], %swap3A_910 {strides = array<i32>} : memref<32x512xf32, #tpu.memory_space<vmem>>, vector<1x16xf32>,
        %get3A_911 = arith.index_cast %add3A_671 : i32 to index
        %get3A_912 = arith.constant 384 : index
        %get3A_913 = tpu.vector_load %arg9[%get3A_911, %get3A_912] {strides = array<i32>} : memref<32x512xf32, #tpu.memory_space<vmem>>, vector<1x16xf32>,
        %get3A_914 = vector.shape_cast %get3A_913 : vector<1x16xf32> to vector<16xf32>
        %add3A_915 = arith.addf %get3A_914, %get3A_306 : vector<16xf32>
        %swap3A_916 = arith.index_cast %add3A_671 : i32 to index
        %swap3A_917 = arith.constant 384 : index
        %swap3A_918 = tpu.vector_load %arg9[%swap3A_916, %swap3A_917] {strides = array<i32>} : memref<32x512xf32, #tpu.memory_space<vmem>>, vector<1x16xf32>,
        %swap3A_919 = vector.shape_cast %swap3A_918 : vector<1x16xf32> to vector<16xf32>
        %swap3A_920 = vector.shape_cast %add3A_915 : vector<16xf32> to vector<1x16xf32>
        tpu.vector_store %arg9[%swap3A_916, %swap3A_917], %swap3A_920 {strides = array<i32>} : memref<32x512xf32, #tpu.memory_space<vmem>>, vector<1x16xf32>,
        %get3A_921 = arith.index_cast %add3A_671 : i32 to index
        %get3A_922 = arith.constant 400 : index
        %get3A_923 = tpu.vector_load %arg9[%get3A_921, %get3A_922] {strides = array<i32>} : memref<32x512xf32, #tpu.memory_space<vmem>>, vector<1x16xf32>,
        %get3A_924 = vector.shape_cast %get3A_923 : vector<1x16xf32> to vector<16xf32>
        %add3A_925 = arith.addf %get3A_924, %get3A_310 : vector<16xf32>
        %swap3A_926 = arith.index_cast %add3A_671 : i32 to index
        %swap3A_927 = arith.constant 400 : index
        %swap3A_928 = tpu.vector_load %arg9[%swap3A_926, %swap3A_927] {strides = array<i32>} : memref<32x512xf32, #tpu.memory_space<vmem>>, vector<1x16xf32>,
        %swap3A_929 = vector.shape_cast %swap3A_928 : vector<1x16xf32> to vector<16xf32>
        %swap3A_930 = vector.shape_cast %add3A_925 : vector<16xf32> to vector<1x16xf32>
        tpu.vector_store %arg9[%swap3A_926, %swap3A_927], %swap3A_930 {strides = array<i32>} : memref<32x512xf32, #tpu.memory_space<vmem>>, vector<1x16xf32>,
        %get3A_931 = arith.index_cast %add3A_671 : i32 to index
        %get3A_932 = arith.constant 416 : index
        %get3A_933 = tpu.vector_load %arg9[%get3A_931, %get3A_932] {strides = array<i32>} : memref<32x512xf32, #tpu.memory_space<vmem>>, vector<1x16xf32>,
        %get3A_934 = vector.shape_cast %get3A_933 : vector<1x16xf32> to vector<16xf32>
        %add3A_935 = arith.addf %get3A_934, %get3A_314 : vector<16xf32>
        %swap3A_936 = arith.index_cast %add3A_671 : i32 to index
        %swap3A_937 = arith.constant 416 : index
        %swap3A_938 = tpu.vector_load %arg9[%swap3A_936, %swap3A_937] {strides = array<i32>} : memref<32x512xf32, #tpu.memory_space<vmem>>, vector<1x16xf32>,
        %swap3A_939 = vector.shape_cast %swap3A_938 : vector<1x16xf32> to vector<16xf32>
        %swap3A_940 = vector.shape_cast %add3A_935 : vector<16xf32> to vector<1x16xf32>
        tpu.vector_store %arg9[%swap3A_936, %swap3A_937], %swap3A_940 {strides = array<i32>} : memref<32x512xf32, #tpu.memory_space<vmem>>, vector<1x16xf32>,
        %get3A_941 = arith.index_cast %add3A_671 : i32 to index
        %get3A_942 = arith.constant 432 : index
        %get3A_943 = tpu.vector_load %arg9[%get3A_941, %get3A_942] {strides = array<i32>} : memref<32x512xf32, #tpu.memory_space<vmem>>, vector<1x16xf32>,
        %get3A_944 = vector.shape_cast %get3A_943 : vector<1x16xf32> to vector<16xf32>
        %add3A_945 = arith.addf %get3A_944, %get3A_318 : vector<16xf32>
        %swap3A_946 = arith.index_cast %add3A_671 : i32 to index
        %swap3A_947 = arith.constant 432 : index
        %swap3A_948 = tpu.vector_load %arg9[%swap3A_946, %swap3A_947] {strides = array<i32>} : memref<32x512xf32, #tpu.memory_space<vmem>>, vector<1x16xf32>,
        %swap3A_949 = vector.shape_cast %swap3A_948 : vector<1x16xf32> to vector<16xf32>
        %swap3A_950 = vector.shape_cast %add3A_945 : vector<16xf32> to vector<1x16xf32>
        tpu.vector_store %arg9[%swap3A_946, %swap3A_947], %swap3A_950 {strides = array<i32>} : memref<32x512xf32, #tpu.memory_space<vmem>>, vector<1x16xf32>,
        %get3A_951 = arith.index_cast %add3A_671 : i32 to index
        %get3A_952 = arith.constant 448 : index
        %get3A_953 = tpu.vector_load %arg9[%get3A_951, %get3A_952] {strides = array<i32>} : memref<32x512xf32, #tpu.memory_space<vmem>>, vector<1x16xf32>,
        %get3A_954 = vector.shape_cast %get3A_953 : vector<1x16xf32> to vector<16xf32>
        %add3A_955 = arith.addf %get3A_954, %get3A_322 : vector<16xf32>
        %swap3A_956 = arith.index_cast %add3A_671 : i32 to index
        %swap3A_957 = arith.constant 448 : index
        %swap3A_958 = tpu.vector_load %arg9[%swap3A_956, %swap3A_957] {strides = array<i32>} : memref<32x512xf32, #tpu.memory_space<vmem>>, vector<1x16xf32>,
        %swap3A_959 = vector.shape_cast %swap3A_958 : vector<1x16xf32> to vector<16xf32>
        %swap3A_960 = vector.shape_cast %add3A_955 : vector<16xf32> to vector<1x16xf32>
        tpu.vector_store %arg9[%swap3A_956, %swap3A_957], %swap3A_960 {strides = array<i32>} : memref<32x512xf32, #tpu.memory_space<vmem>>, vector<1x16xf32>,
        %get3A_961 = arith.index_cast %add3A_671 : i32 to index
        %get3A_962 = arith.constant 464 : index
        %get3A_963 = tpu.vector_load %arg9[%get3A_961, %get3A_962] {strides = array<i32>} : memref<32x512xf32, #tpu.memory_space<vmem>>, vector<1x16xf32>,
        %get3A_964 = vector.shape_cast %get3A_963 : vector<1x16xf32> to vector<16xf32>
        %add3A_965 = arith.addf %get3A_964, %get3A_326 : vector<16xf32>
        %swap3A_966 = arith.index_cast %add3A_671 : i32 to index
        %swap3A_967 = arith.constant 464 : index
        %swap3A_968 = tpu.vector_load %arg9[%swap3A_966, %swap3A_967] {strides = array<i32>} : memref<32x512xf32, #tpu.memory_space<vmem>>, vector<1x16xf32>,
        %swap3A_969 = vector.shape_cast %swap3A_968 : vector<1x16xf32> to vector<16xf32>
        %swap3A_970 = vector.shape_cast %add3A_965 : vector<16xf32> to vector<1x16xf32>
        tpu.vector_store %arg9[%swap3A_966, %swap3A_967], %swap3A_970 {strides = array<i32>} : memref<32x512xf32, #tpu.memory_space<vmem>>, vector<1x16xf32>,
        %get3A_971 = arith.index_cast %add3A_671 : i32 to index
        %get3A_972 = arith.constant 480 : index
        %get3A_973 = tpu.vector_load %arg9[%get3A_971, %get3A_972] {strides = array<i32>} : memref<32x512xf32, #tpu.memory_space<vmem>>, vector<1x16xf32>,
        %get3A_974 = vector.shape_cast %get3A_973 : vector<1x16xf32> to vector<16xf32>
        %add3A_975 = arith.addf %get3A_974, %get3A_330 : vector<16xf32>
        %swap3A_976 = arith.index_cast %add3A_671 : i32 to index
        %swap3A_977 = arith.constant 480 : index
        %swap3A_978 = tpu.vector_load %arg9[%swap3A_976, %swap3A_977] {strides = array<i32>} : memref<32x512xf32, #tpu.memory_space<vmem>>, vector<1x16xf32>,
        %swap3A_979 = vector.shape_cast %swap3A_978 : vector<1x16xf32> to vector<16xf32>
        %swap3A_980 = vector.shape_cast %add3A_975 : vector<16xf32> to vector<1x16xf32>
        tpu.vector_store %arg9[%swap3A_976, %swap3A_977], %swap3A_980 {strides = array<i32>} : memref<32x512xf32, #tpu.memory_space<vmem>>, vector<1x16xf32>,
        %get3A_981 = arith.index_cast %add3A_671 : i32 to index
        %get3A_982 = arith.constant 496 : index
        %get3A_983 = tpu.vector_load %arg9[%get3A_981, %get3A_982] {strides = array<i32>} : memref<32x512xf32, #tpu.memory_space<vmem>>, vector<1x16xf32>,
        %get3A_984 = vector.shape_cast %get3A_983 : vector<1x16xf32> to vector<16xf32>
        %add3A_985 = arith.addf %get3A_984, %get3A_334 : vector<16xf32>
        %swap3A_986 = arith.index_cast %add3A_671 : i32 to index
        %swap3A_987 = arith.constant 496 : index
        %swap3A_988 = tpu.vector_load %arg9[%swap3A_986, %swap3A_987] {strides = array<i32>} : memref<32x512xf32, #tpu.memory_space<vmem>>, vector<1x16xf32>,
        %swap3A_989 = vector.shape_cast %swap3A_988 : vector<1x16xf32> to vector<16xf32>
        %swap3A_990 = vector.shape_cast %add3A_985 : vector<16xf32> to vector<1x16xf32>
        tpu.vector_store %arg9[%swap3A_986, %swap3A_987], %swap3A_990 {strides = array<i32>} : memref<32x512xf32, #tpu.memory_space<vmem>>, vector<1x16xf32>,
      }
      %scan3A_339 = arith.constant 32 : i32
      %mul3A_340 = arith.constant 1024 : i32
      %mul3A_341 = arith.muli %add3A_190, %mul3A_340 : i32
      %add3A_342 = arith.addi %mul3A_341, %mul3A_2 : i32
      %dma_start3A_343 = arith.constant 0 : i32
      %dma_start3A_344 = tpu.memref_slice %arg5[%add3A_342, %dma_start3A_343] : memref<102400x512xf32, #tpu.memory_space<hbm>> -> memref<32x512xf32, #tpu.memory_space<hbm>>
      %dma_start3A_345 = arith.constant 0 : i32
      %dma_start3A_346 = tpu.memref_slice %arg5[%add3A_342, %dma_start3A_345] : memref<102400x512xf32, #tpu.memory_space<hbm>> -> memref<32x512xf32, #tpu.memory_space<hbm>>
      tpu.enqueue_dma source(%arg9 : memref<32x512xf32, #tpu.memory_space<vmem>>) target(%dma_start3A_346 : memref<32x512xf32, #tpu.memory_space<hbm>>) target_semaphore(%arg13 : memref<!tpu.dma_semaphore, #tpu.memory_space<semaphore_mem>>)
      %mul3A_347 = arith.constant 4 : i32
      %mul3A_348 = arith.muli %mul3A_347, %scan3A_31 : i32
      %add3A_349 = arith.constant 2 : i32
      %add3A_350 = arith.addi %mul3A_348, %add3A_349 : i32
      %dma_wait3A_351 = arith.constant 0 : i32
      %dma_wait3A_352 = arith.constant 0 : i32
      %dma_wait3A_353 = tpu.memref_slice %arg3[%dma_wait3A_351, %dma_wait3A_352] : memref<32000x512xf32, #tpu.memory_space<hbm>> -> memref<32x512xf32, #tpu.memory_space<hbm>>
      %dma_wait3A_354 = arith.constant 0 : i32
      %dma_wait3A_355 = arith.constant 0 : i32
      %dma_wait3A_356 = tpu.memref_slice %arg3[%dma_wait3A_354, %dma_wait3A_355] : memref<32000x512xf32, #tpu.memory_space<hbm>> -> memref<32x512xf32, #tpu.memory_space<hbm>>
      tpu.wait_dma2 semaphore(%arg12 : memref<!tpu.dma_semaphore, #tpu.memory_space<semaphore_mem>>) src(%dma_wait3A_356 : memref<32x512xf32, #tpu.memory_space<hbm>>) dst(%arg10 : memref<32x512xf32, #tpu.memory_space<vmem>>)
      %ge3A_357 = arith.constant 2 : i32
      %ge3A_358 = arith.cmpi sge, %add3A_350, %ge3A_357 : i32
      %convert_element_type3A_359 = arith.extui %ge3A_358 : i1 to i32
      %cond3A_360 = arith.constant 0 : i32
      %cond3A_361 = arith.cmpi ne, %convert_element_type3A_359, %cond3A_360 : i32
      scf.if %cond3A_361 {
        %dma_wait3A_667 = arith.constant 0 : i32
        %dma_wait3A_668 = arith.constant 0 : i32
        %dma_wait3A_669 = tpu.memref_slice %arg5[%dma_wait3A_667, %dma_wait3A_668] : memref<102400x512xf32, #tpu.memory_space<hbm>> -> memref<32x512xf32, #tpu.memory_space<hbm>>
        %dma_wait3A_670 = arith.constant 0 : i32
        %dma_wait3A_671 = arith.constant 0 : i32
        %dma_wait3A_672 = tpu.memref_slice %arg5[%dma_wait3A_670, %dma_wait3A_671] : memref<102400x512xf32, #tpu.memory_space<hbm>> -> memref<32x512xf32, #tpu.memory_space<hbm>>
        tpu.wait_dma2 semaphore(%arg13 : memref<!tpu.dma_semaphore, #tpu.memory_space<semaphore_mem>>) src(%arg8 : memref<32x512xf32, #tpu.memory_space<vmem>>) dst(%dma_wait3A_672 : memref<32x512xf32, #tpu.memory_space<hbm>>)
      } else {
      }
      %lt3A_362 = arith.constant 98 : i32
      %lt3A_363 = arith.cmpi slt, %add3A_350, %lt3A_362 : i32
      %convert_element_type3A_364 = arith.extui %lt3A_363 : i1 to i32
      %cond3A_365 = arith.constant 0 : i32
      %cond3A_366 = arith.cmpi ne, %convert_element_type3A_364, %cond3A_365 : i32
      scf.if %cond3A_366 {
        %add3A_667 = arith.constant 2 : i32
        %add3A_668 = arith.addi %add3A_350, %add3A_667 : i32
        %mul3A_669 = arith.constant 32 : i32
        %mul3A_670 = arith.muli %add3A_668, %mul3A_669 : i32
        %dma_start3A_671 = tpu.memref_slice %arg6[%mul3A_670] : memref<3200xi32, #tpu.memory_space<vmem>> -> memref<32xi32, #tpu.memory_space<vmem>>
        %dma_start3A_672 = arith.constant 0 : i32
        %dma_start3A_673 = arith.constant 0 : i32
        %dma_start3A_674 = tpu.memref_slice %arg3[%dma_start3A_672, %dma_start3A_673] : memref<32000x512xf32, #tpu.memory_space<hbm>> -> memref<32000x512xf32, #tpu.memory_space<hbm>>
        tpu.enqueue_indirect_dma source(%dma_start3A_674 : memref<32000x512xf32, #tpu.memory_space<hbm>>) target(%arg8 : memref<32x512xf32, #tpu.memory_space<vmem>>) offsets(%dma_start3A_671 : memref<32xi32, #tpu.memory_space<vmem>>) semaphore(%arg12 : memref<!tpu.dma_semaphore, #tpu.memory_space<semaphore_mem>>)
      } else {
      }
      %get3A_367 = arith.index_cast %add3A_350 : i32 to index
      %get3A_368 = arith.constant 0 : index
      %get3A_369 = tpu.vector_load %arg7[%get3A_367, %get3A_368] {strides = array<i32>} : memref<100x512xf32, #tpu.memory_space<vmem>>, vector<1x16xf32>,
      %get3A_370 = vector.shape_cast %get3A_369 : vector<1x16xf32> to vector<16xf32>
      %get3A_371 = arith.index_cast %add3A_350 : i32 to index
      %get3A_372 = arith.constant 16 : index
      %get3A_373 = tpu.vector_load %arg7[%get3A_371, %get3A_372] {strides = array<i32>} : memref<100x512xf32, #tpu.memory_space<vmem>>, vector<1x16xf32>,
      %get3A_374 = vector.shape_cast %get3A_373 : vector<1x16xf32> to vector<16xf32>
      %get3A_375 = arith.index_cast %add3A_350 : i32 to index
      %get3A_376 = arith.constant 32 : index
      %get3A_377 = tpu.vector_load %arg7[%get3A_375, %get3A_376] {strides = array<i32>} : memref<100x512xf32, #tpu.memory_space<vmem>>, vector<1x16xf32>,
      %get3A_378 = vector.shape_cast %get3A_377 : vector<1x16xf32> to vector<16xf32>
      %get3A_379 = arith.index_cast %add3A_350 : i32 to index
      %get3A_380 = arith.constant 48 : index
      %get3A_381 = tpu.vector_load %arg7[%get3A_379, %get3A_380] {strides = array<i32>} : memref<100x512xf32, #tpu.memory_space<vmem>>, vector<1x16xf32>,
      %get3A_382 = vector.shape_cast %get3A_381 : vector<1x16xf32> to vector<16xf32>
      %get3A_383 = arith.index_cast %add3A_350 : i32 to index
      %get3A_384 = arith.constant 64 : index
      %get3A_385 = tpu.vector_load %arg7[%get3A_383, %get3A_384] {strides = array<i32>} : memref<100x512xf32, #tpu.memory_space<vmem>>, vector<1x16xf32>,
      %get3A_386 = vector.shape_cast %get3A_385 : vector<1x16xf32> to vector<16xf32>
      %get3A_387 = arith.index_cast %add3A_350 : i32 to index
      %get3A_388 = arith.constant 80 : index
      %get3A_389 = tpu.vector_load %arg7[%get3A_387, %get3A_388] {strides = array<i32>} : memref<100x512xf32, #tpu.memory_space<vmem>>, vector<1x16xf32>,
      %get3A_390 = vector.shape_cast %get3A_389 : vector<1x16xf32> to vector<16xf32>
      %get3A_391 = arith.index_cast %add3A_350 : i32 to index
      %get3A_392 = arith.constant 96 : index
      %get3A_393 = tpu.vector_load %arg7[%get3A_391, %get3A_392] {strides = array<i32>} : memref<100x512xf32, #tpu.memory_space<vmem>>, vector<1x16xf32>,
      %get3A_394 = vector.shape_cast %get3A_393 : vector<1x16xf32> to vector<16xf32>
      %get3A_395 = arith.index_cast %add3A_350 : i32 to index
      %get3A_396 = arith.constant 112 : index
      %get3A_397 = tpu.vector_load %arg7[%get3A_395, %get3A_396] {strides = array<i32>} : memref<100x512xf32, #tpu.memory_space<vmem>>, vector<1x16xf32>,
      %get3A_398 = vector.shape_cast %get3A_397 : vector<1x16xf32> to vector<16xf32>
      %get3A_399 = arith.index_cast %add3A_350 : i32 to index
      %get3A_400 = arith.constant 128 : index
      %get3A_401 = tpu.vector_load %arg7[%get3A_399, %get3A_400] {strides = array<i32>} : memref<100x512xf32, #tpu.memory_space<vmem>>, vector<1x16xf32>,
      %get3A_402 = vector.shape_cast %get3A_401 : vector<1x16xf32> to vector<16xf32>
      %get3A_403 = arith.index_cast %add3A_350 : i32 to index
      %get3A_404 = arith.constant 144 : index
      %get3A_405 = tpu.vector_load %arg7[%get3A_403, %get3A_404] {strides = array<i32>} : memref<100x512xf32, #tpu.memory_space<vmem>>, vector<1x16xf32>,
      %get3A_406 = vector.shape_cast %get3A_405 : vector<1x16xf32> to vector<16xf32>
      %get3A_407 = arith.index_cast %add3A_350 : i32 to index
      %get3A_408 = arith.constant 160 : index
      %get3A_409 = tpu.vector_load %arg7[%get3A_407, %get3A_408] {strides = array<i32>} : memref<100x512xf32, #tpu.memory_space<vmem>>, vector<1x16xf32>,
      %get3A_410 = vector.shape_cast %get3A_409 : vector<1x16xf32> to vector<16xf32>
      %get3A_411 = arith.index_cast %add3A_350 : i32 to index
      %get3A_412 = arith.constant 176 : index
      %get3A_413 = tpu.vector_load %arg7[%get3A_411, %get3A_412] {strides = array<i32>} : memref<100x512xf32, #tpu.memory_space<vmem>>, vector<1x16xf32>,
      %get3A_414 = vector.shape_cast %get3A_413 : vector<1x16xf32> to vector<16xf32>
      %get3A_415 = arith.index_cast %add3A_350 : i32 to index
      %get3A_416 = arith.constant 192 : index
      %get3A_417 = tpu.vector_load %arg7[%get3A_415, %get3A_416] {strides = array<i32>} : memref<100x512xf32, #tpu.memory_space<vmem>>, vector<1x16xf32>,
      %get3A_418 = vector.shape_cast %get3A_417 : vector<1x16xf32> to vector<16xf32>
      %get3A_419 = arith.index_cast %add3A_350 : i32 to index
      %get3A_420 = arith.constant 208 : index
      %get3A_421 = tpu.vector_load %arg7[%get3A_419, %get3A_420] {strides = array<i32>} : memref<100x512xf32, #tpu.memory_space<vmem>>, vector<1x16xf32>,
      %get3A_422 = vector.shape_cast %get3A_421 : vector<1x16xf32> to vector<16xf32>
      %get3A_423 = arith.index_cast %add3A_350 : i32 to index
      %get3A_424 = arith.constant 224 : index
      %get3A_425 = tpu.vector_load %arg7[%get3A_423, %get3A_424] {strides = array<i32>} : memref<100x512xf32, #tpu.memory_space<vmem>>, vector<1x16xf32>,
      %get3A_426 = vector.shape_cast %get3A_425 : vector<1x16xf32> to vector<16xf32>
      %get3A_427 = arith.index_cast %add3A_350 : i32 to index
      %get3A_428 = arith.constant 240 : index
      %get3A_429 = tpu.vector_load %arg7[%get3A_427, %get3A_428] {strides = array<i32>} : memref<100x512xf32, #tpu.memory_space<vmem>>, vector<1x16xf32>,
      %get3A_430 = vector.shape_cast %get3A_429 : vector<1x16xf32> to vector<16xf32>
      %get3A_431 = arith.index_cast %add3A_350 : i32 to index
      %get3A_432 = arith.constant 256 : index
      %get3A_433 = tpu.vector_load %arg7[%get3A_431, %get3A_432] {strides = array<i32>} : memref<100x512xf32, #tpu.memory_space<vmem>>, vector<1x16xf32>,
      %get3A_434 = vector.shape_cast %get3A_433 : vector<1x16xf32> to vector<16xf32>
      %get3A_435 = arith.index_cast %add3A_350 : i32 to index
      %get3A_436 = arith.constant 272 : index
      %get3A_437 = tpu.vector_load %arg7[%get3A_435, %get3A_436] {strides = array<i32>} : memref<100x512xf32, #tpu.memory_space<vmem>>, vector<1x16xf32>,
      %get3A_438 = vector.shape_cast %get3A_437 : vector<1x16xf32> to vector<16xf32>
      %get3A_439 = arith.index_cast %add3A_350 : i32 to index
      %get3A_440 = arith.constant 288 : index
      %get3A_441 = tpu.vector_load %arg7[%get3A_439, %get3A_440] {strides = array<i32>} : memref<100x512xf32, #tpu.memory_space<vmem>>, vector<1x16xf32>,
      %get3A_442 = vector.shape_cast %get3A_441 : vector<1x16xf32> to vector<16xf32>
      %get3A_443 = arith.index_cast %add3A_350 : i32 to index
      %get3A_444 = arith.constant 304 : index
      %get3A_445 = tpu.vector_load %arg7[%get3A_443, %get3A_444] {strides = array<i32>} : memref<100x512xf32, #tpu.memory_space<vmem>>, vector<1x16xf32>,
      %get3A_446 = vector.shape_cast %get3A_445 : vector<1x16xf32> to vector<16xf32>
      %get3A_447 = arith.index_cast %add3A_350 : i32 to index
      %get3A_448 = arith.constant 320 : index
      %get3A_449 = tpu.vector_load %arg7[%get3A_447, %get3A_448] {strides = array<i32>} : memref<100x512xf32, #tpu.memory_space<vmem>>, vector<1x16xf32>,
      %get3A_450 = vector.shape_cast %get3A_449 : vector<1x16xf32> to vector<16xf32>
      %get3A_451 = arith.index_cast %add3A_350 : i32 to index
      %get3A_452 = arith.constant 336 : index
      %get3A_453 = tpu.vector_load %arg7[%get3A_451, %get3A_452] {strides = array<i32>} : memref<100x512xf32, #tpu.memory_space<vmem>>, vector<1x16xf32>,
      %get3A_454 = vector.shape_cast %get3A_453 : vector<1x16xf32> to vector<16xf32>
      %get3A_455 = arith.index_cast %add3A_350 : i32 to index
      %get3A_456 = arith.constant 352 : index
      %get3A_457 = tpu.vector_load %arg7[%get3A_455, %get3A_456] {strides = array<i32>} : memref<100x512xf32, #tpu.memory_space<vmem>>, vector<1x16xf32>,
      %get3A_458 = vector.shape_cast %get3A_457 : vector<1x16xf32> to vector<16xf32>
      %get3A_459 = arith.index_cast %add3A_350 : i32 to index
      %get3A_460 = arith.constant 368 : index
      %get3A_461 = tpu.vector_load %arg7[%get3A_459, %get3A_460] {strides = array<i32>} : memref<100x512xf32, #tpu.memory_space<vmem>>, vector<1x16xf32>,
      %get3A_462 = vector.shape_cast %get3A_461 : vector<1x16xf32> to vector<16xf32>
      %get3A_463 = arith.index_cast %add3A_350 : i32 to index
      %get3A_464 = arith.constant 384 : index
      %get3A_465 = tpu.vector_load %arg7[%get3A_463, %get3A_464] {strides = array<i32>} : memref<100x512xf32, #tpu.memory_space<vmem>>, vector<1x16xf32>,
      %get3A_466 = vector.shape_cast %get3A_465 : vector<1x16xf32> to vector<16xf32>
      %get3A_467 = arith.index_cast %add3A_350 : i32 to index
      %get3A_468 = arith.constant 400 : index
      %get3A_469 = tpu.vector_load %arg7[%get3A_467, %get3A_468] {strides = array<i32>} : memref<100x512xf32, #tpu.memory_space<vmem>>, vector<1x16xf32>,
      %get3A_470 = vector.shape_cast %get3A_469 : vector<1x16xf32> to vector<16xf32>
      %get3A_471 = arith.index_cast %add3A_350 : i32 to index
      %get3A_472 = arith.constant 416 : index
      %get3A_473 = tpu.vector_load %arg7[%get3A_471, %get3A_472] {strides = array<i32>} : memref<100x512xf32, #tpu.memory_space<vmem>>, vector<1x16xf32>,
      %get3A_474 = vector.shape_cast %get3A_473 : vector<1x16xf32> to vector<16xf32>
      %get3A_475 = arith.index_cast %add3A_350 : i32 to index
      %get3A_476 = arith.constant 432 : index
      %get3A_477 = tpu.vector_load %arg7[%get3A_475, %get3A_476] {strides = array<i32>} : memref<100x512xf32, #tpu.memory_space<vmem>>, vector<1x16xf32>,
      %get3A_478 = vector.shape_cast %get3A_477 : vector<1x16xf32> to vector<16xf32>
      %get3A_479 = arith.index_cast %add3A_350 : i32 to index
      %get3A_480 = arith.constant 448 : index
      %get3A_481 = tpu.vector_load %arg7[%get3A_479, %get3A_480] {strides = array<i32>} : memref<100x512xf32, #tpu.memory_space<vmem>>, vector<1x16xf32>,
      %get3A_482 = vector.shape_cast %get3A_481 : vector<1x16xf32> to vector<16xf32>
      %get3A_483 = arith.index_cast %add3A_350 : i32 to index
      %get3A_484 = arith.constant 464 : index
      %get3A_485 = tpu.vector_load %arg7[%get3A_483, %get3A_484] {strides = array<i32>} : memref<100x512xf32, #tpu.memory_space<vmem>>, vector<1x16xf32>,
      %get3A_486 = vector.shape_cast %get3A_485 : vector<1x16xf32> to vector<16xf32>
      %get3A_487 = arith.index_cast %add3A_350 : i32 to index
      %get3A_488 = arith.constant 480 : index
      %get3A_489 = tpu.vector_load %arg7[%get3A_487, %get3A_488] {strides = array<i32>} : memref<100x512xf32, #tpu.memory_space<vmem>>, vector<1x16xf32>,
      %get3A_490 = vector.shape_cast %get3A_489 : vector<1x16xf32> to vector<16xf32>
      %get3A_491 = arith.index_cast %add3A_350 : i32 to index
      %get3A_492 = arith.constant 496 : index
      %get3A_493 = tpu.vector_load %arg7[%get3A_491, %get3A_492] {strides = array<i32>} : memref<100x512xf32, #tpu.memory_space<vmem>>, vector<1x16xf32>,
      %get3A_494 = vector.shape_cast %get3A_493 : vector<1x16xf32> to vector<16xf32>
      %scan3A_495 = arith.constant 0 : i32
      %scan3A_496 = arith.constant 32 : i32
      %scan3A_497 = arith.addi %scan3A_495, %scan3A_496 : i32
      %scan3A_498 = arith.constant 1 : i32
      scf.for %scan3A_667 = %scan3A_495 to %scan3A_497 step %scan3A_498  : i32 {
        %mul3A_668 = arith.constant 1 : i32
        %mul3A_669 = arith.muli %scan3A_667, %mul3A_668 : i32
        %add3A_670 = arith.constant 0 : i32
        %add3A_671 = arith.addi %mul3A_669, %add3A_670 : i32
        %get3A_672 = arith.index_cast %add3A_671 : i32 to index
        %get3A_673 = arith.constant 0 : index
        %get3A_674 = tpu.vector_load %arg10[%get3A_672, %get3A_673] {strides = array<i32>} : memref<32x512xf32, #tpu.memory_space<vmem>>, vector<1x16xf32>,
        %get3A_675 = vector.shape_cast %get3A_674 : vector<1x16xf32> to vector<16xf32>
        %add3A_676 = arith.addf %get3A_675, %get3A_370 : vector<16xf32>
        %swap3A = arith.index_cast %add3A_671 : i32 to index
        %swap3A_677 = arith.constant 0 : index
        %swap3A_678 = tpu.vector_load %arg10[%swap3A, %swap3A_677] {strides = array<i32>} : memref<32x512xf32, #tpu.memory_space<vmem>>, vector<1x16xf32>,
        %swap3A_679 = vector.shape_cast %swap3A_678 : vector<1x16xf32> to vector<16xf32>
        %swap3A_680 = vector.shape_cast %add3A_676 : vector<16xf32> to vector<1x16xf32>
        tpu.vector_store %arg10[%swap3A, %swap3A_677], %swap3A_680 {strides = array<i32>} : memref<32x512xf32, #tpu.memory_space<vmem>>, vector<1x16xf32>,
        %get3A_681 = arith.index_cast %add3A_671 : i32 to index
        %get3A_682 = arith.constant 16 : index
        %get3A_683 = tpu.vector_load %arg10[%get3A_681, %get3A_682] {strides = array<i32>} : memref<32x512xf32, #tpu.memory_space<vmem>>, vector<1x16xf32>,
        %get3A_684 = vector.shape_cast %get3A_683 : vector<1x16xf32> to vector<16xf32>
        %add3A_685 = arith.addf %get3A_684, %get3A_374 : vector<16xf32>
        %swap3A_686 = arith.index_cast %add3A_671 : i32 to index
        %swap3A_687 = arith.constant 16 : index
        %swap3A_688 = tpu.vector_load %arg10[%swap3A_686, %swap3A_687] {strides = array<i32>} : memref<32x512xf32, #tpu.memory_space<vmem>>, vector<1x16xf32>,
        %swap3A_689 = vector.shape_cast %swap3A_688 : vector<1x16xf32> to vector<16xf32>
        %swap3A_690 = vector.shape_cast %add3A_685 : vector<16xf32> to vector<1x16xf32>
        tpu.vector_store %arg10[%swap3A_686, %swap3A_687], %swap3A_690 {strides = array<i32>} : memref<32x512xf32, #tpu.memory_space<vmem>>, vector<1x16xf32>,
        %get3A_691 = arith.index_cast %add3A_671 : i32 to index
        %get3A_692 = arith.constant 32 : index
        %get3A_693 = tpu.vector_load %arg10[%get3A_691, %get3A_692] {strides = array<i32>} : memref<32x512xf32, #tpu.memory_space<vmem>>, vector<1x16xf32>,
        %get3A_694 = vector.shape_cast %get3A_693 : vector<1x16xf32> to vector<16xf32>
        %add3A_695 = arith.addf %get3A_694, %get3A_378 : vector<16xf32>
        %swap3A_696 = arith.index_cast %add3A_671 : i32 to index
        %swap3A_697 = arith.constant 32 : index
        %swap3A_698 = tpu.vector_load %arg10[%swap3A_696, %swap3A_697] {strides = array<i32>} : memref<32x512xf32, #tpu.memory_space<vmem>>, vector<1x16xf32>,
        %swap3A_699 = vector.shape_cast %swap3A_698 : vector<1x16xf32> to vector<16xf32>
        %swap3A_700 = vector.shape_cast %add3A_695 : vector<16xf32> to vector<1x16xf32>
        tpu.vector_store %arg10[%swap3A_696, %swap3A_697], %swap3A_700 {strides = array<i32>} : memref<32x512xf32, #tpu.memory_space<vmem>>, vector<1x16xf32>,
        %get3A_701 = arith.index_cast %add3A_671 : i32 to index
        %get3A_702 = arith.constant 48 : index
        %get3A_703 = tpu.vector_load %arg10[%get3A_701, %get3A_702] {strides = array<i32>} : memref<32x512xf32, #tpu.memory_space<vmem>>, vector<1x16xf32>,
        %get3A_704 = vector.shape_cast %get3A_703 : vector<1x16xf32> to vector<16xf32>
        %add3A_705 = arith.addf %get3A_704, %get3A_382 : vector<16xf32>
        %swap3A_706 = arith.index_cast %add3A_671 : i32 to index
        %swap3A_707 = arith.constant 48 : index
        %swap3A_708 = tpu.vector_load %arg10[%swap3A_706, %swap3A_707] {strides = array<i32>} : memref<32x512xf32, #tpu.memory_space<vmem>>, vector<1x16xf32>,
        %swap3A_709 = vector.shape_cast %swap3A_708 : vector<1x16xf32> to vector<16xf32>
        %swap3A_710 = vector.shape_cast %add3A_705 : vector<16xf32> to vector<1x16xf32>
        tpu.vector_store %arg10[%swap3A_706, %swap3A_707], %swap3A_710 {strides = array<i32>} : memref<32x512xf32, #tpu.memory_space<vmem>>, vector<1x16xf32>,
        %get3A_711 = arith.index_cast %add3A_671 : i32 to index
        %get3A_712 = arith.constant 64 : index
        %get3A_713 = tpu.vector_load %arg10[%get3A_711, %get3A_712] {strides = array<i32>} : memref<32x512xf32, #tpu.memory_space<vmem>>, vector<1x16xf32>,
        %get3A_714 = vector.shape_cast %get3A_713 : vector<1x16xf32> to vector<16xf32>
        %add3A_715 = arith.addf %get3A_714, %get3A_386 : vector<16xf32>
        %swap3A_716 = arith.index_cast %add3A_671 : i32 to index
        %swap3A_717 = arith.constant 64 : index
        %swap3A_718 = tpu.vector_load %arg10[%swap3A_716, %swap3A_717] {strides = array<i32>} : memref<32x512xf32, #tpu.memory_space<vmem>>, vector<1x16xf32>,
        %swap3A_719 = vector.shape_cast %swap3A_718 : vector<1x16xf32> to vector<16xf32>
        %swap3A_720 = vector.shape_cast %add3A_715 : vector<16xf32> to vector<1x16xf32>
        tpu.vector_store %arg10[%swap3A_716, %swap3A_717], %swap3A_720 {strides = array<i32>} : memref<32x512xf32, #tpu.memory_space<vmem>>, vector<1x16xf32>,
        %get3A_721 = arith.index_cast %add3A_671 : i32 to index
        %get3A_722 = arith.constant 80 : index
        %get3A_723 = tpu.vector_load %arg10[%get3A_721, %get3A_722] {strides = array<i32>} : memref<32x512xf32, #tpu.memory_space<vmem>>, vector<1x16xf32>,
        %get3A_724 = vector.shape_cast %get3A_723 : vector<1x16xf32> to vector<16xf32>
        %add3A_725 = arith.addf %get3A_724, %get3A_390 : vector<16xf32>
        %swap3A_726 = arith.index_cast %add3A_671 : i32 to index
        %swap3A_727 = arith.constant 80 : index
        %swap3A_728 = tpu.vector_load %arg10[%swap3A_726, %swap3A_727] {strides = array<i32>} : memref<32x512xf32, #tpu.memory_space<vmem>>, vector<1x16xf32>,
        %swap3A_729 = vector.shape_cast %swap3A_728 : vector<1x16xf32> to vector<16xf32>
        %swap3A_730 = vector.shape_cast %add3A_725 : vector<16xf32> to vector<1x16xf32>
        tpu.vector_store %arg10[%swap3A_726, %swap3A_727], %swap3A_730 {strides = array<i32>} : memref<32x512xf32, #tpu.memory_space<vmem>>, vector<1x16xf32>,
        %get3A_731 = arith.index_cast %add3A_671 : i32 to index
        %get3A_732 = arith.constant 96 : index
        %get3A_733 = tpu.vector_load %arg10[%get3A_731, %get3A_732] {strides = array<i32>} : memref<32x512xf32, #tpu.memory_space<vmem>>, vector<1x16xf32>,
        %get3A_734 = vector.shape_cast %get3A_733 : vector<1x16xf32> to vector<16xf32>
        %add3A_735 = arith.addf %get3A_734, %get3A_394 : vector<16xf32>
        %swap3A_736 = arith.index_cast %add3A_671 : i32 to index
        %swap3A_737 = arith.constant 96 : index
        %swap3A_738 = tpu.vector_load %arg10[%swap3A_736, %swap3A_737] {strides = array<i32>} : memref<32x512xf32, #tpu.memory_space<vmem>>, vector<1x16xf32>,
        %swap3A_739 = vector.shape_cast %swap3A_738 : vector<1x16xf32> to vector<16xf32>
        %swap3A_740 = vector.shape_cast %add3A_735 : vector<16xf32> to vector<1x16xf32>
        tpu.vector_store %arg10[%swap3A_736, %swap3A_737], %swap3A_740 {strides = array<i32>} : memref<32x512xf32, #tpu.memory_space<vmem>>, vector<1x16xf32>,
        %get3A_741 = arith.index_cast %add3A_671 : i32 to index
        %get3A_742 = arith.constant 112 : index
        %get3A_743 = tpu.vector_load %arg10[%get3A_741, %get3A_742] {strides = array<i32>} : memref<32x512xf32, #tpu.memory_space<vmem>>, vector<1x16xf32>,
        %get3A_744 = vector.shape_cast %get3A_743 : vector<1x16xf32> to vector<16xf32>
        %add3A_745 = arith.addf %get3A_744, %get3A_398 : vector<16xf32>
        %swap3A_746 = arith.index_cast %add3A_671 : i32 to index
        %swap3A_747 = arith.constant 112 : index
        %swap3A_748 = tpu.vector_load %arg10[%swap3A_746, %swap3A_747] {strides = array<i32>} : memref<32x512xf32, #tpu.memory_space<vmem>>, vector<1x16xf32>,
        %swap3A_749 = vector.shape_cast %swap3A_748 : vector<1x16xf32> to vector<16xf32>
        %swap3A_750 = vector.shape_cast %add3A_745 : vector<16xf32> to vector<1x16xf32>
        tpu.vector_store %arg10[%swap3A_746, %swap3A_747], %swap3A_750 {strides = array<i32>} : memref<32x512xf32, #tpu.memory_space<vmem>>, vector<1x16xf32>,
        %get3A_751 = arith.index_cast %add3A_671 : i32 to index
        %get3A_752 = arith.constant 128 : index
        %get3A_753 = tpu.vector_load %arg10[%get3A_751, %get3A_752] {strides = array<i32>} : memref<32x512xf32, #tpu.memory_space<vmem>>, vector<1x16xf32>,
        %get3A_754 = vector.shape_cast %get3A_753 : vector<1x16xf32> to vector<16xf32>
        %add3A_755 = arith.addf %get3A_754, %get3A_402 : vector<16xf32>
        %swap3A_756 = arith.index_cast %add3A_671 : i32 to index
        %swap3A_757 = arith.constant 128 : index
        %swap3A_758 = tpu.vector_load %arg10[%swap3A_756, %swap3A_757] {strides = array<i32>} : memref<32x512xf32, #tpu.memory_space<vmem>>, vector<1x16xf32>,
        %swap3A_759 = vector.shape_cast %swap3A_758 : vector<1x16xf32> to vector<16xf32>
        %swap3A_760 = vector.shape_cast %add3A_755 : vector<16xf32> to vector<1x16xf32>
        tpu.vector_store %arg10[%swap3A_756, %swap3A_757], %swap3A_760 {strides = array<i32>} : memref<32x512xf32, #tpu.memory_space<vmem>>, vector<1x16xf32>,
        %get3A_761 = arith.index_cast %add3A_671 : i32 to index
        %get3A_762 = arith.constant 144 : index
        %get3A_763 = tpu.vector_load %arg10[%get3A_761, %get3A_762] {strides = array<i32>} : memref<32x512xf32, #tpu.memory_space<vmem>>, vector<1x16xf32>,
        %get3A_764 = vector.shape_cast %get3A_763 : vector<1x16xf32> to vector<16xf32>
        %add3A_765 = arith.addf %get3A_764, %get3A_406 : vector<16xf32>
        %swap3A_766 = arith.index_cast %add3A_671 : i32 to index
        %swap3A_767 = arith.constant 144 : index
        %swap3A_768 = tpu.vector_load %arg10[%swap3A_766, %swap3A_767] {strides = array<i32>} : memref<32x512xf32, #tpu.memory_space<vmem>>, vector<1x16xf32>,
        %swap3A_769 = vector.shape_cast %swap3A_768 : vector<1x16xf32> to vector<16xf32>
        %swap3A_770 = vector.shape_cast %add3A_765 : vector<16xf32> to vector<1x16xf32>
        tpu.vector_store %arg10[%swap3A_766, %swap3A_767], %swap3A_770 {strides = array<i32>} : memref<32x512xf32, #tpu.memory_space<vmem>>, vector<1x16xf32>,
        %get3A_771 = arith.index_cast %add3A_671 : i32 to index
        %get3A_772 = arith.constant 160 : index
        %get3A_773 = tpu.vector_load %arg10[%get3A_771, %get3A_772] {strides = array<i32>} : memref<32x512xf32, #tpu.memory_space<vmem>>, vector<1x16xf32>,
        %get3A_774 = vector.shape_cast %get3A_773 : vector<1x16xf32> to vector<16xf32>
        %add3A_775 = arith.addf %get3A_774, %get3A_410 : vector<16xf32>
        %swap3A_776 = arith.index_cast %add3A_671 : i32 to index
        %swap3A_777 = arith.constant 160 : index
        %swap3A_778 = tpu.vector_load %arg10[%swap3A_776, %swap3A_777] {strides = array<i32>} : memref<32x512xf32, #tpu.memory_space<vmem>>, vector<1x16xf32>,
        %swap3A_779 = vector.shape_cast %swap3A_778 : vector<1x16xf32> to vector<16xf32>
        %swap3A_780 = vector.shape_cast %add3A_775 : vector<16xf32> to vector<1x16xf32>
        tpu.vector_store %arg10[%swap3A_776, %swap3A_777], %swap3A_780 {strides = array<i32>} : memref<32x512xf32, #tpu.memory_space<vmem>>, vector<1x16xf32>,
        %get3A_781 = arith.index_cast %add3A_671 : i32 to index
        %get3A_782 = arith.constant 176 : index
        %get3A_783 = tpu.vector_load %arg10[%get3A_781, %get3A_782] {strides = array<i32>} : memref<32x512xf32, #tpu.memory_space<vmem>>, vector<1x16xf32>,
        %get3A_784 = vector.shape_cast %get3A_783 : vector<1x16xf32> to vector<16xf32>
        %add3A_785 = arith.addf %get3A_784, %get3A_414 : vector<16xf32>
        %swap3A_786 = arith.index_cast %add3A_671 : i32 to index
        %swap3A_787 = arith.constant 176 : index
        %swap3A_788 = tpu.vector_load %arg10[%swap3A_786, %swap3A_787] {strides = array<i32>} : memref<32x512xf32, #tpu.memory_space<vmem>>, vector<1x16xf32>,
        %swap3A_789 = vector.shape_cast %swap3A_788 : vector<1x16xf32> to vector<16xf32>
        %swap3A_790 = vector.shape_cast %add3A_785 : vector<16xf32> to vector<1x16xf32>
        tpu.vector_store %arg10[%swap3A_786, %swap3A_787], %swap3A_790 {strides = array<i32>} : memref<32x512xf32, #tpu.memory_space<vmem>>, vector<1x16xf32>,
        %get3A_791 = arith.index_cast %add3A_671 : i32 to index
        %get3A_792 = arith.constant 192 : index
        %get3A_793 = tpu.vector_load %arg10[%get3A_791, %get3A_792] {strides = array<i32>} : memref<32x512xf32, #tpu.memory_space<vmem>>, vector<1x16xf32>,
        %get3A_794 = vector.shape_cast %get3A_793 : vector<1x16xf32> to vector<16xf32>
        %add3A_795 = arith.addf %get3A_794, %get3A_418 : vector<16xf32>
        %swap3A_796 = arith.index_cast %add3A_671 : i32 to index
        %swap3A_797 = arith.constant 192 : index
        %swap3A_798 = tpu.vector_load %arg10[%swap3A_796, %swap3A_797] {strides = array<i32>} : memref<32x512xf32, #tpu.memory_space<vmem>>, vector<1x16xf32>,
        %swap3A_799 = vector.shape_cast %swap3A_798 : vector<1x16xf32> to vector<16xf32>
        %swap3A_800 = vector.shape_cast %add3A_795 : vector<16xf32> to vector<1x16xf32>
        tpu.vector_store %arg10[%swap3A_796, %swap3A_797], %swap3A_800 {strides = array<i32>} : memref<32x512xf32, #tpu.memory_space<vmem>>, vector<1x16xf32>,
        %get3A_801 = arith.index_cast %add3A_671 : i32 to index
        %get3A_802 = arith.constant 208 : index
        %get3A_803 = tpu.vector_load %arg10[%get3A_801, %get3A_802] {strides = array<i32>} : memref<32x512xf32, #tpu.memory_space<vmem>>, vector<1x16xf32>,
        %get3A_804 = vector.shape_cast %get3A_803 : vector<1x16xf32> to vector<16xf32>
        %add3A_805 = arith.addf %get3A_804, %get3A_422 : vector<16xf32>
        %swap3A_806 = arith.index_cast %add3A_671 : i32 to index
        %swap3A_807 = arith.constant 208 : index
        %swap3A_808 = tpu.vector_load %arg10[%swap3A_806, %swap3A_807] {strides = array<i32>} : memref<32x512xf32, #tpu.memory_space<vmem>>, vector<1x16xf32>,
        %swap3A_809 = vector.shape_cast %swap3A_808 : vector<1x16xf32> to vector<16xf32>
        %swap3A_810 = vector.shape_cast %add3A_805 : vector<16xf32> to vector<1x16xf32>
        tpu.vector_store %arg10[%swap3A_806, %swap3A_807], %swap3A_810 {strides = array<i32>} : memref<32x512xf32, #tpu.memory_space<vmem>>, vector<1x16xf32>,
        %get3A_811 = arith.index_cast %add3A_671 : i32 to index
        %get3A_812 = arith.constant 224 : index
        %get3A_813 = tpu.vector_load %arg10[%get3A_811, %get3A_812] {strides = array<i32>} : memref<32x512xf32, #tpu.memory_space<vmem>>, vector<1x16xf32>,
        %get3A_814 = vector.shape_cast %get3A_813 : vector<1x16xf32> to vector<16xf32>
        %add3A_815 = arith.addf %get3A_814, %get3A_426 : vector<16xf32>
        %swap3A_816 = arith.index_cast %add3A_671 : i32 to index
        %swap3A_817 = arith.constant 224 : index
        %swap3A_818 = tpu.vector_load %arg10[%swap3A_816, %swap3A_817] {strides = array<i32>} : memref<32x512xf32, #tpu.memory_space<vmem>>, vector<1x16xf32>,
        %swap3A_819 = vector.shape_cast %swap3A_818 : vector<1x16xf32> to vector<16xf32>
        %swap3A_820 = vector.shape_cast %add3A_815 : vector<16xf32> to vector<1x16xf32>
        tpu.vector_store %arg10[%swap3A_816, %swap3A_817], %swap3A_820 {strides = array<i32>} : memref<32x512xf32, #tpu.memory_space<vmem>>, vector<1x16xf32>,
        %get3A_821 = arith.index_cast %add3A_671 : i32 to index
        %get3A_822 = arith.constant 240 : index
        %get3A_823 = tpu.vector_load %arg10[%get3A_821, %get3A_822] {strides = array<i32>} : memref<32x512xf32, #tpu.memory_space<vmem>>, vector<1x16xf32>,
        %get3A_824 = vector.shape_cast %get3A_823 : vector<1x16xf32> to vector<16xf32>
        %add3A_825 = arith.addf %get3A_824, %get3A_430 : vector<16xf32>
        %swap3A_826 = arith.index_cast %add3A_671 : i32 to index
        %swap3A_827 = arith.constant 240 : index
        %swap3A_828 = tpu.vector_load %arg10[%swap3A_826, %swap3A_827] {strides = array<i32>} : memref<32x512xf32, #tpu.memory_space<vmem>>, vector<1x16xf32>,
        %swap3A_829 = vector.shape_cast %swap3A_828 : vector<1x16xf32> to vector<16xf32>
        %swap3A_830 = vector.shape_cast %add3A_825 : vector<16xf32> to vector<1x16xf32>
        tpu.vector_store %arg10[%swap3A_826, %swap3A_827], %swap3A_830 {strides = array<i32>} : memref<32x512xf32, #tpu.memory_space<vmem>>, vector<1x16xf32>,
        %get3A_831 = arith.index_cast %add3A_671 : i32 to index
        %get3A_832 = arith.constant 256 : index
        %get3A_833 = tpu.vector_load %arg10[%get3A_831, %get3A_832] {strides = array<i32>} : memref<32x512xf32, #tpu.memory_space<vmem>>, vector<1x16xf32>,
        %get3A_834 = vector.shape_cast %get3A_833 : vector<1x16xf32> to vector<16xf32>
        %add3A_835 = arith.addf %get3A_834, %get3A_434 : vector<16xf32>
        %swap3A_836 = arith.index_cast %add3A_671 : i32 to index
        %swap3A_837 = arith.constant 256 : index
        %swap3A_838 = tpu.vector_load %arg10[%swap3A_836, %swap3A_837] {strides = array<i32>} : memref<32x512xf32, #tpu.memory_space<vmem>>, vector<1x16xf32>,
        %swap3A_839 = vector.shape_cast %swap3A_838 : vector<1x16xf32> to vector<16xf32>
        %swap3A_840 = vector.shape_cast %add3A_835 : vector<16xf32> to vector<1x16xf32>
        tpu.vector_store %arg10[%swap3A_836, %swap3A_837], %swap3A_840 {strides = array<i32>} : memref<32x512xf32, #tpu.memory_space<vmem>>, vector<1x16xf32>,
        %get3A_841 = arith.index_cast %add3A_671 : i32 to index
        %get3A_842 = arith.constant 272 : index
        %get3A_843 = tpu.vector_load %arg10[%get3A_841, %get3A_842] {strides = array<i32>} : memref<32x512xf32, #tpu.memory_space<vmem>>, vector<1x16xf32>,
        %get3A_844 = vector.shape_cast %get3A_843 : vector<1x16xf32> to vector<16xf32>
        %add3A_845 = arith.addf %get3A_844, %get3A_438 : vector<16xf32>
        %swap3A_846 = arith.index_cast %add3A_671 : i32 to index
        %swap3A_847 = arith.constant 272 : index
        %swap3A_848 = tpu.vector_load %arg10[%swap3A_846, %swap3A_847] {strides = array<i32>} : memref<32x512xf32, #tpu.memory_space<vmem>>, vector<1x16xf32>,
        %swap3A_849 = vector.shape_cast %swap3A_848 : vector<1x16xf32> to vector<16xf32>
        %swap3A_850 = vector.shape_cast %add3A_845 : vector<16xf32> to vector<1x16xf32>
        tpu.vector_store %arg10[%swap3A_846, %swap3A_847], %swap3A_850 {strides = array<i32>} : memref<32x512xf32, #tpu.memory_space<vmem>>, vector<1x16xf32>,
        %get3A_851 = arith.index_cast %add3A_671 : i32 to index
        %get3A_852 = arith.constant 288 : index
        %get3A_853 = tpu.vector_load %arg10[%get3A_851, %get3A_852] {strides = array<i32>} : memref<32x512xf32, #tpu.memory_space<vmem>>, vector<1x16xf32>,
        %get3A_854 = vector.shape_cast %get3A_853 : vector<1x16xf32> to vector<16xf32>
        %add3A_855 = arith.addf %get3A_854, %get3A_442 : vector<16xf32>
        %swap3A_856 = arith.index_cast %add3A_671 : i32 to index
        %swap3A_857 = arith.constant 288 : index
        %swap3A_858 = tpu.vector_load %arg10[%swap3A_856, %swap3A_857] {strides = array<i32>} : memref<32x512xf32, #tpu.memory_space<vmem>>, vector<1x16xf32>,
        %swap3A_859 = vector.shape_cast %swap3A_858 : vector<1x16xf32> to vector<16xf32>
        %swap3A_860 = vector.shape_cast %add3A_855 : vector<16xf32> to vector<1x16xf32>
        tpu.vector_store %arg10[%swap3A_856, %swap3A_857], %swap3A_860 {strides = array<i32>} : memref<32x512xf32, #tpu.memory_space<vmem>>, vector<1x16xf32>,
        %get3A_861 = arith.index_cast %add3A_671 : i32 to index
        %get3A_862 = arith.constant 304 : index
        %get3A_863 = tpu.vector_load %arg10[%get3A_861, %get3A_862] {strides = array<i32>} : memref<32x512xf32, #tpu.memory_space<vmem>>, vector<1x16xf32>,
        %get3A_864 = vector.shape_cast %get3A_863 : vector<1x16xf32> to vector<16xf32>
        %add3A_865 = arith.addf %get3A_864, %get3A_446 : vector<16xf32>
        %swap3A_866 = arith.index_cast %add3A_671 : i32 to index
        %swap3A_867 = arith.constant 304 : index
        %swap3A_868 = tpu.vector_load %arg10[%swap3A_866, %swap3A_867] {strides = array<i32>} : memref<32x512xf32, #tpu.memory_space<vmem>>, vector<1x16xf32>,
        %swap3A_869 = vector.shape_cast %swap3A_868 : vector<1x16xf32> to vector<16xf32>
        %swap3A_870 = vector.shape_cast %add3A_865 : vector<16xf32> to vector<1x16xf32>
        tpu.vector_store %arg10[%swap3A_866, %swap3A_867], %swap3A_870 {strides = array<i32>} : memref<32x512xf32, #tpu.memory_space<vmem>>, vector<1x16xf32>,
        %get3A_871 = arith.index_cast %add3A_671 : i32 to index
        %get3A_872 = arith.constant 320 : index
        %get3A_873 = tpu.vector_load %arg10[%get3A_871, %get3A_872] {strides = array<i32>} : memref<32x512xf32, #tpu.memory_space<vmem>>, vector<1x16xf32>,
        %get3A_874 = vector.shape_cast %get3A_873 : vector<1x16xf32> to vector<16xf32>
        %add3A_875 = arith.addf %get3A_874, %get3A_450 : vector<16xf32>
        %swap3A_876 = arith.index_cast %add3A_671 : i32 to index
        %swap3A_877 = arith.constant 320 : index
        %swap3A_878 = tpu.vector_load %arg10[%swap3A_876, %swap3A_877] {strides = array<i32>} : memref<32x512xf32, #tpu.memory_space<vmem>>, vector<1x16xf32>,
        %swap3A_879 = vector.shape_cast %swap3A_878 : vector<1x16xf32> to vector<16xf32>
        %swap3A_880 = vector.shape_cast %add3A_875 : vector<16xf32> to vector<1x16xf32>
        tpu.vector_store %arg10[%swap3A_876, %swap3A_877], %swap3A_880 {strides = array<i32>} : memref<32x512xf32, #tpu.memory_space<vmem>>, vector<1x16xf32>,
        %get3A_881 = arith.index_cast %add3A_671 : i32 to index
        %get3A_882 = arith.constant 336 : index
        %get3A_883 = tpu.vector_load %arg10[%get3A_881, %get3A_882] {strides = array<i32>} : memref<32x512xf32, #tpu.memory_space<vmem>>, vector<1x16xf32>,
        %get3A_884 = vector.shape_cast %get3A_883 : vector<1x16xf32> to vector<16xf32>
        %add3A_885 = arith.addf %get3A_884, %get3A_454 : vector<16xf32>
        %swap3A_886 = arith.index_cast %add3A_671 : i32 to index
        %swap3A_887 = arith.constant 336 : index
        %swap3A_888 = tpu.vector_load %arg10[%swap3A_886, %swap3A_887] {strides = array<i32>} : memref<32x512xf32, #tpu.memory_space<vmem>>, vector<1x16xf32>,
        %swap3A_889 = vector.shape_cast %swap3A_888 : vector<1x16xf32> to vector<16xf32>
        %swap3A_890 = vector.shape_cast %add3A_885 : vector<16xf32> to vector<1x16xf32>
        tpu.vector_store %arg10[%swap3A_886, %swap3A_887], %swap3A_890 {strides = array<i32>} : memref<32x512xf32, #tpu.memory_space<vmem>>, vector<1x16xf32>,
        %get3A_891 = arith.index_cast %add3A_671 : i32 to index
        %get3A_892 = arith.constant 352 : index
        %get3A_893 = tpu.vector_load %arg10[%get3A_891, %get3A_892] {strides = array<i32>} : memref<32x512xf32, #tpu.memory_space<vmem>>, vector<1x16xf32>,
        %get3A_894 = vector.shape_cast %get3A_893 : vector<1x16xf32> to vector<16xf32>
        %add3A_895 = arith.addf %get3A_894, %get3A_458 : vector<16xf32>
        %swap3A_896 = arith.index_cast %add3A_671 : i32 to index
        %swap3A_897 = arith.constant 352 : index
        %swap3A_898 = tpu.vector_load %arg10[%swap3A_896, %swap3A_897] {strides = array<i32>} : memref<32x512xf32, #tpu.memory_space<vmem>>, vector<1x16xf32>,
        %swap3A_899 = vector.shape_cast %swap3A_898 : vector<1x16xf32> to vector<16xf32>
        %swap3A_900 = vector.shape_cast %add3A_895 : vector<16xf32> to vector<1x16xf32>
        tpu.vector_store %arg10[%swap3A_896, %swap3A_897], %swap3A_900 {strides = array<i32>} : memref<32x512xf32, #tpu.memory_space<vmem>>, vector<1x16xf32>,
        %get3A_901 = arith.index_cast %add3A_671 : i32 to index
        %get3A_902 = arith.constant 368 : index
        %get3A_903 = tpu.vector_load %arg10[%get3A_901, %get3A_902] {strides = array<i32>} : memref<32x512xf32, #tpu.memory_space<vmem>>, vector<1x16xf32>,
        %get3A_904 = vector.shape_cast %get3A_903 : vector<1x16xf32> to vector<16xf32>
        %add3A_905 = arith.addf %get3A_904, %get3A_462 : vector<16xf32>
        %swap3A_906 = arith.index_cast %add3A_671 : i32 to index
        %swap3A_907 = arith.constant 368 : index
        %swap3A_908 = tpu.vector_load %arg10[%swap3A_906, %swap3A_907] {strides = array<i32>} : memref<32x512xf32, #tpu.memory_space<vmem>>, vector<1x16xf32>,
        %swap3A_909 = vector.shape_cast %swap3A_908 : vector<1x16xf32> to vector<16xf32>
        %swap3A_910 = vector.shape_cast %add3A_905 : vector<16xf32> to vector<1x16xf32>
        tpu.vector_store %arg10[%swap3A_906, %swap3A_907], %swap3A_910 {strides = array<i32>} : memref<32x512xf32, #tpu.memory_space<vmem>>, vector<1x16xf32>,
        %get3A_911 = arith.index_cast %add3A_671 : i32 to index
        %get3A_912 = arith.constant 384 : index
        %get3A_913 = tpu.vector_load %arg10[%get3A_911, %get3A_912] {strides = array<i32>} : memref<32x512xf32, #tpu.memory_space<vmem>>, vector<1x16xf32>,
        %get3A_914 = vector.shape_cast %get3A_913 : vector<1x16xf32> to vector<16xf32>
        %add3A_915 = arith.addf %get3A_914, %get3A_466 : vector<16xf32>
        %swap3A_916 = arith.index_cast %add3A_671 : i32 to index
        %swap3A_917 = arith.constant 384 : index
        %swap3A_918 = tpu.vector_load %arg10[%swap3A_916, %swap3A_917] {strides = array<i32>} : memref<32x512xf32, #tpu.memory_space<vmem>>, vector<1x16xf32>,
        %swap3A_919 = vector.shape_cast %swap3A_918 : vector<1x16xf32> to vector<16xf32>
        %swap3A_920 = vector.shape_cast %add3A_915 : vector<16xf32> to vector<1x16xf32>
        tpu.vector_store %arg10[%swap3A_916, %swap3A_917], %swap3A_920 {strides = array<i32>} : memref<32x512xf32, #tpu.memory_space<vmem>>, vector<1x16xf32>,
        %get3A_921 = arith.index_cast %add3A_671 : i32 to index
        %get3A_922 = arith.constant 400 : index
        %get3A_923 = tpu.vector_load %arg10[%get3A_921, %get3A_922] {strides = array<i32>} : memref<32x512xf32, #tpu.memory_space<vmem>>, vector<1x16xf32>,
        %get3A_924 = vector.shape_cast %get3A_923 : vector<1x16xf32> to vector<16xf32>
        %add3A_925 = arith.addf %get3A_924, %get3A_470 : vector<16xf32>
        %swap3A_926 = arith.index_cast %add3A_671 : i32 to index
        %swap3A_927 = arith.constant 400 : index
        %swap3A_928 = tpu.vector_load %arg10[%swap3A_926, %swap3A_927] {strides = array<i32>} : memref<32x512xf32, #tpu.memory_space<vmem>>, vector<1x16xf32>,
        %swap3A_929 = vector.shape_cast %swap3A_928 : vector<1x16xf32> to vector<16xf32>
        %swap3A_930 = vector.shape_cast %add3A_925 : vector<16xf32> to vector<1x16xf32>
        tpu.vector_store %arg10[%swap3A_926, %swap3A_927], %swap3A_930 {strides = array<i32>} : memref<32x512xf32, #tpu.memory_space<vmem>>, vector<1x16xf32>,
        %get3A_931 = arith.index_cast %add3A_671 : i32 to index
        %get3A_932 = arith.constant 416 : index
        %get3A_933 = tpu.vector_load %arg10[%get3A_931, %get3A_932] {strides = array<i32>} : memref<32x512xf32, #tpu.memory_space<vmem>>, vector<1x16xf32>,
        %get3A_934 = vector.shape_cast %get3A_933 : vector<1x16xf32> to vector<16xf32>
        %add3A_935 = arith.addf %get3A_934, %get3A_474 : vector<16xf32>
        %swap3A_936 = arith.index_cast %add3A_671 : i32 to index
        %swap3A_937 = arith.constant 416 : index
        %swap3A_938 = tpu.vector_load %arg10[%swap3A_936, %swap3A_937] {strides = array<i32>} : memref<32x512xf32, #tpu.memory_space<vmem>>, vector<1x16xf32>,
        %swap3A_939 = vector.shape_cast %swap3A_938 : vector<1x16xf32> to vector<16xf32>
        %swap3A_940 = vector.shape_cast %add3A_935 : vector<16xf32> to vector<1x16xf32>
        tpu.vector_store %arg10[%swap3A_936, %swap3A_937], %swap3A_940 {strides = array<i32>} : memref<32x512xf32, #tpu.memory_space<vmem>>, vector<1x16xf32>,
        %get3A_941 = arith.index_cast %add3A_671 : i32 to index
        %get3A_942 = arith.constant 432 : index
        %get3A_943 = tpu.vector_load %arg10[%get3A_941, %get3A_942] {strides = array<i32>} : memref<32x512xf32, #tpu.memory_space<vmem>>, vector<1x16xf32>,
        %get3A_944 = vector.shape_cast %get3A_943 : vector<1x16xf32> to vector<16xf32>
        %add3A_945 = arith.addf %get3A_944, %get3A_478 : vector<16xf32>
        %swap3A_946 = arith.index_cast %add3A_671 : i32 to index
        %swap3A_947 = arith.constant 432 : index
        %swap3A_948 = tpu.vector_load %arg10[%swap3A_946, %swap3A_947] {strides = array<i32>} : memref<32x512xf32, #tpu.memory_space<vmem>>, vector<1x16xf32>,
        %swap3A_949 = vector.shape_cast %swap3A_948 : vector<1x16xf32> to vector<16xf32>
        %swap3A_950 = vector.shape_cast %add3A_945 : vector<16xf32> to vector<1x16xf32>
        tpu.vector_store %arg10[%swap3A_946, %swap3A_947], %swap3A_950 {strides = array<i32>} : memref<32x512xf32, #tpu.memory_space<vmem>>, vector<1x16xf32>,
        %get3A_951 = arith.index_cast %add3A_671 : i32 to index
        %get3A_952 = arith.constant 448 : index
        %get3A_953 = tpu.vector_load %arg10[%get3A_951, %get3A_952] {strides = array<i32>} : memref<32x512xf32, #tpu.memory_space<vmem>>, vector<1x16xf32>,
        %get3A_954 = vector.shape_cast %get3A_953 : vector<1x16xf32> to vector<16xf32>
        %add3A_955 = arith.addf %get3A_954, %get3A_482 : vector<16xf32>
        %swap3A_956 = arith.index_cast %add3A_671 : i32 to index
        %swap3A_957 = arith.constant 448 : index
        %swap3A_958 = tpu.vector_load %arg10[%swap3A_956, %swap3A_957] {strides = array<i32>} : memref<32x512xf32, #tpu.memory_space<vmem>>, vector<1x16xf32>,
        %swap3A_959 = vector.shape_cast %swap3A_958 : vector<1x16xf32> to vector<16xf32>
        %swap3A_960 = vector.shape_cast %add3A_955 : vector<16xf32> to vector<1x16xf32>
        tpu.vector_store %arg10[%swap3A_956, %swap3A_957], %swap3A_960 {strides = array<i32>} : memref<32x512xf32, #tpu.memory_space<vmem>>, vector<1x16xf32>,
        %get3A_961 = arith.index_cast %add3A_671 : i32 to index
        %get3A_962 = arith.constant 464 : index
        %get3A_963 = tpu.vector_load %arg10[%get3A_961, %get3A_962] {strides = array<i32>} : memref<32x512xf32, #tpu.memory_space<vmem>>, vector<1x16xf32>,
        %get3A_964 = vector.shape_cast %get3A_963 : vector<1x16xf32> to vector<16xf32>
        %add3A_965 = arith.addf %get3A_964, %get3A_486 : vector<16xf32>
        %swap3A_966 = arith.index_cast %add3A_671 : i32 to index
        %swap3A_967 = arith.constant 464 : index
        %swap3A_968 = tpu.vector_load %arg10[%swap3A_966, %swap3A_967] {strides = array<i32>} : memref<32x512xf32, #tpu.memory_space<vmem>>, vector<1x16xf32>,
        %swap3A_969 = vector.shape_cast %swap3A_968 : vector<1x16xf32> to vector<16xf32>
        %swap3A_970 = vector.shape_cast %add3A_965 : vector<16xf32> to vector<1x16xf32>
        tpu.vector_store %arg10[%swap3A_966, %swap3A_967], %swap3A_970 {strides = array<i32>} : memref<32x512xf32, #tpu.memory_space<vmem>>, vector<1x16xf32>,
        %get3A_971 = arith.index_cast %add3A_671 : i32 to index
        %get3A_972 = arith.constant 480 : index
        %get3A_973 = tpu.vector_load %arg10[%get3A_971, %get3A_972] {strides = array<i32>} : memref<32x512xf32, #tpu.memory_space<vmem>>, vector<1x16xf32>,
        %get3A_974 = vector.shape_cast %get3A_973 : vector<1x16xf32> to vector<16xf32>
        %add3A_975 = arith.addf %get3A_974, %get3A_490 : vector<16xf32>
        %swap3A_976 = arith.index_cast %add3A_671 : i32 to index
        %swap3A_977 = arith.constant 480 : index
        %swap3A_978 = tpu.vector_load %arg10[%swap3A_976, %swap3A_977] {strides = array<i32>} : memref<32x512xf32, #tpu.memory_space<vmem>>, vector<1x16xf32>,
        %swap3A_979 = vector.shape_cast %swap3A_978 : vector<1x16xf32> to vector<16xf32>
        %swap3A_980 = vector.shape_cast %add3A_975 : vector<16xf32> to vector<1x16xf32>
        tpu.vector_store %arg10[%swap3A_976, %swap3A_977], %swap3A_980 {strides = array<i32>} : memref<32x512xf32, #tpu.memory_space<vmem>>, vector<1x16xf32>,
        %get3A_981 = arith.index_cast %add3A_671 : i32 to index
        %get3A_982 = arith.constant 496 : index
        %get3A_983 = tpu.vector_load %arg10[%get3A_981, %get3A_982] {strides = array<i32>} : memref<32x512xf32, #tpu.memory_space<vmem>>, vector<1x16xf32>,
        %get3A_984 = vector.shape_cast %get3A_983 : vector<1x16xf32> to vector<16xf32>
        %add3A_985 = arith.addf %get3A_984, %get3A_494 : vector<16xf32>
        %swap3A_986 = arith.index_cast %add3A_671 : i32 to index
        %swap3A_987 = arith.constant 496 : index
        %swap3A_988 = tpu.vector_load %arg10[%swap3A_986, %swap3A_987] {strides = array<i32>} : memref<32x512xf32, #tpu.memory_space<vmem>>, vector<1x16xf32>,
        %swap3A_989 = vector.shape_cast %swap3A_988 : vector<1x16xf32> to vector<16xf32>
        %swap3A_990 = vector.shape_cast %add3A_985 : vector<16xf32> to vector<1x16xf32>
        tpu.vector_store %arg10[%swap3A_986, %swap3A_987], %swap3A_990 {strides = array<i32>} : memref<32x512xf32, #tpu.memory_space<vmem>>, vector<1x16xf32>,
      }
      %scan3A_499 = arith.constant 32 : i32
      %mul3A_500 = arith.constant 1024 : i32
      %mul3A_501 = arith.muli %add3A_350, %mul3A_500 : i32
      %add3A_502 = arith.addi %mul3A_501, %mul3A_2 : i32
      %dma_start3A_503 = arith.constant 0 : i32
      %dma_start3A_504 = tpu.memref_slice %arg5[%add3A_502, %dma_start3A_503] : memref<102400x512xf32, #tpu.memory_space<hbm>> -> memref<32x512xf32, #tpu.memory_space<hbm>>
      %dma_start3A_505 = arith.constant 0 : i32
      %dma_start3A_506 = tpu.memref_slice %arg5[%add3A_502, %dma_start3A_505] : memref<102400x512xf32, #tpu.memory_space<hbm>> -> memref<32x512xf32, #tpu.memory_space<hbm>>
      tpu.enqueue_dma source(%arg10 : memref<32x512xf32, #tpu.memory_space<vmem>>) target(%dma_start3A_506 : memref<32x512xf32, #tpu.memory_space<hbm>>) target_semaphore(%arg13 : memref<!tpu.dma_semaphore, #tpu.memory_space<semaphore_mem>>)
      %mul3A_507 = arith.constant 4 : i32
      %mul3A_508 = arith.muli %mul3A_507, %scan3A_31 : i32
      %add3A_509 = arith.constant 3 : i32
      %add3A_510 = arith.addi %mul3A_508, %add3A_509 : i32
      %dma_wait3A_511 = arith.constant 0 : i32
      %dma_wait3A_512 = arith.constant 0 : i32
      %dma_wait3A_513 = tpu.memref_slice %arg3[%dma_wait3A_511, %dma_wait3A_512] : memref<32000x512xf32, #tpu.memory_space<hbm>> -> memref<32x512xf32, #tpu.memory_space<hbm>>
      %dma_wait3A_514 = arith.constant 0 : i32
      %dma_wait3A_515 = arith.constant 0 : i32
      %dma_wait3A_516 = tpu.memref_slice %arg3[%dma_wait3A_514, %dma_wait3A_515] : memref<32000x512xf32, #tpu.memory_space<hbm>> -> memref<32x512xf32, #tpu.memory_space<hbm>>
      tpu.wait_dma2 semaphore(%arg12 : memref<!tpu.dma_semaphore, #tpu.memory_space<semaphore_mem>>) src(%dma_wait3A_516 : memref<32x512xf32, #tpu.memory_space<hbm>>) dst(%arg11 : memref<32x512xf32, #tpu.memory_space<vmem>>)
      %ge3A_517 = arith.constant 2 : i32
      %ge3A_518 = arith.cmpi sge, %add3A_510, %ge3A_517 : i32
      %convert_element_type3A_519 = arith.extui %ge3A_518 : i1 to i32
      %cond3A_520 = arith.constant 0 : i32
      %cond3A_521 = arith.cmpi ne, %convert_element_type3A_519, %cond3A_520 : i32
      scf.if %cond3A_521 {
        %dma_wait3A_667 = arith.constant 0 : i32
        %dma_wait3A_668 = arith.constant 0 : i32
        %dma_wait3A_669 = tpu.memref_slice %arg5[%dma_wait3A_667, %dma_wait3A_668] : memref<102400x512xf32, #tpu.memory_space<hbm>> -> memref<32x512xf32, #tpu.memory_space<hbm>>
        %dma_wait3A_670 = arith.constant 0 : i32
        %dma_wait3A_671 = arith.constant 0 : i32
        %dma_wait3A_672 = tpu.memref_slice %arg5[%dma_wait3A_670, %dma_wait3A_671] : memref<102400x512xf32, #tpu.memory_space<hbm>> -> memref<32x512xf32, #tpu.memory_space<hbm>>
        tpu.wait_dma2 semaphore(%arg13 : memref<!tpu.dma_semaphore, #tpu.memory_space<semaphore_mem>>) src(%arg9 : memref<32x512xf32, #tpu.memory_space<vmem>>) dst(%dma_wait3A_672 : memref<32x512xf32, #tpu.memory_space<hbm>>)
      } else {
      }
      %lt3A_522 = arith.constant 98 : i32
      %lt3A_523 = arith.cmpi slt, %add3A_510, %lt3A_522 : i32
      %convert_element_type3A_524 = arith.extui %lt3A_523 : i1 to i32
      %cond3A_525 = arith.constant 0 : i32
      %cond3A_526 = arith.cmpi ne, %convert_element_type3A_524, %cond3A_525 : i32
      scf.if %cond3A_526 {
        %add3A_667 = arith.constant 2 : i32
        %add3A_668 = arith.addi %add3A_510, %add3A_667 : i32
        %mul3A_669 = arith.constant 32 : i32
        %mul3A_670 = arith.muli %add3A_668, %mul3A_669 : i32
        %dma_start3A_671 = tpu.memref_slice %arg6[%mul3A_670] : memref<3200xi32, #tpu.memory_space<vmem>> -> memref<32xi32, #tpu.memory_space<vmem>>
        %dma_start3A_672 = arith.constant 0 : i32
        %dma_start3A_673 = arith.constant 0 : i32
        %dma_start3A_674 = tpu.memref_slice %arg3[%dma_start3A_672, %dma_start3A_673] : memref<32000x512xf32, #tpu.memory_space<hbm>> -> memref<32000x512xf32, #tpu.memory_space<hbm>>
        tpu.enqueue_indirect_dma source(%dma_start3A_674 : memref<32000x512xf32, #tpu.memory_space<hbm>>) target(%arg9 : memref<32x512xf32, #tpu.memory_space<vmem>>) offsets(%dma_start3A_671 : memref<32xi32, #tpu.memory_space<vmem>>) semaphore(%arg12 : memref<!tpu.dma_semaphore, #tpu.memory_space<semaphore_mem>>)
      } else {
      }
      %get3A_527 = arith.index_cast %add3A_510 : i32 to index
      %get3A_528 = arith.constant 0 : index
      %get3A_529 = tpu.vector_load %arg7[%get3A_527, %get3A_528] {strides = array<i32>} : memref<100x512xf32, #tpu.memory_space<vmem>>, vector<1x16xf32>,
      %get3A_530 = vector.shape_cast %get3A_529 : vector<1x16xf32> to vector<16xf32>
      %get3A_531 = arith.index_cast %add3A_510 : i32 to index
      %get3A_532 = arith.constant 16 : index
      %get3A_533 = tpu.vector_load %arg7[%get3A_531, %get3A_532] {strides = array<i32>} : memref<100x512xf32, #tpu.memory_space<vmem>>, vector<1x16xf32>,
      %get3A_534 = vector.shape_cast %get3A_533 : vector<1x16xf32> to vector<16xf32>
      %get3A_535 = arith.index_cast %add3A_510 : i32 to index
      %get3A_536 = arith.constant 32 : index
      %get3A_537 = tpu.vector_load %arg7[%get3A_535, %get3A_536] {strides = array<i32>} : memref<100x512xf32, #tpu.memory_space<vmem>>, vector<1x16xf32>,
      %get3A_538 = vector.shape_cast %get3A_537 : vector<1x16xf32> to vector<16xf32>
      %get3A_539 = arith.index_cast %add3A_510 : i32 to index
      %get3A_540 = arith.constant 48 : index
      %get3A_541 = tpu.vector_load %arg7[%get3A_539, %get3A_540] {strides = array<i32>} : memref<100x512xf32, #tpu.memory_space<vmem>>, vector<1x16xf32>,
      %get3A_542 = vector.shape_cast %get3A_541 : vector<1x16xf32> to vector<16xf32>
      %get3A_543 = arith.index_cast %add3A_510 : i32 to index
      %get3A_544 = arith.constant 64 : index
      %get3A_545 = tpu.vector_load %arg7[%get3A_543, %get3A_544] {strides = array<i32>} : memref<100x512xf32, #tpu.memory_space<vmem>>, vector<1x16xf32>,
      %get3A_546 = vector.shape_cast %get3A_545 : vector<1x16xf32> to vector<16xf32>
      %get3A_547 = arith.index_cast %add3A_510 : i32 to index
      %get3A_548 = arith.constant 80 : index
      %get3A_549 = tpu.vector_load %arg7[%get3A_547, %get3A_548] {strides = array<i32>} : memref<100x512xf32, #tpu.memory_space<vmem>>, vector<1x16xf32>,
      %get3A_550 = vector.shape_cast %get3A_549 : vector<1x16xf32> to vector<16xf32>
      %get3A_551 = arith.index_cast %add3A_510 : i32 to index
      %get3A_552 = arith.constant 96 : index
      %get3A_553 = tpu.vector_load %arg7[%get3A_551, %get3A_552] {strides = array<i32>} : memref<100x512xf32, #tpu.memory_space<vmem>>, vector<1x16xf32>,
      %get3A_554 = vector.shape_cast %get3A_553 : vector<1x16xf32> to vector<16xf32>
      %get3A_555 = arith.index_cast %add3A_510 : i32 to index
      %get3A_556 = arith.constant 112 : index
      %get3A_557 = tpu.vector_load %arg7[%get3A_555, %get3A_556] {strides = array<i32>} : memref<100x512xf32, #tpu.memory_space<vmem>>, vector<1x16xf32>,
      %get3A_558 = vector.shape_cast %get3A_557 : vector<1x16xf32> to vector<16xf32>
      %get3A_559 = arith.index_cast %add3A_510 : i32 to index
      %get3A_560 = arith.constant 128 : index
      %get3A_561 = tpu.vector_load %arg7[%get3A_559, %get3A_560] {strides = array<i32>} : memref<100x512xf32, #tpu.memory_space<vmem>>, vector<1x16xf32>,
      %get3A_562 = vector.shape_cast %get3A_561 : vector<1x16xf32> to vector<16xf32>
      %get3A_563 = arith.index_cast %add3A_510 : i32 to index
      %get3A_564 = arith.constant 144 : index
      %get3A_565 = tpu.vector_load %arg7[%get3A_563, %get3A_564] {strides = array<i32>} : memref<100x512xf32, #tpu.memory_space<vmem>>, vector<1x16xf32>,
      %get3A_566 = vector.shape_cast %get3A_565 : vector<1x16xf32> to vector<16xf32>
      %get3A_567 = arith.index_cast %add3A_510 : i32 to index
      %get3A_568 = arith.constant 160 : index
      %get3A_569 = tpu.vector_load %arg7[%get3A_567, %get3A_568] {strides = array<i32>} : memref<100x512xf32, #tpu.memory_space<vmem>>, vector<1x16xf32>,
      %get3A_570 = vector.shape_cast %get3A_569 : vector<1x16xf32> to vector<16xf32>
      %get3A_571 = arith.index_cast %add3A_510 : i32 to index
      %get3A_572 = arith.constant 176 : index
      %get3A_573 = tpu.vector_load %arg7[%get3A_571, %get3A_572] {strides = array<i32>} : memref<100x512xf32, #tpu.memory_space<vmem>>, vector<1x16xf32>,
      %get3A_574 = vector.shape_cast %get3A_573 : vector<1x16xf32> to vector<16xf32>
      %get3A_575 = arith.index_cast %add3A_510 : i32 to index
      %get3A_576 = arith.constant 192 : index
      %get3A_577 = tpu.vector_load %arg7[%get3A_575, %get3A_576] {strides = array<i32>} : memref<100x512xf32, #tpu.memory_space<vmem>>, vector<1x16xf32>,
      %get3A_578 = vector.shape_cast %get3A_577 : vector<1x16xf32> to vector<16xf32>
      %get3A_579 = arith.index_cast %add3A_510 : i32 to index
      %get3A_580 = arith.constant 208 : index
      %get3A_581 = tpu.vector_load %arg7[%get3A_579, %get3A_580] {strides = array<i32>} : memref<100x512xf32, #tpu.memory_space<vmem>>, vector<1x16xf32>,
      %get3A_582 = vector.shape_cast %get3A_581 : vector<1x16xf32> to vector<16xf32>
      %get3A_583 = arith.index_cast %add3A_510 : i32 to index
      %get3A_584 = arith.constant 224 : index
      %get3A_585 = tpu.vector_load %arg7[%get3A_583, %get3A_584] {strides = array<i32>} : memref<100x512xf32, #tpu.memory_space<vmem>>, vector<1x16xf32>,
      %get3A_586 = vector.shape_cast %get3A_585 : vector<1x16xf32> to vector<16xf32>
      %get3A_587 = arith.index_cast %add3A_510 : i32 to index
      %get3A_588 = arith.constant 240 : index
      %get3A_589 = tpu.vector_load %arg7[%get3A_587, %get3A_588] {strides = array<i32>} : memref<100x512xf32, #tpu.memory_space<vmem>>, vector<1x16xf32>,
      %get3A_590 = vector.shape_cast %get3A_589 : vector<1x16xf32> to vector<16xf32>
      %get3A_591 = arith.index_cast %add3A_510 : i32 to index
      %get3A_592 = arith.constant 256 : index
      %get3A_593 = tpu.vector_load %arg7[%get3A_591, %get3A_592] {strides = array<i32>} : memref<100x512xf32, #tpu.memory_space<vmem>>, vector<1x16xf32>,
      %get3A_594 = vector.shape_cast %get3A_593 : vector<1x16xf32> to vector<16xf32>
      %get3A_595 = arith.index_cast %add3A_510 : i32 to index
      %get3A_596 = arith.constant 272 : index
      %get3A_597 = tpu.vector_load %arg7[%get3A_595, %get3A_596] {strides = array<i32>} : memref<100x512xf32, #tpu.memory_space<vmem>>, vector<1x16xf32>,
      %get3A_598 = vector.shape_cast %get3A_597 : vector<1x16xf32> to vector<16xf32>
      %get3A_599 = arith.index_cast %add3A_510 : i32 to index
      %get3A_600 = arith.constant 288 : index
      %get3A_601 = tpu.vector_load %arg7[%get3A_599, %get3A_600] {strides = array<i32>} : memref<100x512xf32, #tpu.memory_space<vmem>>, vector<1x16xf32>,
      %get3A_602 = vector.shape_cast %get3A_601 : vector<1x16xf32> to vector<16xf32>
      %get3A_603 = arith.index_cast %add3A_510 : i32 to index
      %get3A_604 = arith.constant 304 : index
      %get3A_605 = tpu.vector_load %arg7[%get3A_603, %get3A_604] {strides = array<i32>} : memref<100x512xf32, #tpu.memory_space<vmem>>, vector<1x16xf32>,
      %get3A_606 = vector.shape_cast %get3A_605 : vector<1x16xf32> to vector<16xf32>
      %get3A_607 = arith.index_cast %add3A_510 : i32 to index
      %get3A_608 = arith.constant 320 : index
      %get3A_609 = tpu.vector_load %arg7[%get3A_607, %get3A_608] {strides = array<i32>} : memref<100x512xf32, #tpu.memory_space<vmem>>, vector<1x16xf32>,
      %get3A_610 = vector.shape_cast %get3A_609 : vector<1x16xf32> to vector<16xf32>
      %get3A_611 = arith.index_cast %add3A_510 : i32 to index
      %get3A_612 = arith.constant 336 : index
      %get3A_613 = tpu.vector_load %arg7[%get3A_611, %get3A_612] {strides = array<i32>} : memref<100x512xf32, #tpu.memory_space<vmem>>, vector<1x16xf32>,
      %get3A_614 = vector.shape_cast %get3A_613 : vector<1x16xf32> to vector<16xf32>
      %get3A_615 = arith.index_cast %add3A_510 : i32 to index
      %get3A_616 = arith.constant 352 : index
      %get3A_617 = tpu.vector_load %arg7[%get3A_615, %get3A_616] {strides = array<i32>} : memref<100x512xf32, #tpu.memory_space<vmem>>, vector<1x16xf32>,
      %get3A_618 = vector.shape_cast %get3A_617 : vector<1x16xf32> to vector<16xf32>
      %get3A_619 = arith.index_cast %add3A_510 : i32 to index
      %get3A_620 = arith.constant 368 : index
      %get3A_621 = tpu.vector_load %arg7[%get3A_619, %get3A_620] {strides = array<i32>} : memref<100x512xf32, #tpu.memory_space<vmem>>, vector<1x16xf32>,
      %get3A_622 = vector.shape_cast %get3A_621 : vector<1x16xf32> to vector<16xf32>
      %get3A_623 = arith.index_cast %add3A_510 : i32 to index
      %get3A_624 = arith.constant 384 : index
      %get3A_625 = tpu.vector_load %arg7[%get3A_623, %get3A_624] {strides = array<i32>} : memref<100x512xf32, #tpu.memory_space<vmem>>, vector<1x16xf32>,
      %get3A_626 = vector.shape_cast %get3A_625 : vector<1x16xf32> to vector<16xf32>
      %get3A_627 = arith.index_cast %add3A_510 : i32 to index
      %get3A_628 = arith.constant 400 : index
      %get3A_629 = tpu.vector_load %arg7[%get3A_627, %get3A_628] {strides = array<i32>} : memref<100x512xf32, #tpu.memory_space<vmem>>, vector<1x16xf32>,
      %get3A_630 = vector.shape_cast %get3A_629 : vector<1x16xf32> to vector<16xf32>
      %get3A_631 = arith.index_cast %add3A_510 : i32 to index
      %get3A_632 = arith.constant 416 : index
      %get3A_633 = tpu.vector_load %arg7[%get3A_631, %get3A_632] {strides = array<i32>} : memref<100x512xf32, #tpu.memory_space<vmem>>, vector<1x16xf32>,
      %get3A_634 = vector.shape_cast %get3A_633 : vector<1x16xf32> to vector<16xf32>
      %get3A_635 = arith.index_cast %add3A_510 : i32 to index
      %get3A_636 = arith.constant 432 : index
      %get3A_637 = tpu.vector_load %arg7[%get3A_635, %get3A_636] {strides = array<i32>} : memref<100x512xf32, #tpu.memory_space<vmem>>, vector<1x16xf32>,
      %get3A_638 = vector.shape_cast %get3A_637 : vector<1x16xf32> to vector<16xf32>
      %get3A_639 = arith.index_cast %add3A_510 : i32 to index
      %get3A_640 = arith.constant 448 : index
      %get3A_641 = tpu.vector_load %arg7[%get3A_639, %get3A_640] {strides = array<i32>} : memref<100x512xf32, #tpu.memory_space<vmem>>, vector<1x16xf32>,
      %get3A_642 = vector.shape_cast %get3A_641 : vector<1x16xf32> to vector<16xf32>
      %get3A_643 = arith.index_cast %add3A_510 : i32 to index
      %get3A_644 = arith.constant 464 : index
      %get3A_645 = tpu.vector_load %arg7[%get3A_643, %get3A_644] {strides = array<i32>} : memref<100x512xf32, #tpu.memory_space<vmem>>, vector<1x16xf32>,
      %get3A_646 = vector.shape_cast %get3A_645 : vector<1x16xf32> to vector<16xf32>
      %get3A_647 = arith.index_cast %add3A_510 : i32 to index
      %get3A_648 = arith.constant 480 : index
      %get3A_649 = tpu.vector_load %arg7[%get3A_647, %get3A_648] {strides = array<i32>} : memref<100x512xf32, #tpu.memory_space<vmem>>, vector<1x16xf32>,
      %get3A_650 = vector.shape_cast %get3A_649 : vector<1x16xf32> to vector<16xf32>
      %get3A_651 = arith.index_cast %add3A_510 : i32 to index
      %get3A_652 = arith.constant 496 : index
      %get3A_653 = tpu.vector_load %arg7[%get3A_651, %get3A_652] {strides = array<i32>} : memref<100x512xf32, #tpu.memory_space<vmem>>, vector<1x16xf32>,
      %get3A_654 = vector.shape_cast %get3A_653 : vector<1x16xf32> to vector<16xf32>
      %scan3A_655 = arith.constant 0 : i32
      %scan3A_656 = arith.constant 32 : i32
      %scan3A_657 = arith.addi %scan3A_655, %scan3A_656 : i32
      %scan3A_658 = arith.constant 1 : i32
      scf.for %scan3A_667 = %scan3A_655 to %scan3A_657 step %scan3A_658  : i32 {
        %mul3A_668 = arith.constant 1 : i32
        %mul3A_669 = arith.muli %scan3A_667, %mul3A_668 : i32
        %add3A_670 = arith.constant 0 : i32
        %add3A_671 = arith.addi %mul3A_669, %add3A_670 : i32
        %get3A_672 = arith.index_cast %add3A_671 : i32 to index
        %get3A_673 = arith.constant 0 : index
        %get3A_674 = tpu.vector_load %arg11[%get3A_672, %get3A_673] {strides = array<i32>} : memref<32x512xf32, #tpu.memory_space<vmem>>, vector<1x16xf32>,
        %get3A_675 = vector.shape_cast %get3A_674 : vector<1x16xf32> to vector<16xf32>
        %add3A_676 = arith.addf %get3A_675, %get3A_530 : vector<16xf32>
        %swap3A = arith.index_cast %add3A_671 : i32 to index
        %swap3A_677 = arith.constant 0 : index
        %swap3A_678 = tpu.vector_load %arg11[%swap3A, %swap3A_677] {strides = array<i32>} : memref<32x512xf32, #tpu.memory_space<vmem>>, vector<1x16xf32>,
        %swap3A_679 = vector.shape_cast %swap3A_678 : vector<1x16xf32> to vector<16xf32>
        %swap3A_680 = vector.shape_cast %add3A_676 : vector<16xf32> to vector<1x16xf32>
        tpu.vector_store %arg11[%swap3A, %swap3A_677], %swap3A_680 {strides = array<i32>} : memref<32x512xf32, #tpu.memory_space<vmem>>, vector<1x16xf32>,
        %get3A_681 = arith.index_cast %add3A_671 : i32 to index
        %get3A_682 = arith.constant 16 : index
        %get3A_683 = tpu.vector_load %arg11[%get3A_681, %get3A_682] {strides = array<i32>} : memref<32x512xf32, #tpu.memory_space<vmem>>, vector<1x16xf32>,
        %get3A_684 = vector.shape_cast %get3A_683 : vector<1x16xf32> to vector<16xf32>
        %add3A_685 = arith.addf %get3A_684, %get3A_534 : vector<16xf32>
        %swap3A_686 = arith.index_cast %add3A_671 : i32 to index
        %swap3A_687 = arith.constant 16 : index
        %swap3A_688 = tpu.vector_load %arg11[%swap3A_686, %swap3A_687] {strides = array<i32>} : memref<32x512xf32, #tpu.memory_space<vmem>>, vector<1x16xf32>,
        %swap3A_689 = vector.shape_cast %swap3A_688 : vector<1x16xf32> to vector<16xf32>
        %swap3A_690 = vector.shape_cast %add3A_685 : vector<16xf32> to vector<1x16xf32>
        tpu.vector_store %arg11[%swap3A_686, %swap3A_687], %swap3A_690 {strides = array<i32>} : memref<32x512xf32, #tpu.memory_space<vmem>>, vector<1x16xf32>,
        %get3A_691 = arith.index_cast %add3A_671 : i32 to index
        %get3A_692 = arith.constant 32 : index
        %get3A_693 = tpu.vector_load %arg11[%get3A_691, %get3A_692] {strides = array<i32>} : memref<32x512xf32, #tpu.memory_space<vmem>>, vector<1x16xf32>,
        %get3A_694 = vector.shape_cast %get3A_693 : vector<1x16xf32> to vector<16xf32>
        %add3A_695 = arith.addf %get3A_694, %get3A_538 : vector<16xf32>
        %swap3A_696 = arith.index_cast %add3A_671 : i32 to index
        %swap3A_697 = arith.constant 32 : index
        %swap3A_698 = tpu.vector_load %arg11[%swap3A_696, %swap3A_697] {strides = array<i32>} : memref<32x512xf32, #tpu.memory_space<vmem>>, vector<1x16xf32>,
        %swap3A_699 = vector.shape_cast %swap3A_698 : vector<1x16xf32> to vector<16xf32>
        %swap3A_700 = vector.shape_cast %add3A_695 : vector<16xf32> to vector<1x16xf32>
        tpu.vector_store %arg11[%swap3A_696, %swap3A_697], %swap3A_700 {strides = array<i32>} : memref<32x512xf32, #tpu.memory_space<vmem>>, vector<1x16xf32>,
        %get3A_701 = arith.index_cast %add3A_671 : i32 to index
        %get3A_702 = arith.constant 48 : index
        %get3A_703 = tpu.vector_load %arg11[%get3A_701, %get3A_702] {strides = array<i32>} : memref<32x512xf32, #tpu.memory_space<vmem>>, vector<1x16xf32>,
        %get3A_704 = vector.shape_cast %get3A_703 : vector<1x16xf32> to vector<16xf32>
        %add3A_705 = arith.addf %get3A_704, %get3A_542 : vector<16xf32>
        %swap3A_706 = arith.index_cast %add3A_671 : i32 to index
        %swap3A_707 = arith.constant 48 : index
        %swap3A_708 = tpu.vector_load %arg11[%swap3A_706, %swap3A_707] {strides = array<i32>} : memref<32x512xf32, #tpu.memory_space<vmem>>, vector<1x16xf32>,
        %swap3A_709 = vector.shape_cast %swap3A_708 : vector<1x16xf32> to vector<16xf32>
        %swap3A_710 = vector.shape_cast %add3A_705 : vector<16xf32> to vector<1x16xf32>
        tpu.vector_store %arg11[%swap3A_706, %swap3A_707], %swap3A_710 {strides = array<i32>} : memref<32x512xf32, #tpu.memory_space<vmem>>, vector<1x16xf32>,
        %get3A_711 = arith.index_cast %add3A_671 : i32 to index
        %get3A_712 = arith.constant 64 : index
        %get3A_713 = tpu.vector_load %arg11[%get3A_711, %get3A_712] {strides = array<i32>} : memref<32x512xf32, #tpu.memory_space<vmem>>, vector<1x16xf32>,
        %get3A_714 = vector.shape_cast %get3A_713 : vector<1x16xf32> to vector<16xf32>
        %add3A_715 = arith.addf %get3A_714, %get3A_546 : vector<16xf32>
        %swap3A_716 = arith.index_cast %add3A_671 : i32 to index
        %swap3A_717 = arith.constant 64 : index
        %swap3A_718 = tpu.vector_load %arg11[%swap3A_716, %swap3A_717] {strides = array<i32>} : memref<32x512xf32, #tpu.memory_space<vmem>>, vector<1x16xf32>,
        %swap3A_719 = vector.shape_cast %swap3A_718 : vector<1x16xf32> to vector<16xf32>
        %swap3A_720 = vector.shape_cast %add3A_715 : vector<16xf32> to vector<1x16xf32>
        tpu.vector_store %arg11[%swap3A_716, %swap3A_717], %swap3A_720 {strides = array<i32>} : memref<32x512xf32, #tpu.memory_space<vmem>>, vector<1x16xf32>,
        %get3A_721 = arith.index_cast %add3A_671 : i32 to index
        %get3A_722 = arith.constant 80 : index
        %get3A_723 = tpu.vector_load %arg11[%get3A_721, %get3A_722] {strides = array<i32>} : memref<32x512xf32, #tpu.memory_space<vmem>>, vector<1x16xf32>,
        %get3A_724 = vector.shape_cast %get3A_723 : vector<1x16xf32> to vector<16xf32>
        %add3A_725 = arith.addf %get3A_724, %get3A_550 : vector<16xf32>
        %swap3A_726 = arith.index_cast %add3A_671 : i32 to index
        %swap3A_727 = arith.constant 80 : index
        %swap3A_728 = tpu.vector_load %arg11[%swap3A_726, %swap3A_727] {strides = array<i32>} : memref<32x512xf32, #tpu.memory_space<vmem>>, vector<1x16xf32>,
        %swap3A_729 = vector.shape_cast %swap3A_728 : vector<1x16xf32> to vector<16xf32>
        %swap3A_730 = vector.shape_cast %add3A_725 : vector<16xf32> to vector<1x16xf32>
        tpu.vector_store %arg11[%swap3A_726, %swap3A_727], %swap3A_730 {strides = array<i32>} : memref<32x512xf32, #tpu.memory_space<vmem>>, vector<1x16xf32>,
        %get3A_731 = arith.index_cast %add3A_671 : i32 to index
        %get3A_732 = arith.constant 96 : index
        %get3A_733 = tpu.vector_load %arg11[%get3A_731, %get3A_732] {strides = array<i32>} : memref<32x512xf32, #tpu.memory_space<vmem>>, vector<1x16xf32>,
        %get3A_734 = vector.shape_cast %get3A_733 : vector<1x16xf32> to vector<16xf32>
        %add3A_735 = arith.addf %get3A_734, %get3A_554 : vector<16xf32>
        %swap3A_736 = arith.index_cast %add3A_671 : i32 to index
        %swap3A_737 = arith.constant 96 : index
        %swap3A_738 = tpu.vector_load %arg11[%swap3A_736, %swap3A_737] {strides = array<i32>} : memref<32x512xf32, #tpu.memory_space<vmem>>, vector<1x16xf32>,
        %swap3A_739 = vector.shape_cast %swap3A_738 : vector<1x16xf32> to vector<16xf32>
        %swap3A_740 = vector.shape_cast %add3A_735 : vector<16xf32> to vector<1x16xf32>
        tpu.vector_store %arg11[%swap3A_736, %swap3A_737], %swap3A_740 {strides = array<i32>} : memref<32x512xf32, #tpu.memory_space<vmem>>, vector<1x16xf32>,
        %get3A_741 = arith.index_cast %add3A_671 : i32 to index
        %get3A_742 = arith.constant 112 : index
        %get3A_743 = tpu.vector_load %arg11[%get3A_741, %get3A_742] {strides = array<i32>} : memref<32x512xf32, #tpu.memory_space<vmem>>, vector<1x16xf32>,
        %get3A_744 = vector.shape_cast %get3A_743 : vector<1x16xf32> to vector<16xf32>
        %add3A_745 = arith.addf %get3A_744, %get3A_558 : vector<16xf32>
        %swap3A_746 = arith.index_cast %add3A_671 : i32 to index
        %swap3A_747 = arith.constant 112 : index
        %swap3A_748 = tpu.vector_load %arg11[%swap3A_746, %swap3A_747] {strides = array<i32>} : memref<32x512xf32, #tpu.memory_space<vmem>>, vector<1x16xf32>,
        %swap3A_749 = vector.shape_cast %swap3A_748 : vector<1x16xf32> to vector<16xf32>
        %swap3A_750 = vector.shape_cast %add3A_745 : vector<16xf32> to vector<1x16xf32>
        tpu.vector_store %arg11[%swap3A_746, %swap3A_747], %swap3A_750 {strides = array<i32>} : memref<32x512xf32, #tpu.memory_space<vmem>>, vector<1x16xf32>,
        %get3A_751 = arith.index_cast %add3A_671 : i32 to index
        %get3A_752 = arith.constant 128 : index
        %get3A_753 = tpu.vector_load %arg11[%get3A_751, %get3A_752] {strides = array<i32>} : memref<32x512xf32, #tpu.memory_space<vmem>>, vector<1x16xf32>,
        %get3A_754 = vector.shape_cast %get3A_753 : vector<1x16xf32> to vector<16xf32>
        %add3A_755 = arith.addf %get3A_754, %get3A_562 : vector<16xf32>
        %swap3A_756 = arith.index_cast %add3A_671 : i32 to index
        %swap3A_757 = arith.constant 128 : index
        %swap3A_758 = tpu.vector_load %arg11[%swap3A_756, %swap3A_757] {strides = array<i32>} : memref<32x512xf32, #tpu.memory_space<vmem>>, vector<1x16xf32>,
        %swap3A_759 = vector.shape_cast %swap3A_758 : vector<1x16xf32> to vector<16xf32>
        %swap3A_760 = vector.shape_cast %add3A_755 : vector<16xf32> to vector<1x16xf32>
        tpu.vector_store %arg11[%swap3A_756, %swap3A_757], %swap3A_760 {strides = array<i32>} : memref<32x512xf32, #tpu.memory_space<vmem>>, vector<1x16xf32>,
        %get3A_761 = arith.index_cast %add3A_671 : i32 to index
        %get3A_762 = arith.constant 144 : index
        %get3A_763 = tpu.vector_load %arg11[%get3A_761, %get3A_762] {strides = array<i32>} : memref<32x512xf32, #tpu.memory_space<vmem>>, vector<1x16xf32>,
        %get3A_764 = vector.shape_cast %get3A_763 : vector<1x16xf32> to vector<16xf32>
        %add3A_765 = arith.addf %get3A_764, %get3A_566 : vector<16xf32>
        %swap3A_766 = arith.index_cast %add3A_671 : i32 to index
        %swap3A_767 = arith.constant 144 : index
        %swap3A_768 = tpu.vector_load %arg11[%swap3A_766, %swap3A_767] {strides = array<i32>} : memref<32x512xf32, #tpu.memory_space<vmem>>, vector<1x16xf32>,
        %swap3A_769 = vector.shape_cast %swap3A_768 : vector<1x16xf32> to vector<16xf32>
        %swap3A_770 = vector.shape_cast %add3A_765 : vector<16xf32> to vector<1x16xf32>
        tpu.vector_store %arg11[%swap3A_766, %swap3A_767], %swap3A_770 {strides = array<i32>} : memref<32x512xf32, #tpu.memory_space<vmem>>, vector<1x16xf32>,
        %get3A_771 = arith.index_cast %add3A_671 : i32 to index
        %get3A_772 = arith.constant 160 : index
        %get3A_773 = tpu.vector_load %arg11[%get3A_771, %get3A_772] {strides = array<i32>} : memref<32x512xf32, #tpu.memory_space<vmem>>, vector<1x16xf32>,
        %get3A_774 = vector.shape_cast %get3A_773 : vector<1x16xf32> to vector<16xf32>
        %add3A_775 = arith.addf %get3A_774, %get3A_570 : vector<16xf32>
        %swap3A_776 = arith.index_cast %add3A_671 : i32 to index
        %swap3A_777 = arith.constant 160 : index
        %swap3A_778 = tpu.vector_load %arg11[%swap3A_776, %swap3A_777] {strides = array<i32>} : memref<32x512xf32, #tpu.memory_space<vmem>>, vector<1x16xf32>,
        %swap3A_779 = vector.shape_cast %swap3A_778 : vector<1x16xf32> to vector<16xf32>
        %swap3A_780 = vector.shape_cast %add3A_775 : vector<16xf32> to vector<1x16xf32>
        tpu.vector_store %arg11[%swap3A_776, %swap3A_777], %swap3A_780 {strides = array<i32>} : memref<32x512xf32, #tpu.memory_space<vmem>>, vector<1x16xf32>,
        %get3A_781 = arith.index_cast %add3A_671 : i32 to index
        %get3A_782 = arith.constant 176 : index
        %get3A_783 = tpu.vector_load %arg11[%get3A_781, %get3A_782] {strides = array<i32>} : memref<32x512xf32, #tpu.memory_space<vmem>>, vector<1x16xf32>,
        %get3A_784 = vector.shape_cast %get3A_783 : vector<1x16xf32> to vector<16xf32>
        %add3A_785 = arith.addf %get3A_784, %get3A_574 : vector<16xf32>
        %swap3A_786 = arith.index_cast %add3A_671 : i32 to index
        %swap3A_787 = arith.constant 176 : index
        %swap3A_788 = tpu.vector_load %arg11[%swap3A_786, %swap3A_787] {strides = array<i32>} : memref<32x512xf32, #tpu.memory_space<vmem>>, vector<1x16xf32>,
        %swap3A_789 = vector.shape_cast %swap3A_788 : vector<1x16xf32> to vector<16xf32>
        %swap3A_790 = vector.shape_cast %add3A_785 : vector<16xf32> to vector<1x16xf32>
        tpu.vector_store %arg11[%swap3A_786, %swap3A_787], %swap3A_790 {strides = array<i32>} : memref<32x512xf32, #tpu.memory_space<vmem>>, vector<1x16xf32>,
        %get3A_791 = arith.index_cast %add3A_671 : i32 to index
        %get3A_792 = arith.constant 192 : index
        %get3A_793 = tpu.vector_load %arg11[%get3A_791, %get3A_792] {strides = array<i32>} : memref<32x512xf32, #tpu.memory_space<vmem>>, vector<1x16xf32>,
        %get3A_794 = vector.shape_cast %get3A_793 : vector<1x16xf32> to vector<16xf32>
        %add3A_795 = arith.addf %get3A_794, %get3A_578 : vector<16xf32>
        %swap3A_796 = arith.index_cast %add3A_671 : i32 to index
        %swap3A_797 = arith.constant 192 : index
        %swap3A_798 = tpu.vector_load %arg11[%swap3A_796, %swap3A_797] {strides = array<i32>} : memref<32x512xf32, #tpu.memory_space<vmem>>, vector<1x16xf32>,
        %swap3A_799 = vector.shape_cast %swap3A_798 : vector<1x16xf32> to vector<16xf32>
        %swap3A_800 = vector.shape_cast %add3A_795 : vector<16xf32> to vector<1x16xf32>
        tpu.vector_store %arg11[%swap3A_796, %swap3A_797], %swap3A_800 {strides = array<i32>} : memref<32x512xf32, #tpu.memory_space<vmem>>, vector<1x16xf32>,
        %get3A_801 = arith.index_cast %add3A_671 : i32 to index
        %get3A_802 = arith.constant 208 : index
        %get3A_803 = tpu.vector_load %arg11[%get3A_801, %get3A_802] {strides = array<i32>} : memref<32x512xf32, #tpu.memory_space<vmem>>, vector<1x16xf32>,
        %get3A_804 = vector.shape_cast %get3A_803 : vector<1x16xf32> to vector<16xf32>
        %add3A_805 = arith.addf %get3A_804, %get3A_582 : vector<16xf32>
        %swap3A_806 = arith.index_cast %add3A_671 : i32 to index
        %swap3A_807 = arith.constant 208 : index
        %swap3A_808 = tpu.vector_load %arg11[%swap3A_806, %swap3A_807] {strides = array<i32>} : memref<32x512xf32, #tpu.memory_space<vmem>>, vector<1x16xf32>,
        %swap3A_809 = vector.shape_cast %swap3A_808 : vector<1x16xf32> to vector<16xf32>
        %swap3A_810 = vector.shape_cast %add3A_805 : vector<16xf32> to vector<1x16xf32>
        tpu.vector_store %arg11[%swap3A_806, %swap3A_807], %swap3A_810 {strides = array<i32>} : memref<32x512xf32, #tpu.memory_space<vmem>>, vector<1x16xf32>,
        %get3A_811 = arith.index_cast %add3A_671 : i32 to index
        %get3A_812 = arith.constant 224 : index
        %get3A_813 = tpu.vector_load %arg11[%get3A_811, %get3A_812] {strides = array<i32>} : memref<32x512xf32, #tpu.memory_space<vmem>>, vector<1x16xf32>,
        %get3A_814 = vector.shape_cast %get3A_813 : vector<1x16xf32> to vector<16xf32>
        %add3A_815 = arith.addf %get3A_814, %get3A_586 : vector<16xf32>
        %swap3A_816 = arith.index_cast %add3A_671 : i32 to index
        %swap3A_817 = arith.constant 224 : index
        %swap3A_818 = tpu.vector_load %arg11[%swap3A_816, %swap3A_817] {strides = array<i32>} : memref<32x512xf32, #tpu.memory_space<vmem>>, vector<1x16xf32>,
        %swap3A_819 = vector.shape_cast %swap3A_818 : vector<1x16xf32> to vector<16xf32>
        %swap3A_820 = vector.shape_cast %add3A_815 : vector<16xf32> to vector<1x16xf32>
        tpu.vector_store %arg11[%swap3A_816, %swap3A_817], %swap3A_820 {strides = array<i32>} : memref<32x512xf32, #tpu.memory_space<vmem>>, vector<1x16xf32>,
        %get3A_821 = arith.index_cast %add3A_671 : i32 to index
        %get3A_822 = arith.constant 240 : index
        %get3A_823 = tpu.vector_load %arg11[%get3A_821, %get3A_822] {strides = array<i32>} : memref<32x512xf32, #tpu.memory_space<vmem>>, vector<1x16xf32>,
        %get3A_824 = vector.shape_cast %get3A_823 : vector<1x16xf32> to vector<16xf32>
        %add3A_825 = arith.addf %get3A_824, %get3A_590 : vector<16xf32>
        %swap3A_826 = arith.index_cast %add3A_671 : i32 to index
        %swap3A_827 = arith.constant 240 : index
        %swap3A_828 = tpu.vector_load %arg11[%swap3A_826, %swap3A_827] {strides = array<i32>} : memref<32x512xf32, #tpu.memory_space<vmem>>, vector<1x16xf32>,
        %swap3A_829 = vector.shape_cast %swap3A_828 : vector<1x16xf32> to vector<16xf32>
        %swap3A_830 = vector.shape_cast %add3A_825 : vector<16xf32> to vector<1x16xf32>
        tpu.vector_store %arg11[%swap3A_826, %swap3A_827], %swap3A_830 {strides = array<i32>} : memref<32x512xf32, #tpu.memory_space<vmem>>, vector<1x16xf32>,
        %get3A_831 = arith.index_cast %add3A_671 : i32 to index
        %get3A_832 = arith.constant 256 : index
        %get3A_833 = tpu.vector_load %arg11[%get3A_831, %get3A_832] {strides = array<i32>} : memref<32x512xf32, #tpu.memory_space<vmem>>, vector<1x16xf32>,
        %get3A_834 = vector.shape_cast %get3A_833 : vector<1x16xf32> to vector<16xf32>
        %add3A_835 = arith.addf %get3A_834, %get3A_594 : vector<16xf32>
        %swap3A_836 = arith.index_cast %add3A_671 : i32 to index
        %swap3A_837 = arith.constant 256 : index
        %swap3A_838 = tpu.vector_load %arg11[%swap3A_836, %swap3A_837] {strides = array<i32>} : memref<32x512xf32, #tpu.memory_space<vmem>>, vector<1x16xf32>,
        %swap3A_839 = vector.shape_cast %swap3A_838 : vector<1x16xf32> to vector<16xf32>
        %swap3A_840 = vector.shape_cast %add3A_835 : vector<16xf32> to vector<1x16xf32>
        tpu.vector_store %arg11[%swap3A_836, %swap3A_837], %swap3A_840 {strides = array<i32>} : memref<32x512xf32, #tpu.memory_space<vmem>>, vector<1x16xf32>,
        %get3A_841 = arith.index_cast %add3A_671 : i32 to index
        %get3A_842 = arith.constant 272 : index
        %get3A_843 = tpu.vector_load %arg11[%get3A_841, %get3A_842] {strides = array<i32>} : memref<32x512xf32, #tpu.memory_space<vmem>>, vector<1x16xf32>,
        %get3A_844 = vector.shape_cast %get3A_843 : vector<1x16xf32> to vector<16xf32>
        %add3A_845 = arith.addf %get3A_844, %get3A_598 : vector<16xf32>
        %swap3A_846 = arith.index_cast %add3A_671 : i32 to index
        %swap3A_847 = arith.constant 272 : index
        %swap3A_848 = tpu.vector_load %arg11[%swap3A_846, %swap3A_847] {strides = array<i32>} : memref<32x512xf32, #tpu.memory_space<vmem>>, vector<1x16xf32>,
        %swap3A_849 = vector.shape_cast %swap3A_848 : vector<1x16xf32> to vector<16xf32>
        %swap3A_850 = vector.shape_cast %add3A_845 : vector<16xf32> to vector<1x16xf32>
        tpu.vector_store %arg11[%swap3A_846, %swap3A_847], %swap3A_850 {strides = array<i32>} : memref<32x512xf32, #tpu.memory_space<vmem>>, vector<1x16xf32>,
        %get3A_851 = arith.index_cast %add3A_671 : i32 to index
        %get3A_852 = arith.constant 288 : index
        %get3A_853 = tpu.vector_load %arg11[%get3A_851, %get3A_852] {strides = array<i32>} : memref<32x512xf32, #tpu.memory_space<vmem>>, vector<1x16xf32>,
        %get3A_854 = vector.shape_cast %get3A_853 : vector<1x16xf32> to vector<16xf32>
        %add3A_855 = arith.addf %get3A_854, %get3A_602 : vector<16xf32>
        %swap3A_856 = arith.index_cast %add3A_671 : i32 to index
        %swap3A_857 = arith.constant 288 : index
        %swap3A_858 = tpu.vector_load %arg11[%swap3A_856, %swap3A_857] {strides = array<i32>} : memref<32x512xf32, #tpu.memory_space<vmem>>, vector<1x16xf32>,
        %swap3A_859 = vector.shape_cast %swap3A_858 : vector<1x16xf32> to vector<16xf32>
        %swap3A_860 = vector.shape_cast %add3A_855 : vector<16xf32> to vector<1x16xf32>
        tpu.vector_store %arg11[%swap3A_856, %swap3A_857], %swap3A_860 {strides = array<i32>} : memref<32x512xf32, #tpu.memory_space<vmem>>, vector<1x16xf32>,
        %get3A_861 = arith.index_cast %add3A_671 : i32 to index
        %get3A_862 = arith.constant 304 : index
        %get3A_863 = tpu.vector_load %arg11[%get3A_861, %get3A_862] {strides = array<i32>} : memref<32x512xf32, #tpu.memory_space<vmem>>, vector<1x16xf32>,
        %get3A_864 = vector.shape_cast %get3A_863 : vector<1x16xf32> to vector<16xf32>
        %add3A_865 = arith.addf %get3A_864, %get3A_606 : vector<16xf32>
        %swap3A_866 = arith.index_cast %add3A_671 : i32 to index
        %swap3A_867 = arith.constant 304 : index
        %swap3A_868 = tpu.vector_load %arg11[%swap3A_866, %swap3A_867] {strides = array<i32>} : memref<32x512xf32, #tpu.memory_space<vmem>>, vector<1x16xf32>,
        %swap3A_869 = vector.shape_cast %swap3A_868 : vector<1x16xf32> to vector<16xf32>
        %swap3A_870 = vector.shape_cast %add3A_865 : vector<16xf32> to vector<1x16xf32>
        tpu.vector_store %arg11[%swap3A_866, %swap3A_867], %swap3A_870 {strides = array<i32>} : memref<32x512xf32, #tpu.memory_space<vmem>>, vector<1x16xf32>,
        %get3A_871 = arith.index_cast %add3A_671 : i32 to index
        %get3A_872 = arith.constant 320 : index
        %get3A_873 = tpu.vector_load %arg11[%get3A_871, %get3A_872] {strides = array<i32>} : memref<32x512xf32, #tpu.memory_space<vmem>>, vector<1x16xf32>,
        %get3A_874 = vector.shape_cast %get3A_873 : vector<1x16xf32> to vector<16xf32>
        %add3A_875 = arith.addf %get3A_874, %get3A_610 : vector<16xf32>
        %swap3A_876 = arith.index_cast %add3A_671 : i32 to index
        %swap3A_877 = arith.constant 320 : index
        %swap3A_878 = tpu.vector_load %arg11[%swap3A_876, %swap3A_877] {strides = array<i32>} : memref<32x512xf32, #tpu.memory_space<vmem>>, vector<1x16xf32>,
        %swap3A_879 = vector.shape_cast %swap3A_878 : vector<1x16xf32> to vector<16xf32>
        %swap3A_880 = vector.shape_cast %add3A_875 : vector<16xf32> to vector<1x16xf32>
        tpu.vector_store %arg11[%swap3A_876, %swap3A_877], %swap3A_880 {strides = array<i32>} : memref<32x512xf32, #tpu.memory_space<vmem>>, vector<1x16xf32>,
        %get3A_881 = arith.index_cast %add3A_671 : i32 to index
        %get3A_882 = arith.constant 336 : index
        %get3A_883 = tpu.vector_load %arg11[%get3A_881, %get3A_882] {strides = array<i32>} : memref<32x512xf32, #tpu.memory_space<vmem>>, vector<1x16xf32>,
        %get3A_884 = vector.shape_cast %get3A_883 : vector<1x16xf32> to vector<16xf32>
        %add3A_885 = arith.addf %get3A_884, %get3A_614 : vector<16xf32>
        %swap3A_886 = arith.index_cast %add3A_671 : i32 to index
        %swap3A_887 = arith.constant 336 : index
        %swap3A_888 = tpu.vector_load %arg11[%swap3A_886, %swap3A_887] {strides = array<i32>} : memref<32x512xf32, #tpu.memory_space<vmem>>, vector<1x16xf32>,
        %swap3A_889 = vector.shape_cast %swap3A_888 : vector<1x16xf32> to vector<16xf32>
        %swap3A_890 = vector.shape_cast %add3A_885 : vector<16xf32> to vector<1x16xf32>
        tpu.vector_store %arg11[%swap3A_886, %swap3A_887], %swap3A_890 {strides = array<i32>} : memref<32x512xf32, #tpu.memory_space<vmem>>, vector<1x16xf32>,
        %get3A_891 = arith.index_cast %add3A_671 : i32 to index
        %get3A_892 = arith.constant 352 : index
        %get3A_893 = tpu.vector_load %arg11[%get3A_891, %get3A_892] {strides = array<i32>} : memref<32x512xf32, #tpu.memory_space<vmem>>, vector<1x16xf32>,
        %get3A_894 = vector.shape_cast %get3A_893 : vector<1x16xf32> to vector<16xf32>
        %add3A_895 = arith.addf %get3A_894, %get3A_618 : vector<16xf32>
        %swap3A_896 = arith.index_cast %add3A_671 : i32 to index
        %swap3A_897 = arith.constant 352 : index
        %swap3A_898 = tpu.vector_load %arg11[%swap3A_896, %swap3A_897] {strides = array<i32>} : memref<32x512xf32, #tpu.memory_space<vmem>>, vector<1x16xf32>,
        %swap3A_899 = vector.shape_cast %swap3A_898 : vector<1x16xf32> to vector<16xf32>
        %swap3A_900 = vector.shape_cast %add3A_895 : vector<16xf32> to vector<1x16xf32>
        tpu.vector_store %arg11[%swap3A_896, %swap3A_897], %swap3A_900 {strides = array<i32>} : memref<32x512xf32, #tpu.memory_space<vmem>>, vector<1x16xf32>,
        %get3A_901 = arith.index_cast %add3A_671 : i32 to index
        %get3A_902 = arith.constant 368 : index
        %get3A_903 = tpu.vector_load %arg11[%get3A_901, %get3A_902] {strides = array<i32>} : memref<32x512xf32, #tpu.memory_space<vmem>>, vector<1x16xf32>,
        %get3A_904 = vector.shape_cast %get3A_903 : vector<1x16xf32> to vector<16xf32>
        %add3A_905 = arith.addf %get3A_904, %get3A_622 : vector<16xf32>
        %swap3A_906 = arith.index_cast %add3A_671 : i32 to index
        %swap3A_907 = arith.constant 368 : index
        %swap3A_908 = tpu.vector_load %arg11[%swap3A_906, %swap3A_907] {strides = array<i32>} : memref<32x512xf32, #tpu.memory_space<vmem>>, vector<1x16xf32>,
        %swap3A_909 = vector.shape_cast %swap3A_908 : vector<1x16xf32> to vector<16xf32>
        %swap3A_910 = vector.shape_cast %add3A_905 : vector<16xf32> to vector<1x16xf32>
        tpu.vector_store %arg11[%swap3A_906, %swap3A_907], %swap3A_910 {strides = array<i32>} : memref<32x512xf32, #tpu.memory_space<vmem>>, vector<1x16xf32>,
        %get3A_911 = arith.index_cast %add3A_671 : i32 to index
        %get3A_912 = arith.constant 384 : index
        %get3A_913 = tpu.vector_load %arg11[%get3A_911, %get3A_912] {strides = array<i32>} : memref<32x512xf32, #tpu.memory_space<vmem>>, vector<1x16xf32>,
        %get3A_914 = vector.shape_cast %get3A_913 : vector<1x16xf32> to vector<16xf32>
        %add3A_915 = arith.addf %get3A_914, %get3A_626 : vector<16xf32>
        %swap3A_916 = arith.index_cast %add3A_671 : i32 to index
        %swap3A_917 = arith.constant 384 : index
        %swap3A_918 = tpu.vector_load %arg11[%swap3A_916, %swap3A_917] {strides = array<i32>} : memref<32x512xf32, #tpu.memory_space<vmem>>, vector<1x16xf32>,
        %swap3A_919 = vector.shape_cast %swap3A_918 : vector<1x16xf32> to vector<16xf32>
        %swap3A_920 = vector.shape_cast %add3A_915 : vector<16xf32> to vector<1x16xf32>
        tpu.vector_store %arg11[%swap3A_916, %swap3A_917], %swap3A_920 {strides = array<i32>} : memref<32x512xf32, #tpu.memory_space<vmem>>, vector<1x16xf32>,
        %get3A_921 = arith.index_cast %add3A_671 : i32 to index
        %get3A_922 = arith.constant 400 : index
        %get3A_923 = tpu.vector_load %arg11[%get3A_921, %get3A_922] {strides = array<i32>} : memref<32x512xf32, #tpu.memory_space<vmem>>, vector<1x16xf32>,
        %get3A_924 = vector.shape_cast %get3A_923 : vector<1x16xf32> to vector<16xf32>
        %add3A_925 = arith.addf %get3A_924, %get3A_630 : vector<16xf32>
        %swap3A_926 = arith.index_cast %add3A_671 : i32 to index
        %swap3A_927 = arith.constant 400 : index
        %swap3A_928 = tpu.vector_load %arg11[%swap3A_926, %swap3A_927] {strides = array<i32>} : memref<32x512xf32, #tpu.memory_space<vmem>>, vector<1x16xf32>,
        %swap3A_929 = vector.shape_cast %swap3A_928 : vector<1x16xf32> to vector<16xf32>
        %swap3A_930 = vector.shape_cast %add3A_925 : vector<16xf32> to vector<1x16xf32>
        tpu.vector_store %arg11[%swap3A_926, %swap3A_927], %swap3A_930 {strides = array<i32>} : memref<32x512xf32, #tpu.memory_space<vmem>>, vector<1x16xf32>,
        %get3A_931 = arith.index_cast %add3A_671 : i32 to index
        %get3A_932 = arith.constant 416 : index
        %get3A_933 = tpu.vector_load %arg11[%get3A_931, %get3A_932] {strides = array<i32>} : memref<32x512xf32, #tpu.memory_space<vmem>>, vector<1x16xf32>,
        %get3A_934 = vector.shape_cast %get3A_933 : vector<1x16xf32> to vector<16xf32>
        %add3A_935 = arith.addf %get3A_934, %get3A_634 : vector<16xf32>
        %swap3A_936 = arith.index_cast %add3A_671 : i32 to index
        %swap3A_937 = arith.constant 416 : index
        %swap3A_938 = tpu.vector_load %arg11[%swap3A_936, %swap3A_937] {strides = array<i32>} : memref<32x512xf32, #tpu.memory_space<vmem>>, vector<1x16xf32>,
        %swap3A_939 = vector.shape_cast %swap3A_938 : vector<1x16xf32> to vector<16xf32>
        %swap3A_940 = vector.shape_cast %add3A_935 : vector<16xf32> to vector<1x16xf32>
        tpu.vector_store %arg11[%swap3A_936, %swap3A_937], %swap3A_940 {strides = array<i32>} : memref<32x512xf32, #tpu.memory_space<vmem>>, vector<1x16xf32>,
        %get3A_941 = arith.index_cast %add3A_671 : i32 to index
        %get3A_942 = arith.constant 432 : index
        %get3A_943 = tpu.vector_load %arg11[%get3A_941, %get3A_942] {strides = array<i32>} : memref<32x512xf32, #tpu.memory_space<vmem>>, vector<1x16xf32>,
        %get3A_944 = vector.shape_cast %get3A_943 : vector<1x16xf32> to vector<16xf32>
        %add3A_945 = arith.addf %get3A_944, %get3A_638 : vector<16xf32>
        %swap3A_946 = arith.index_cast %add3A_671 : i32 to index
        %swap3A_947 = arith.constant 432 : index
        %swap3A_948 = tpu.vector_load %arg11[%swap3A_946, %swap3A_947] {strides = array<i32>} : memref<32x512xf32, #tpu.memory_space<vmem>>, vector<1x16xf32>,
        %swap3A_949 = vector.shape_cast %swap3A_948 : vector<1x16xf32> to vector<16xf32>
        %swap3A_950 = vector.shape_cast %add3A_945 : vector<16xf32> to vector<1x16xf32>
        tpu.vector_store %arg11[%swap3A_946, %swap3A_947], %swap3A_950 {strides = array<i32>} : memref<32x512xf32, #tpu.memory_space<vmem>>, vector<1x16xf32>,
        %get3A_951 = arith.index_cast %add3A_671 : i32 to index
        %get3A_952 = arith.constant 448 : index
        %get3A_953 = tpu.vector_load %arg11[%get3A_951, %get3A_952] {strides = array<i32>} : memref<32x512xf32, #tpu.memory_space<vmem>>, vector<1x16xf32>,
        %get3A_954 = vector.shape_cast %get3A_953 : vector<1x16xf32> to vector<16xf32>
        %add3A_955 = arith.addf %get3A_954, %get3A_642 : vector<16xf32>
        %swap3A_956 = arith.index_cast %add3A_671 : i32 to index
        %swap3A_957 = arith.constant 448 : index
        %swap3A_958 = tpu.vector_load %arg11[%swap3A_956, %swap3A_957] {strides = array<i32>} : memref<32x512xf32, #tpu.memory_space<vmem>>, vector<1x16xf32>,
        %swap3A_959 = vector.shape_cast %swap3A_958 : vector<1x16xf32> to vector<16xf32>
        %swap3A_960 = vector.shape_cast %add3A_955 : vector<16xf32> to vector<1x16xf32>
        tpu.vector_store %arg11[%swap3A_956, %swap3A_957], %swap3A_960 {strides = array<i32>} : memref<32x512xf32, #tpu.memory_space<vmem>>, vector<1x16xf32>,
        %get3A_961 = arith.index_cast %add3A_671 : i32 to index
        %get3A_962 = arith.constant 464 : index
        %get3A_963 = tpu.vector_load %arg11[%get3A_961, %get3A_962] {strides = array<i32>} : memref<32x512xf32, #tpu.memory_space<vmem>>, vector<1x16xf32>,
        %get3A_964 = vector.shape_cast %get3A_963 : vector<1x16xf32> to vector<16xf32>
        %add3A_965 = arith.addf %get3A_964, %get3A_646 : vector<16xf32>
        %swap3A_966 = arith.index_cast %add3A_671 : i32 to index
        %swap3A_967 = arith.constant 464 : index
        %swap3A_968 = tpu.vector_load %arg11[%swap3A_966, %swap3A_967] {strides = array<i32>} : memref<32x512xf32, #tpu.memory_space<vmem>>, vector<1x16xf32>,
        %swap3A_969 = vector.shape_cast %swap3A_968 : vector<1x16xf32> to vector<16xf32>
        %swap3A_970 = vector.shape_cast %add3A_965 : vector<16xf32> to vector<1x16xf32>
        tpu.vector_store %arg11[%swap3A_966, %swap3A_967], %swap3A_970 {strides = array<i32>} : memref<32x512xf32, #tpu.memory_space<vmem>>, vector<1x16xf32>,
        %get3A_971 = arith.index_cast %add3A_671 : i32 to index
        %get3A_972 = arith.constant 480 : index
        %get3A_973 = tpu.vector_load %arg11[%get3A_971, %get3A_972] {strides = array<i32>} : memref<32x512xf32, #tpu.memory_space<vmem>>, vector<1x16xf32>,
        %get3A_974 = vector.shape_cast %get3A_973 : vector<1x16xf32> to vector<16xf32>
        %add3A_975 = arith.addf %get3A_974, %get3A_650 : vector<16xf32>
        %swap3A_976 = arith.index_cast %add3A_671 : i32 to index
        %swap3A_977 = arith.constant 480 : index
        %swap3A_978 = tpu.vector_load %arg11[%swap3A_976, %swap3A_977] {strides = array<i32>} : memref<32x512xf32, #tpu.memory_space<vmem>>, vector<1x16xf32>,
        %swap3A_979 = vector.shape_cast %swap3A_978 : vector<1x16xf32> to vector<16xf32>
        %swap3A_980 = vector.shape_cast %add3A_975 : vector<16xf32> to vector<1x16xf32>
        tpu.vector_store %arg11[%swap3A_976, %swap3A_977], %swap3A_980 {strides = array<i32>} : memref<32x512xf32, #tpu.memory_space<vmem>>, vector<1x16xf32>,
        %get3A_981 = arith.index_cast %add3A_671 : i32 to index
        %get3A_982 = arith.constant 496 : index
        %get3A_983 = tpu.vector_load %arg11[%get3A_981, %get3A_982] {strides = array<i32>} : memref<32x512xf32, #tpu.memory_space<vmem>>, vector<1x16xf32>,
        %get3A_984 = vector.shape_cast %get3A_983 : vector<1x16xf32> to vector<16xf32>
        %add3A_985 = arith.addf %get3A_984, %get3A_654 : vector<16xf32>
        %swap3A_986 = arith.index_cast %add3A_671 : i32 to index
        %swap3A_987 = arith.constant 496 : index
        %swap3A_988 = tpu.vector_load %arg11[%swap3A_986, %swap3A_987] {strides = array<i32>} : memref<32x512xf32, #tpu.memory_space<vmem>>, vector<1x16xf32>,
        %swap3A_989 = vector.shape_cast %swap3A_988 : vector<1x16xf32> to vector<16xf32>
        %swap3A_990 = vector.shape_cast %add3A_985 : vector<16xf32> to vector<1x16xf32>
        tpu.vector_store %arg11[%swap3A_986, %swap3A_987], %swap3A_990 {strides = array<i32>} : memref<32x512xf32, #tpu.memory_space<vmem>>, vector<1x16xf32>,
      }
      %scan3A_659 = arith.constant 32 : i32
      %mul3A_660 = arith.constant 1024 : i32
      %mul3A_661 = arith.muli %add3A_510, %mul3A_660 : i32
      %add3A_662 = arith.addi %mul3A_661, %mul3A_2 : i32
      %dma_start3A_663 = arith.constant 0 : i32
      %dma_start3A_664 = tpu.memref_slice %arg5[%add3A_662, %dma_start3A_663] : memref<102400x512xf32, #tpu.memory_space<hbm>> -> memref<32x512xf32, #tpu.memory_space<hbm>>
      %dma_start3A_665 = arith.constant 0 : i32
      %dma_start3A_666 = tpu.memref_slice %arg5[%add3A_662, %dma_start3A_665] : memref<102400x512xf32, #tpu.memory_space<hbm>> -> memref<32x512xf32, #tpu.memory_space<hbm>>
      tpu.enqueue_dma source(%arg11 : memref<32x512xf32, #tpu.memory_space<vmem>>) target(%dma_start3A_666 : memref<32x512xf32, #tpu.memory_space<hbm>>) target_semaphore(%arg13 : memref<!tpu.dma_semaphore, #tpu.memory_space<semaphore_mem>>)
    }
    %scan3A_19 = arith.constant 25 : i32
    %dma_wait3A = arith.constant 0 : i32
    %dma_wait3A_20 = arith.constant 0 : i32
    %dma_wait3A_21 = tpu.memref_slice %arg5[%dma_wait3A, %dma_wait3A_20] : memref<102400x512xf32, #tpu.memory_space<hbm>> -> memref<32x512xf32, #tpu.memory_space<hbm>>
    %dma_wait3A_22 = arith.constant 0 : i32
    %dma_wait3A_23 = arith.constant 0 : i32
    %dma_wait3A_24 = tpu.memref_slice %arg5[%dma_wait3A_22, %dma_wait3A_23] : memref<102400x512xf32, #tpu.memory_space<hbm>> -> memref<32x512xf32, #tpu.memory_space<hbm>>
    tpu.wait_dma2 semaphore(%arg13 : memref<!tpu.dma_semaphore, #tpu.memory_space<semaphore_mem>>) src(%arg10 : memref<32x512xf32, #tpu.memory_space<vmem>>) dst(%dma_wait3A_24 : memref<32x512xf32, #tpu.memory_space<hbm>>)
    %dma_wait3A_25 = arith.constant 0 : i32
    %dma_wait3A_26 = arith.constant 0 : i32
    %dma_wait3A_27 = tpu.memref_slice %arg5[%dma_wait3A_25, %dma_wait3A_26] : memref<102400x512xf32, #tpu.memory_space<hbm>> -> memref<32x512xf32, #tpu.memory_space<hbm>>
    %dma_wait3A_28 = arith.constant 0 : i32
    %dma_wait3A_29 = arith.constant 0 : i32
    %dma_wait3A_30 = tpu.memref_slice %arg5[%dma_wait3A_28, %dma_wait3A_29] : memref<102400x512xf32, #tpu.memory_space<hbm>> -> memref<32x512xf32, #tpu.memory_space<hbm>>
    tpu.wait_dma2 semaphore(%arg13 : memref<!tpu.dma_semaphore, #tpu.memory_space<semaphore_mem>>) src(%arg11 : memref<32x512xf32, #tpu.memory_space<vmem>>) dst(%dma_wait3A_30 : memref<32x512xf32, #tpu.memory_space<hbm>>)
    return
  }
}

</mosaic_0001>

<sc_bundles>
// kernel: kernel.3.cloned.1.call-start
scs
__scs_entry_jumppad:
0x0: {  	(pc) =	sbr.rel $0x88, $3  }
0x1: {  	(tag) =	ssettag $0x0;
	lr =	simm.s32 $0x1  }
0x2: {  	[smem:$0x3F9F] =	sst lr;
	_ =	strace $0xD0000000  }
0x3: {  	_ = 	snop  }
0x4: {  	_ = 	snop  }
0x5: {  	_ = 	snop  }
0x6: {  	_ = 	snop  }
0x7: {  	_ = 	snop  }
__scs_overlays_trampoline_lowered:
0x8: {  	[smem:$0x3FAE] =	sst s0  }
0x9: {  	[smem:$0x3FAF] =	sst s1  }
0xa: {  	[smem:$0x3FB0] =	sst s2  }
0xb: {  	[smem:$0x3FB1] =	sst s3  }
0xc: {  	[smem:$0x3FB2] =	sst s4  }
0xd: {  	[smem:$0x3FB3] =	sst s5  }
0xe: {  	[smem:$0x3FB4] =	sst s6  }
0xf: {  	[smem:$0x3FB5] =	sst s7  }
0x10: {  	[smem:$0x3FB6] =	sst s8  }
0x11: {  	[smem:$0x3FB7] =	sst s9;
	s0 =	simm.s32 @!p0 $0x0  }
0x12: {  	s1 =	sld [smem:$0x3F9D];
	s0 =	simm.s32 @p0 $0x1  }
0x13: {  	[smem:$0x3FB8] =	sst s0;
	s0 =	simm.s32 @!p1 $0x0  }
0x14: {  	s2 =	sld [smem:$0x3F9C];
	s0 =	simm.s32 @p1 $0x1  }
0x15: {  	[smem:$0x3FB9] =	sst s0;
	s0 =	simm.s32 @!p2 $0x0  }
0x16: {  	s3 =	sld [smem:$0x3FDB];
	s0 =	simm.s32 @p2 $0x1  }
0x17: {  	s4 =	simm.s32 $0x1BF5;
	[smem:$0x3FBB] =	sst s0  }
0x18: {  	s0 =	sld [smem:$0x3F9E];
	_ =	swait.ge [sflag:s4], $0x0  }
0x19: {  	s7 =	sld [smem:$0x3F9F]  }
0x1a: {  	s8 =	sadd.s32 $0xFFFFE003, lr  }
0x1b: {  	s9 =	sadd.s32 $0xFFFFFEF7, lr;
	s5 =	simm.s32 $0xFFFFFFFF;
	p2 =	slt.u32 s8, $0xFFFFF086  }
0x1c: {  	p1 =	slt.u32 s9, $0xF7A;
	s5 =	simm.s32 @!p2 $0x0  }
0x1d: {  	s5 =	simm.s32 @p1 $0x1;
	p0 =	seq.s32 s7, s2  }
0x1e: {  	s7 =	smul.u32 @!p0 $0xF7A, s2;
	p2 =	seq.s32 @!p0 s5, $0x0  }
0x1f: {  	s9 =	smul.u32 $0xF7A, s1;
	s8 =	simm.s32 @!p0 $0x1BF5;
	p2 =	por !p2, p0  }
0x20: {  	[sflag:s8] =	ssyncset.s32 @!p0 $0xFFFFF086;
	s6 =	sadd.s32 @!p0 s3, s7;
	s7 =	simm.s32 @!p0 $0x108  }
0x21: {  	s3 =	sadd.s32 s3, s9;
	s6 =	sadd.s32 @!p0 $0x88, s6;
	s7 =	simm.s32 @p2 $0x1082  }
0x22: {  	[simem:s7], [sflag:s8] =	dma.local @!p0 [hbm:s6], $0xF7A  }
0x23: {  	s9 =	sor.u32 $0xD0000000, s2;
	s6 =	simm.s32 $0x108;
	_ =	swait.ge @!p0 [sflag:s8], $0x0  }
0x24: {  	s3 =	sadd.s32 $0x88, s3;
	s6 =	simm.s32 @!p1 $0x1082;
	[sflag:s4] =	ssyncset.s32 $0xFFFFF086  }
0x25: {  	[simem:s6], [sflag:s4] =	dma.local [hbm:s3], $0xF7A  }
0x26: {  	[smem:$0x3F9F] =	sst s1;
	(tag) =	ssettag s2;
	_ =	strace s9  }
0x27: {  	s1 =	sld [smem:$0x3FAF]  }
0x28: {  	s2 =	sld [smem:$0x3FB0]  }
0x29: {  	s4 =	sld [smem:$0x3FB2]  }
0x2a: {  	p0 =	seq.s32 s5, $0x0;
	s5 =	sld [smem:$0x3FB3]  }
0x2b: {  	s6 =	sld [smem:$0x3FB4]  }
0x2c: {  	s7 =	sld [smem:$0x3FB5]  }
0x2d: {  	s3 =	simm.s32 $0x108;
	s8 =	sld [smem:$0x3FB6]  }
0x2e: {  	s3 =	simm.s32 @!p0 $0x1082;
	s9 =	sld [smem:$0x3FB7]  }
0x2f: {  	lr =	sadd.s32 s0, s3;
	s0 =	sld [smem:$0x3FAE]  }
0x30: {  	s3 =	sld [smem:$0x3FB1]  }
0x31: {  	[smem:$0x3FBA] =	sst s10  }
0x32: {  	s10 =	sld [smem:$0x3FB8];
	_ =	sdelay $0x3  }
0x33: {  	p0 =	seq.s32 s10, $0x1;
	s10 =	sld [smem:$0x3FBA];
	_ =	sdelay $0x3  }
0x34: {  	[smem:$0x3FBA] =	sst s10  }
0x35: {  	s10 =	sld [smem:$0x3FB9];
	_ =	sdelay $0x3  }
0x36: {  	p1 =	seq.s32 s10, $0x1;
	s10 =	sld [smem:$0x3FBA];
	_ =	sdelay $0x3  }
0x37: {  	[smem:$0x3FBA] =	sst s10  }
0x38: {  	s10 =	sld [smem:$0x3FBB]  }
0x39: {  	_ = 	snop;
	(pc) =	sbr.ind lr, $3  }
0x3a: {  	_ = 	snop  }
0x3b: {  	_ = 	snop  }
0x3c: {  	p2 =	seq.s32 s10, $0x1;
	s10 =	sld [smem:$0x3FBA]  }
0x3d: {  	_ =	shalt  }
0x3e: {  	_ =	shalt  }
0x3f: {  	_ =	shalt  }
0x40: {  	_ =	shalt  }
0x41: {  	_ =	shalt  }
0x42: {  	_ =	shalt  }
0x43: {  	_ =	shalt  }
0x44: {  	_ =	shalt  }
0x45: {  	_ =	shalt  }
0x46: {  	_ =	shalt  }
0x47: {  	_ =	shalt  }
0x48: {  	_ =	shalt  }
0x49: {  	_ =	shalt  }
0x4a: {  	_ =	shalt  }
0x4b: {  	_ =	shalt  }
0x4c: {  	_ =	shalt  }
0x4d: {  	_ =	shalt  }
0x4e: {  	_ =	shalt  }
0x4f: {  	_ =	shalt  }
0x50: {  	_ =	shalt  }
0x51: {  	_ =	shalt  }
0x52: {  	_ =	shalt  }
0x53: {  	_ =	shalt  }
0x54: {  	_ =	shalt  }
0x55: {  	_ =	shalt  }
0x56: {  	_ =	shalt  }
0x57: {  	_ =	shalt  }
0x58: {  	_ =	shalt  }
0x59: {  	_ =	shalt  }
0x5a: {  	_ =	shalt  }
0x5b: {  	_ =	shalt  }
0x5c: {  	_ =	shalt  }
0x5d: {  	_ =	shalt  }
0x5e: {  	_ =	shalt  }
0x5f: {  	_ =	shalt  }
0x60: {  	_ =	shalt  }
0x61: {  	_ =	shalt  }
0x62: {  	_ =	shalt  }
0x63: {  	_ =	shalt  }
0x64: {  	_ =	shalt  }
0x65: {  	_ =	shalt  }
0x66: {  	_ =	shalt  }
0x67: {  	_ =	shalt  }
0x68: {  	_ =	shalt  }
0x69: {  	_ =	shalt  }
0x6a: {  	_ =	shalt  }
0x6b: {  	_ =	shalt  }
0x6c: {  	_ =	shalt  }
0x6d: {  	_ =	shalt  }
0x6e: {  	_ =	shalt  }
0x6f: {  	_ =	shalt  }
0x70: {  	_ =	shalt  }
0x71: {  	_ =	shalt  }
0x72: {  	_ =	shalt  }
0x73: {  	_ =	shalt  }
0x74: {  	_ =	shalt  }
0x75: {  	_ =	shalt  }
0x76: {  	_ =	shalt  }
0x77: {  	_ =	shalt  }
0x78: {  	_ =	shalt  }
0x79: {  	_ =	shalt  }
0x7a: {  	_ =	shalt  }
0x7b: {  	_ =	shalt  }
0x7c: {  	_ =	shalt  }
0x7d: {  	_ =	shalt  }
0x7e: {  	_ =	shalt  }
0x7f: {  	_ =	shalt  }
0x80: {  	_ =	shalt  }
0x81: {  	_ =	shalt  }
0x82: {  	_ =	shalt  }
0x83: {  	_ =	shalt  }
0x84: {  	_ =	shalt  }
0x85: {  	_ =	shalt  }
0x86: {  	_ =	shalt  }
0x87: {  	_ =	shalt  }
.Lfunc_end0:
.L_simem_size_0:
called_computation_lowered:
.L_overlay_start_0:
0x88: {  	s2 =	sld [smem:$0x3FD9]  }
0x89: {  	s3 =	sld [smem:$0x3FFE];
	_ =	sdelay $0x1  }
0x8a: {  	s1 =	srdreg.scid  }
0x8b: {  	s0 =	sand.u32 $0x1, s1  }
0x8c: {  	s17 =	sshll.u32 s0, $0xA;
	s2 =	sadd.s32 s3, s2  }
0x8d: {  	s2 =	sadd.s32 s2, s17  }
0x8e: {  	[smem:$0x3FC6] =	sst s2  }
0x8f: {  	_ = 	snop  }
0x90: {  	s2 =	sld [smem:$0x3FC8]  }
0x91: {  	s18 =	sld [smem:$0x3FD0];
	(tm) =	ssettm $0x1  }
0x92: {  	s4 =	sld [smem:$0x3FFB];
	_ =	sdelay $0x3  }
0x93: {  	_ =	strace s4  }
0x94: {  	s4 =	sld [smem:$0x3FFC];
	_ =	sdelay $0x3  }
0x95: {  	_ =	strace s4  }
0x96: {  	s4 =	sld [smem:$0x3FFD];
	_ =	sdelay $0x3  }
0x97: {  	_ =	strace s4  }
0x98: {  	_ =	strace $0x8FFFFFFF  }
0x99: {  	s19 =	sld [smem:$0x3FDB];
	_ =	sdelay $0x1  }
0x9a: {  	s5 =	simm.s32 $_scs_section_size  }
0x9b: {  	s6 =	simm.s32 $_size__tile_overlayer_lowered;
	s7 =	simm.s32 $_tile_overlayer_lowered  }
0x9c: {  	s22 =	simm.s32 $0x1BFF;
	s21 =	sshll.u32 s7, $0x1;
	s4 =	sadd.s32 s5, s19  }
0x9d: {  	s8 =	simm.s32 $0x0;
	s20 =	sshll.u32 s6, $0x1;
	s6 =	sadd.s32 s21, s4  }
0x9e: {  	[timem:s8], [sflag:s22] =	dma.local [hbm:s6], s20  }
0x9f: {  	_ =	swait.ge [sflag:s22], s20  }
0xa0: {  	s5 =	ssub.s32 $0x0, s20;
	[sflag:s22] =	ssyncset.done $0x0  }
0xa1: {  	[sflag:s22] =	ssyncadd.s32 s5;
	_ =	sdelay $0x1  }
0xa2: {  	s23 =	simm.s32 $0x1B8B  }
0xa3: {  	_ =	swait.ge [sflag:s23], $0x1  }
0xa4: {  	[sflag:s23] =	ssyncset.done $0x0  }
0xa5: {  	s25 =	simm.s32 $0x1B8E;
	s24 =	sld [smem:$0x3FFE];
	[sflag:s23] =	ssyncadd.s32 $0xFFFFFFFF  }
0xa6: {  	s26 =	simm.s32 $execute0_lowered;
	[smem:$0x3FD2] =	sst s25  }
0xa7: {  	s6 =	sshll.u32 s26, $0x1;
	_ =	strace $0x80000046;
	[dreg:$0x1] =	wrdreg $0xFFFFFFFF  }
0xa8: {  	s28 =	simm.s32 $_size_execute0_lowered;
	s4 =	sadd.s32 s4, s6;
	[dreg:$0x0] =	wrdreg $0x0  }
0xa9: {  	s6 =	sshll.u32 s28, $0x1;
	[dreg:$0x2] =	wrdreg s4  }
0xaa: {  	[dreg:$0x3] =	wrdreg s6  }
0xab: {  	[dreg:$0x4] =	wrdreg $0xC0  }
0xac: {  	_ =	task [dreg:s8], $0x5FFFF  }
0xad: {  	[dreg:$0x1] =	wrdreg $0xFFFFFFFF  }
0xae: {  	[dreg:$0x0] =	wrdreg $0x60  }
0xaf: {  	[dreg:$0x2] =	wrdreg s24  }
0xb0: {  	[dreg:$0x3] =	wrdreg s2  }
0xb1: {  	[dreg:$0x4] =	wrdreg s18  }
0xb2: {  	[dreg:$0x5] =	wrdreg $0x9  }
0xb3: {  	_ =	task.clear_ibuf [dreg:s8], $0x6FFFF;
	_ =	strace $0x90000046  }
0xb4: {  	s29 =	simm.s32 $0x9;
	_ =	strace $0x80000048  }
0xb5: {  	_ =	swait.ge [sflag:s29], $0x1  }
0xb6: {  	[sflag:s29] =	ssyncadd.s32 $0xFFFFFFFF  }
0xb7: {  	_ =	strace $0x90000048  }
0xb8: {  	_ =	sfence  }
0xb9: {  	s30 =	sld [smem:$0x0];
	_ =	sdelay $0x2  }
0xba: {  	s31 =	sshll.u32 s1, $0xD;
	s1 =	sshrl.u32 s1, $0x2  }
0xbb: {  	s3 =	sand.u32 $0x4000, s31;
	s1 =	sadd.s32 s1, s30  }
0xbc: {  	s0 =	sor.u32 s3, s0;
	s1 =	sshll.u32 s1, $0x11  }
0xbd: {  	s0 =	sor.u32 s1, s0  }
0xbe: {  	s0 =	sadd.s32 $0x8F2B, s0  }
0xbf: {  	[sflag:s0] =	ssyncadd.remote.s32 $0x1  }
0xc0: {  	_ =	sfence.sel $0xFFFF  }
0xc1: {  	[dreg:$0x0] =	wrdreg $0xFFFFFFFF;
	(pc) =	sbr.abs _section_cstart, $3  }
0xc2: {  	[dreg:$0x1] =	wrdreg $0xFFFFFFFF  }
0xc3: {  	_ =	task.clear_ibuf [dreg:s8], $0x2FFFF;
	_ =	strace $0x9FFFFFFF  }
0xc4: {  	(tm) =	ssettm $0x7FFFFFFF  }
0xc5: {  	_ =	shalt  }
tec
execute0_lowered:
.L_overlay_start_1:
0x0: {  	(tag) =	ssettag $0x1  }
0x1: {  	s0 =	rddreg [dreg:$0x0]  }
0x2: {  	s2 =	rddreg [dreg:$0x1];
	s1 =	srdreg.scid  }
0x3: {  	s3 =	stileid.u32;
	s4 =	rddreg [dreg:$0x2]  }
0x4: {  	s11 =	simm.s32 $0xDC80;
	s19 =	simm.s32 $0x11C80;
	s28 =	simm.s32 $0x1  }
0x5: {  	s29 =	simm.s32 $0x15C80;
	s12 =	simm.s32 $0x18C80;
	s13 =	simm.s32 $0x19480  }
0x6: {  	s14 =	simm.s32 $0x19C80;
	s15 =	simm.s32 $0x1A480;
	s16 =	simm.s32 $0x1AC80  }
0x7: {  	s17 =	simm.s32 $0x1B480;
	s18 =	simm.s32 $0x1BC80;
	s20 =	simm.s32 $0x1C480  }
0x8: {  	s21 =	simm.s32 $0x1CC80;
	s1 =	sand.u32 $0x1, s1;
	s5 =	sshll.u32 s3, $0x1  }
0x9: {  	s22 =	simm.s32 $0x1D480;
	s3 =	simm.s32 $0x0;
	s5 =	sor.u32 s1, s5  }
0xa: {  	[smem:$0x7FF] =	sst s3;
	s1 =	ssub.s32 $0x2, s1;
	s6 =	smul.u32 $0x190, s5  }
0xb: {  	s23 =	simm.s32 $0x2;
	_ =	strace $0x80000047;
	s7 =	sshrl.u32 s1, $0x1  }
0xc: {  	s30 =	sshll.u32 s5, $0xB;
	s6 =	sadd.s32 s6, s0;
	s0 =	sadd.s32 $0x3600, s0  }
0xd: {  	v2 =	vlaneseq.u32;
	s26 =	ssub.s32 s1, s7;
	[dreg:$0x4] =	wrdreg s0;
	s31 =	sadd.s32 $0x400, s6  }
0xe: {  	vm0 =	vmmov $0xffff;
	v1 =	vshrl.u32 v2, $0x3;
	s7 =	sadd.s32 s4, s30;
	s0 =	smax.u32 s26, $0x1;
	[dreg:$0x5] =	wrdreg s31  }
0xf: {  	v0 =	vand.u32 $0x7, v2;
	v2 =	vor.u32 $0x8, v2;
	v1 =	vmul.u32 $0x8, v1;
	s1 =	simm.s32 $0x0;
	s6 =	sadd.s32 $0x100, s2;
	[dreg:$0x6] =	wrdreg s0  }
.LBB2_1:
0x10: {  	[dreg:$0x7] =	wrdreg s1  }
0x11: {  	s0 =	rddreg [dreg:$0x4];
	s10 =	simm.s32 $0xC80;
	s24 =	simm.s32 $0x3  }
0x12: {  	[tilespmem:s10], [sflag:$0x3] =	stream.linear.gather [hbm4b:s0+s3], $0xD000, $0x38;
	[tilespmem:$0x1DC80] =	vst v63  }
0x13: {  	_ =	swait.ge [sflag:s24], $0xD000  }
0x14: {  	[sflag:s24] =	ssyncset.done $0x0  }
0x15: {  	s25 =	rddreg [dreg:$0x5];
	[sflag:s24] =	ssyncadd.s32 $0xFFFF3000  }
0x16: {  	[tilespmem:s3], [sflag:$0x3] =	stream.linear.gather [hbm4b:s25+s3], $0xC80, $0x38;
	[tilespmem:$0x1DC80] =	vst v63  }
0x17: {  	_ =	swait.ge [sflag:s24], $0xC80  }
0x18: {  	[sflag:s24] =	ssyncset.done $0x0  }
0x19: {  	[sflag:s24] =	ssyncadd.s32 $0xFFFFF380  }
0x1a: {  	v3 =	vld [tilespmem:$0x0];
	_ =	sdelay $0x4  }
0x1b: {  	v4 =	vshll.u32 v3, $0x2  }
0x1c: {  	v3 =	vand.u32 $0x7, v3;
	v4 =	vand.u32 $0xFFFFFFE0, v4  }
0x1d: {  	v3 =	vor.u32 v3, v4  }
0x1e: {  	v4 =	vperm.xlane v3, v0;
	_ =	sdelay $0x1  }
0x1f: {  	v4 =	vadd.s32 v1, v4;
	_ =	sdelay $0x1  }
0x20: {  	v3 =	vperm.xlane v3, v2;
	_ =	sdelay $0x1  }
0x21: {  	v3 =	vadd.s32 v1, v3  }
0x22: {  	[tilespmem:s11], [sflag:$0x1] =	stream.indirect_vreg.gather [hbm4b:s2+s3], $0x80, v4, vm0, $0xb8;
	[tilespmem:$0x1DC80] =	vst v63  }
0x23: {  	s26 =	simm.s32 $0xE480  }
0x24: {  	[tilespmem:s26], [sflag:$0x1] =	stream.indirect_vreg.gather [hbm4b:s6+s3], $0x80, v4, vm0, $0xb8;
	[tilespmem:$0x1DC80] =	vst v63  }
0x25: {  	s30 =	simm.s32 $0xEC80  }
0x26: {  	[tilespmem:s30], [sflag:$0x1] =	stream.indirect_vreg.gather [hbm4b:s2+s3], $0x80, v3, vm0, $0xb8;
	[tilespmem:$0x1DC80] =	vst v63  }
0x27: {  	s31 =	simm.s32 $0xF480  }
0x28: {  	[tilespmem:s31], [sflag:$0x1] =	stream.indirect_vreg.gather [hbm4b:s6+s3], $0x80, v3, vm0, $0xb8;
	[tilespmem:$0x1DC80] =	vst v63  }
0x29: {  	v3 =	vld [tilespmem:$0x10];
	_ =	sdelay $0x4  }
0x2a: {  	v61 =	vshll.u32 v3, $0x2  }
0x2b: {  	v3 =	vand.u32 $0x7, v3;
	v4 =	vand.u32 $0xFFFFFFE0, v61  }
0x2c: {  	v3 =	vor.u32 v3, v4  }
0x2d: {  	v4 =	vperm.xlane v3, v0;
	_ =	sdelay $0x1  }
0x2e: {  	v4 =	vadd.s32 v1, v4;
	_ =	sdelay $0x1  }
0x2f: {  	v3 =	vperm.xlane v3, v2;
	_ =	sdelay $0x1  }
0x30: {  	s1 =	simm.s32 $0xFC80;
	v3 =	vadd.s32 v1, v3  }
0x31: {  	[tilespmem:s1], [sflag:$0x1] =	stream.indirect_vreg.gather [hbm4b:s2+s3], $0x80, v4, vm0, $0xb8;
	[tilespmem:$0x1DC80] =	vst v63  }
0x32: {  	s4 =	simm.s32 $0x10480  }
0x33: {  	[tilespmem:s4], [sflag:$0x1] =	stream.indirect_vreg.gather [hbm4b:s6+s3], $0x80, v4, vm0, $0xb8;
	[tilespmem:$0x1DC80] =	vst v63  }
0x34: {  	s5 =	simm.s32 $0x10C80  }
0x35: {  	[tilespmem:s5], [sflag:$0x1] =	stream.indirect_vreg.gather [hbm4b:s2+s3], $0x80, v3, vm0, $0xb8;
	[tilespmem:$0x1DC80] =	vst v63  }
0x36: {  	s8 =	simm.s32 $0x11480  }
0x37: {  	[tilespmem:s8], [sflag:$0x1] =	stream.indirect_vreg.gather [hbm4b:s6+s3], $0x80, v3, vm0, $0xb8;
	[tilespmem:$0x1DC80] =	vst v63  }
0x38: {  	v3 =	vld [tilespmem:$0x20];
	_ =	sdelay $0x4  }
0x39: {  	v62 =	vshll.u32 v3, $0x2  }
0x3a: {  	v3 =	vand.u32 $0x7, v3;
	v4 =	vand.u32 $0xFFFFFFE0, v62  }
0x3b: {  	v3 =	vor.u32 v3, v4  }
0x3c: {  	v4 =	vperm.xlane v3, v0;
	_ =	sdelay $0x1  }
0x3d: {  	v4 =	vadd.s32 v1, v4;
	_ =	sdelay $0x1  }
0x3e: {  	v3 =	vperm.xlane v3, v2;
	_ =	sdelay $0x1  }
0x3f: {  	v3 =	vadd.s32 v1, v3  }
0x40: {  	[tilespmem:s19], [sflag:$0x1] =	stream.indirect_vreg.gather [hbm4b:s2+s3], $0x80, v4, vm0, $0xb8;
	[tilespmem:$0x1DC80] =	vst v63  }
0x41: {  	s9 =	simm.s32 $0x12480  }
0x42: {  	[tilespmem:s9], [sflag:$0x1] =	stream.indirect_vreg.gather [hbm4b:s6+s3], $0x80, v4, vm0, $0xb8;
	[tilespmem:$0x1DC80] =	vst v63  }
0x43: {  	s10 =	simm.s32 $0x12C80  }
0x44: {  	[tilespmem:s10], [sflag:$0x1] =	stream.indirect_vreg.gather [hbm4b:s2+s3], $0x80, v3, vm0, $0xb8;
	[tilespmem:$0x1DC80] =	vst v63  }
0x45: {  	s24 =	simm.s32 $0x13480  }
0x46: {  	[tilespmem:s24], [sflag:$0x1] =	stream.indirect_vreg.gather [hbm4b:s6+s3], $0x80, v3, vm0, $0xb8;
	[tilespmem:$0x1DC80] =	vst v63  }
0x47: {  	v3 =	vld [tilespmem:$0x30];
	_ =	sdelay $0x4  }
0x48: {  	v63 =	vshll.u32 v3, $0x2  }
0x49: {  	v3 =	vand.u32 $0x7, v3;
	v4 =	vand.u32 $0xFFFFFFE0, v63  }
0x4a: {  	v3 =	vor.u32 v3, v4  }
0x4b: {  	v4 =	vperm.xlane v3, v0;
	_ =	sdelay $0x1  }
0x4c: {  	v4 =	vadd.s32 v1, v4;
	_ =	sdelay $0x1  }
0x4d: {  	v3 =	vperm.xlane v3, v2;
	_ =	sdelay $0x1  }
0x4e: {  	s25 =	simm.s32 $0x13C80;
	v3 =	vadd.s32 v1, v3  }
0x4f: {  	[tilespmem:s25], [sflag:$0x1] =	stream.indirect_vreg.gather [hbm4b:s2+s3], $0x80, v4, vm0, $0xb8;
	[tilespmem:$0x1DC80] =	vst v63  }
0x50: {  	s26 =	simm.s32 $0x14480  }
0x51: {  	[tilespmem:s26], [sflag:$0x1] =	stream.indirect_vreg.gather [hbm4b:s6+s3], $0x80, v4, vm0, $0xb8;
	[tilespmem:$0x1DC80] =	vst v63  }
0x52: {  	s30 =	simm.s32 $0x14C80  }
0x53: {  	[tilespmem:s30], [sflag:$0x1] =	stream.indirect_vreg.gather [hbm4b:s2+s3], $0x80, v3, vm0, $0xb8;
	[tilespmem:$0x1DC80] =	vst v63  }
0x54: {  	s31 =	simm.s32 $0x15480;
	s25 =	simm.s32 $0x0  }
0x55: {  	[tilespmem:s31], [sflag:$0x1] =	stream.indirect_vreg.gather [hbm4b:s6+s3], $0x80, v3, vm0, $0xb8;
	[tilespmem:$0x1DC80] =	vst v63  }
.LBB2_2:
0x56: {  	_ =	swait.ge [sflag:s28], $0x4000  }
0x57: {  	p0 =	seq.s32 s25, $0x0;
	[sflag:s28] =	ssyncset.done $0x0  }
0x58: {  	s1 =	simm.s32 @!p0 $0x2;
	[sflag:s28] =	ssyncadd.s32 $0xFFFFC000  }
0x59: {  	_ =	swait.ge @!p0 [sflag:s1], $0x4000  }
0x5a: {  	s5 =	sshll.u32 s25, $0x9;
	[sflag:s1] =	ssyncset.done @!p0 $0x0  }
0x5b: {  	s4 =	sshrl.u32 s5, $0x2;
	[sflag:s1] =	ssyncadd.s32 @!p0 $0xFFFFC000  }
0x5c: {  	v3 =	vld [tilespmem:s4+$0x40];
	_ =	sdelay $0x4  }
0x5d: {  	v4 =	vshll.u32 v3, $0x2  }
0x5e: {  	v3 =	vand.u32 $0x7, v3;
	v4 =	vand.u32 $0xFFFFFFE0, v4  }
0x5f: {  	v3 =	vor.u32 v3, v4  }
0x60: {  	v4 =	vperm.xlane v3, v0;
	_ =	sdelay $0x1  }
0x61: {  	v4 =	vadd.s32 v1, v4;
	_ =	sdelay $0x1  }
0x62: {  	v3 =	vperm.xlane v3, v2;
	_ =	sdelay $0x1  }
0x63: {  	s8 =	simm.s32 $0x0;
	v3 =	vadd.s32 v1, v3  }
0x64: {  	[tilespmem:s29], [sflag:$0x1] =	stream.indirect_vreg.gather [hbm4b:s2+s8], $0x80, v4, vm0, $0xb8;
	[tilespmem:$0x1DC80] =	vst v63  }
0x65: {  	s0 =	simm.s32 $0x16480  }
0x66: {  	[tilespmem:s0], [sflag:$0x1] =	stream.indirect_vreg.gather [hbm4b:s6+s8], $0x80, v4, vm0, $0xb8;
	[tilespmem:$0x1DC80] =	vst v63  }
0x67: {  	s31 =	simm.s32 $0x16C80  }
0x68: {  	[tilespmem:s31], [sflag:$0x1] =	stream.indirect_vreg.gather [hbm4b:s2+s8], $0x80, v3, vm0, $0xb8;
	[tilespmem:$0x1DC80] =	vst v63  }
0x69: {  	s1 =	simm.s32 $0x17480  }
0x6a: {  	[tilespmem:s1], [sflag:$0x1] =	stream.indirect_vreg.gather [hbm4b:s6+s8], $0x80, v3, vm0, $0xb8;
	[tilespmem:$0x1DC80] =	vst v63  }
0x6b: {  	v3 =	vld [tilespmem:s4+$0x50];
	_ =	sdelay $0x4  }
0x6c: {  	v4 =	vshll.u32 v3, $0x2  }
0x6d: {  	v3 =	vand.u32 $0x7, v3;
	v4 =	vand.u32 $0xFFFFFFE0, v4  }
0x6e: {  	v3 =	vor.u32 v3, v4  }
0x6f: {  	v4 =	vperm.xlane v3, v0;
	_ =	sdelay $0x1  }
0x70: {  	v4 =	vadd.s32 v1, v4;
	_ =	sdelay $0x1  }
0x71: {  	v3 =	vperm.xlane v3, v2;
	_ =	sdelay $0x1  }
0x72: {  	s9 =	simm.s32 $0x17C80;
	s26 =	sshll.u32 s25, $0xB;
	v3 =	vadd.s32 v1, v3  }
0x73: {  	[tilespmem:s9], [sflag:$0x1] =	stream.indirect_vreg.gather [hbm4b:s2+s8], $0x80, v4, vm0, $0xb8;
	[tilespmem:$0x1DC80] =	vst v63  }
0x74: {  	s10 =	simm.s32 $0x18480;
	s24 =	sand.u32 $0xF000, s26  }
0x75: {  	[tilespmem:s10], [sflag:$0x1] =	stream.indirect_vreg.gather [hbm4b:s6+s8], $0x80, v4, vm0, $0xb8;
	[tilespmem:$0x1DC80] =	vst v63  }
0x76: {  	s10 =	sand.u32 $0x200, s5;
	s5 =	sor.u32 $0xC80, s24  }
0x77: {  	[tilespmem:s12], [sflag:$0x1] =	stream.indirect_vreg.gather [hbm4b:s2+s8], $0x80, v3, vm0, $0xb8;
	[tilespmem:$0x1DC80] =	vst v63  }
0x78: {  	s1 =	sor.u32 s10, s5  }
0x79: {  	[tilespmem:s13], [sflag:$0x1] =	stream.indirect_vreg.gather [hbm4b:s6+s8], $0x80, v3, vm0, $0xb8;
	[tilespmem:$0x1DC80] =	vst v63  }
0x7a: {  	v3 =	vld [tilespmem:s1+$0x0]  }
0x7b: {  	v4 =	vld [tilespmem:s1+$0x10]  }
0x7c: {  	v5 =	vld [tilespmem:s1+$0x20]  }
0x7d: {  	v6 =	vld [tilespmem:s1+$0x30]  }
0x7e: {  	v7 =	vld [tilespmem:s1+$0x40]  }
0x7f: {  	v8 =	vld [tilespmem:s1+$0x50]  }
0x80: {  	v9 =	vld [tilespmem:s1+$0x60]  }
0x81: {  	v10 =	vld [tilespmem:s1+$0x70]  }
0x82: {  	v11 =	vld [tilespmem:s1+$0x400]  }
0x83: {  	v12 =	vld [tilespmem:s1+$0x410]  }
0x84: {  	v13 =	vld [tilespmem:s1+$0x420]  }
0x85: {  	v14 =	vld [tilespmem:s1+$0x430]  }
0x86: {  	v15 =	vld [tilespmem:s1+$0x440]  }
0x87: {  	v16 =	vld [tilespmem:s1+$0x450]  }
0x88: {  	s10 =	sor.u32 s26, s10;
	v17 =	vld [tilespmem:s1+$0x460]  }
0x89: {  	s31 =	sor.u32 $0x800, s10;
	v18 =	vld [tilespmem:s1+$0x470]  }
0x8a: {  	s0 =	sor.u32 $0x810, s10;
	v19 =	vld [tilespmem:s31+$0xC80]  }
0x8b: {  	s9 =	sor.u32 $0x820, s10;
	v20 =	vld [tilespmem:s0+$0xC80]  }
0x8c: {  	s24 =	sor.u32 $0x830, s10;
	v21 =	vld [tilespmem:s9+$0xC80]  }
0x8d: {  	v22 =	vld [tilespmem:s24+$0xC80];
	s31 =	sor.u32 $0x840, s10  }
0x8e: {  	s0 =	sor.u32 $0x850, s10;
	v23 =	vld [tilespmem:s31+$0xC80]  }
0x8f: {  	s9 =	sor.u32 $0x860, s10;
	v24 =	vld [tilespmem:s0+$0xC80]  }
0x90: {  	s24 =	sor.u32 $0x870, s10;
	v25 =	vld [tilespmem:s9+$0xC80]  }
0x91: {  	v30 =	vld [tilespmem:s24+$0xC80];
	s31 =	sor.u32 $0xC00, s10  }
0x92: {  	s0 =	sor.u32 $0xC10, s10;
	v34 =	vld [tilespmem:s31+$0xC80]  }
0x93: {  	s9 =	sor.u32 $0xC20, s10;
	v32 =	vld [tilespmem:s0+$0xC80]  }
0x94: {  	s24 =	sor.u32 $0xC30, s10;
	v31 =	vld [tilespmem:s9+$0xC80]  }
0x95: {  	v26 =	vld [tilespmem:s24+$0xC80];
	s31 =	sor.u32 $0xC40, s10  }
0x96: {  	s0 =	sor.u32 $0xC50, s10;
	v27 =	vld [tilespmem:s31+$0xC80]  }
0x97: {  	s9 =	sor.u32 $0xC60, s10;
	v28 =	vld [tilespmem:s0+$0xC80]  }
0x98: {  	s24 =	sor.u32 $0xC70, s10;
	v29 =	vld [tilespmem:s9+$0xC80];
	s31 =	sand.u32 $0x3000, s8;
	s8 =	sand.u32 $0x380, s8  }
0x99: {  	v33 =	vld [tilespmem:s24+$0xC80];
	s10 =	sor.u32 s8, s31  }
0x9a: {  	v35 =	vld [tilespmem:s10+$0xDC80]  }
0x9b: {  	v36 =	vld [tilespmem:s10+$0xDC90]  }
0x9c: {  	v37 =	vld [tilespmem:s10+$0xDCA0]  }
0x9d: {  	v38 =	vld [tilespmem:s10+$0xDCB0]  }
0x9e: {  	v39 =	vld [tilespmem:s10+$0xDCC0]  }
0x9f: {  	v40 =	vld [tilespmem:s10+$0xDCD0];
	v35 =	vadd.f32 v35, v3  }
0xa0: {  	v41 =	vld [tilespmem:s10+$0xDCE0];
	v36 =	vadd.f32 v36, v4  }
0xa1: {  	v48 =	vld [tilespmem:s10+$0xDCF0];
	v47 =	vadd.f32 v37, v5;
	[tilespmem:s10+$0xDC80] =	vst v35  }
0xa2: {  	v50 =	vld [tilespmem:s10+$0xE080];
	v49 =	vadd.f32 v38, v6;
	[tilespmem:s10+$0xDC90] =	vst v36  }
0xa3: {  	v52 =	vld [tilespmem:s10+$0xE090];
	v51 =	vadd.f32 v39, v7;
	[tilespmem:s10+$0xDCA0] =	vst v47  }
0xa4: {  	v54 =	vld [tilespmem:s10+$0xE0A0];
	v53 =	vadd.f32 v40, v8;
	[tilespmem:s10+$0xDCB0] =	vst v49  }
0xa5: {  	v56 =	vld [tilespmem:s10+$0xE0B0];
	v55 =	vadd.f32 v41, v9;
	[tilespmem:s10+$0xDCC0] =	vst v51  }
0xa6: {  	v58 =	vld [tilespmem:s10+$0xE0C0];
	v57 =	vadd.f32 v48, v10;
	[tilespmem:s10+$0xDCD0] =	vst v53  }
0xa7: {  	v60 =	vld [tilespmem:s10+$0xE0D0];
	v59 =	vadd.f32 v50, v11;
	[tilespmem:s10+$0xDCE0] =	vst v55  }
0xa8: {  	v62 =	vld [tilespmem:s10+$0xE0E0];
	v61 =	vadd.f32 v52, v12;
	[tilespmem:s10+$0xDCF0] =	vst v57  }
0xa9: {  	v44 =	vld [tilespmem:s10+$0xE0F0];
	v63 =	vadd.f32 v54, v13;
	[tilespmem:s10+$0xE080] =	vst v59  }
0xaa: {  	v46 =	vld [tilespmem:s10+$0xE480];
	v45 =	vadd.f32 v56, v14;
	[tilespmem:s10+$0xE090] =	vst v61  }
0xab: {  	v42 =	vld [tilespmem:s10+$0xE4E0];
	[tilespmem:s10+$0xE0A0] =	vst v63;
	v47 =	vadd.f32 v58, v15  }
0xac: {  	v48 =	vld [tilespmem:s10+$0xE490];
	[tilespmem:s10+$0xE0B0] =	vst v45;
	v49 =	vadd.f32 v60, v16  }
0xad: {  	v50 =	vld [tilespmem:s10+$0xE4A0];
	v51 =	vadd.f32 v62, v17;
	[tilespmem:s10+$0xE0C0] =	vst v47  }
0xae: {  	v52 =	vld [tilespmem:s10+$0xE4B0];
	v53 =	vadd.f32 v44, v18;
	[tilespmem:s10+$0xE0D0] =	vst v49  }
0xaf: {  	v54 =	vld [tilespmem:s10+$0xE4C0];
	v55 =	vadd.f32 v46, v19;
	[tilespmem:s10+$0xE0E0] =	vst v51  }
0xb0: {  	v56 =	vld [tilespmem:s10+$0xE4D0];
	v63 =	vadd.f32 v42, v25;
	[tilespmem:s10+$0xE0F0] =	vst v53  }
0xb1: {  	v43 =	vld [tilespmem:s10+$0xE4F0];
	[tilespmem:s10+$0xE480] =	vst v55;
	v57 =	vadd.f32 v48, v20  }
0xb2: {  	v60 =	vld [tilespmem:s10+$0xE880];
	[tilespmem:s10+$0xE4E0] =	vst v63;
	v58 =	vadd.f32 v50, v21  }
0xb3: {  	v38 =	vld [tilespmem:s10+$0xE890];
	v59 =	vadd.f32 v52, v22;
	[tilespmem:s10+$0xE490] =	vst v57  }
0xb4: {  	v37 =	vld [tilespmem:s10+$0xE8A0];
	v61 =	vadd.f32 v54, v23;
	[tilespmem:s10+$0xE4A0] =	vst v58  }
0xb5: {  	v35 =	vld [tilespmem:s10+$0xE8B0];
	v62 =	vadd.f32 v56, v24;
	[tilespmem:s10+$0xE4B0] =	vst v59  }
0xb6: {  	v41 =	vadd.f32 v43, v30;
	v36 =	vld [tilespmem:s10+$0xE8C0];
	[tilespmem:s10+$0xE4C0] =	vst v61  }
0xb7: {  	s30 =	simm.s32 $0x200;
	s24 =	simm.s32 $0x80;
	s8 =	sshll.u32 s25, $0x2;
	v39 =	vld [tilespmem:s10+$0xE8D0];
	[tilespmem:s10+$0xE4D0] =	vst v62;
	v40 =	vadd.f32 v60, v34  }
.LBB2_3:
0xb8: {  	s1 =	sand.u32 $0x3000, s30;
	s31 =	sand.u32 $0x380, s24;
	p1 =	sne.s32 s30, $0x3E00;
	[tilespmem:s10+$0xE4F0] =	vst v41;
	v38 =	vadd.f32 v38, v32;
	v41 =	vld [tilespmem:s10+$0xE8E0]  }
0xb9: {  	s1 =	sor.u32 s31, s1;
	[tilespmem:s10+$0xE880] =	vst v40;
	v37 =	vadd.f32 v37, v31;
	v40 =	vld [tilespmem:s10+$0xE8F0]  }
0xba: {  	v42 =	vld [tilespmem:s1+$0xDC80];
	[tilespmem:s10+$0xE890] =	vst v38;
	v35 =	vadd.f32 v35, v26  }
0xbb: {  	v38 =	vld [tilespmem:s1+$0xDC90];
	[tilespmem:s10+$0xE8A0] =	vst v37;
	v36 =	vadd.f32 v36, v27  }
0xbc: {  	v37 =	vld [tilespmem:s1+$0xDCA0];
	[tilespmem:s10+$0xE8B0] =	vst v35;
	v35 =	vadd.f32 v39, v28  }
0xbd: {  	v39 =	vld [tilespmem:s1+$0xDCB0];
	[tilespmem:s10+$0xE8C0] =	vst v36;
	v36 =	vadd.f32 v41, v29  }
0xbe: {  	v41 =	vld [tilespmem:s1+$0xDCC0];
	[tilespmem:s10+$0xE8D0] =	vst v35;
	v35 =	vadd.f32 v40, v33  }
0xbf: {  	v40 =	vadd.f32 v42, v3;
	v42 =	vld [tilespmem:s1+$0xDCD0];
	[tilespmem:s10+$0xE8E0] =	vst v36  }
0xc0: {  	v36 =	vadd.f32 v38, v4;
	v38 =	vld [tilespmem:s1+$0xDCE0];
	[tilespmem:s10+$0xE8F0] =	vst v35;
	s10 =	smov.u32 s1  }
0xc1: {  	[tilespmem:s10+$0xDC80] =	vst v40;
	v35 =	vadd.f32 v37, v5;
	v37 =	vld [tilespmem:s10+$0xDCF0]  }
0xc2: {  	[tilespmem:s10+$0xDC90] =	vst v36;
	v36 =	vadd.f32 v39, v6;
	v39 =	vld [tilespmem:s10+$0xE080]  }
0xc3: {  	[tilespmem:s10+$0xDCA0] =	vst v35;
	v35 =	vadd.f32 v41, v7;
	v40 =	vld [tilespmem:s10+$0xE090]  }
0xc4: {  	[tilespmem:s10+$0xDCB0] =	vst v36;
	v36 =	vadd.f32 v42, v8;
	v41 =	vld [tilespmem:s10+$0xE0A0]  }
0xc5: {  	[tilespmem:s10+$0xDCC0] =	vst v35;
	v35 =	vadd.f32 v38, v9;
	v38 =	vld [tilespmem:s10+$0xE0B0]  }
0xc6: {  	[tilespmem:s10+$0xDCD0] =	vst v36;
	v36 =	vadd.f32 v37, v10;
	v37 =	vld [tilespmem:s10+$0xE0C0]  }
0xc7: {  	[tilespmem:s10+$0xDCE0] =	vst v35;
	v35 =	vadd.f32 v39, v11;
	v39 =	vld [tilespmem:s10+$0xE0D0]  }
0xc8: {  	[tilespmem:s10+$0xDCF0] =	vst v36;
	v36 =	vadd.f32 v40, v12;
	v40 =	vld [tilespmem:s10+$0xE0E0]  }
0xc9: {  	[tilespmem:s10+$0xE080] =	vst v35;
	v35 =	vadd.f32 v41, v13;
	v41 =	vld [tilespmem:s10+$0xE0F0]  }
0xca: {  	[tilespmem:s10+$0xE090] =	vst v36;
	v36 =	vadd.f32 v38, v14;
	v38 =	vld [tilespmem:s10+$0xE480]  }
0xcb: {  	[tilespmem:s10+$0xE0A0] =	vst v35;
	v35 =	vadd.f32 v37, v15;
	v37 =	vld [tilespmem:s10+$0xE490]  }
0xcc: {  	[tilespmem:s10+$0xE0B0] =	vst v36;
	v36 =	vadd.f32 v39, v16;
	v39 =	vld [tilespmem:s10+$0xE4A0]  }
0xcd: {  	[tilespmem:s10+$0xE0C0] =	vst v35;
	v35 =	vadd.f32 v40, v17;
	v40 =	vld [tilespmem:s10+$0xE4B0]  }
0xce: {  	[tilespmem:s10+$0xE0D0] =	vst v36;
	v36 =	vadd.f32 v41, v18;
	v41 =	vld [tilespmem:s10+$0xE4C0]  }
0xcf: {  	[tilespmem:s10+$0xE0E0] =	vst v35;
	v35 =	vadd.f32 v38, v19;
	v42 =	vld [tilespmem:s10+$0xE4D0]  }
0xd0: {  	[tilespmem:s10+$0xE0F0] =	vst v36;
	v36 =	vadd.f32 v37, v20;
	v43 =	vld [tilespmem:s10+$0xE4E0]  }
0xd1: {  	[tilespmem:s10+$0xE480] =	vst v35;
	v35 =	vadd.f32 v39, v21;
	v39 =	vld [tilespmem:s10+$0xE4F0]  }
0xd2: {  	[tilespmem:s10+$0xE490] =	vst v36;
	v36 =	vadd.f32 v40, v22;
	v40 =	vld [tilespmem:s10+$0xE880]  }
.Ltmp0:
0xd3: {  	[tilespmem:s10+$0xE4A0] =	vst v35;
	v35 =	vadd.f32 v41, v23;
	v38 =	vld [tilespmem:s10+$0xE890];
	(pc) =	sbr.rel @p1 .LBB2_3-.Ltmp0, $4  }
0xd4: {  	[tilespmem:s10+$0xE4B0] =	vst v36;
	v36 =	vadd.f32 v42, v24;
	v37 =	vld [tilespmem:s10+$0xE8A0]  }
0xd5: {  	[tilespmem:s10+$0xE4C0] =	vst v35;
	v42 =	vadd.f32 v43, v25;
	v35 =	vld [tilespmem:s10+$0xE8B0]  }
0xd6: {  	[tilespmem:s10+$0xE4D0] =	vst v36;
	v41 =	vadd.f32 v39, v30;
	v36 =	vld [tilespmem:s10+$0xE8C0]  }
0xd7: {  	s24 =	sadd.s32 $0x80, s24;
	s30 =	sadd.s32 $0x200, s30;
	[tilespmem:s10+$0xE4E0] =	vst v42;
	v40 =	vadd.f32 v40, v34;
	v39 =	vld [tilespmem:s10+$0xE8D0]  }
0xd8: {  	[tilespmem:s10+$0xE4F0] =	vst v41;
	v3 =	vadd.f32 v38, v32;
	v4 =	vld [tilespmem:s10+$0xE8E0]  }
0xd9: {  	v6 =	vld [tilespmem:s10+$0xE8F0];
	[tilespmem:s10+$0xE880] =	vst v40;
	v5 =	vadd.f32 v37, v31  }
0xda: {  	[tilespmem:s10+$0xE890] =	vst v3;
	v3 =	vadd.f32 v35, v26  }
0xdb: {  	[tilespmem:s10+$0xE8A0] =	vst v5;
	v5 =	vadd.f32 v36, v27  }
0xdc: {  	[tilespmem:s10+$0xE8B0] =	vst v3;
	v3 =	vadd.f32 v39, v28  }
0xdd: {  	[tilespmem:s10+$0xE8C0] =	vst v5;
	v4 =	vadd.f32 v4, v29  }
0xde: {  	[tilespmem:s10+$0xE8D0] =	vst v3;
	v3 =	vadd.f32 v6, v33  }
0xdf: {  	s1 =	sshll.u32 s25, $0x12;
	[tilespmem:s10+$0xE8E0] =	vst v4  }
0xe0: {  	s1 =	sadd.s32 s1, s7;
	[tilespmem:s10+$0xE8F0] =	vst v3  }
0xe1: {  	[hbm4b:s1+s3] =	stream.linear.scatter [tilespmem:s11], [sflag:$0x2], $0x4000, $0x38;
	[tilespmem:$0x1DC80] =	vst v63  }
0xe2: {  	_ =	swait.ge [sflag:s28], $0x4000  }
0xe3: {  	[sflag:s28] =	ssyncset.done $0x0  }
0xe4: {  	s1 =	simm.s32 @!p0 $0x2;
	[sflag:s28] =	ssyncadd.s32 $0xFFFFC000  }
0xe5: {  	_ =	swait.ge @!p0 [sflag:s1], $0x4000  }
0xe6: {  	[sflag:s1] =	ssyncset.done @!p0 $0x0  }
0xe7: {  	[sflag:s1] =	ssyncadd.s32 @!p0 $0xFFFFC000  }
0xe8: {  	v3 =	vld [tilespmem:s4+$0x60];
	_ =	sdelay $0x4  }
0xe9: {  	v4 =	vshll.u32 v3, $0x2  }
0xea: {  	v3 =	vand.u32 $0x7, v3;
	v4 =	vand.u32 $0xFFFFFFE0, v4  }
0xeb: {  	v3 =	vor.u32 v3, v4  }
0xec: {  	v4 =	vperm.xlane v3, v0;
	_ =	sdelay $0x1  }
0xed: {  	v4 =	vadd.s32 v1, v4;
	_ =	sdelay $0x1  }
0xee: {  	v3 =	vperm.xlane v3, v2;
	_ =	sdelay $0x1  }
0xef: {  	s24 =	simm.s32 $0x0;
	v3 =	vadd.s32 v1, v3  }
0xf0: {  	[tilespmem:s14], [sflag:$0x1] =	stream.indirect_vreg.gather [hbm4b:s2+s24], $0x80, v4, vm0, $0xb8;
	[tilespmem:$0x1DC80] =	vst v63  }
0xf1: {  	_ = 	snop  }
0xf2: {  	[tilespmem:s15], [sflag:$0x1] =	stream.indirect_vreg.gather [hbm4b:s6+s24], $0x80, v4, vm0, $0xb8;
	[tilespmem:$0x1DC80] =	vst v63  }
0xf3: {  	_ = 	snop  }
0xf4: {  	[tilespmem:s16], [sflag:$0x1] =	stream.indirect_vreg.gather [hbm4b:s2+s24], $0x80, v3, vm0, $0xb8;
	[tilespmem:$0x1DC80] =	vst v63  }
0xf5: {  	_ = 	snop  }
0xf6: {  	[tilespmem:s17], [sflag:$0x1] =	stream.indirect_vreg.gather [hbm4b:s6+s24], $0x80, v3, vm0, $0xb8;
	[tilespmem:$0x1DC80] =	vst v63  }
0xf7: {  	v3 =	vld [tilespmem:s4+$0x70];
	_ =	sdelay $0x4  }
0xf8: {  	v4 =	vshll.u32 v3, $0x2  }
0xf9: {  	v3 =	vand.u32 $0x7, v3;
	v4 =	vand.u32 $0xFFFFFFE0, v4  }
0xfa: {  	v3 =	vor.u32 v3, v4  }
0xfb: {  	v4 =	vperm.xlane v3, v0;
	_ =	sdelay $0x1  }
0xfc: {  	v4 =	vadd.s32 v1, v4;
	_ =	sdelay $0x1  }
0xfd: {  	v3 =	vperm.xlane v3, v2;
	_ =	sdelay $0x1  }
0xfe: {  	s10 =	sor.u32 $0x1, s8;
	v3 =	vadd.s32 v1, v3  }
0xff: {  	[tilespmem:s18], [sflag:$0x1] =	stream.indirect_vreg.gather [hbm4b:s2+s24], $0x80, v4, vm0, $0xb8;
	[tilespmem:$0x1DC80] =	vst v63  }
0x100: {  	s0 =	sshll.u32 s10, $0x7  }
0x101: {  	[tilespmem:s20], [sflag:$0x1] =	stream.indirect_vreg.gather [hbm4b:s6+s24], $0x80, v4, vm0, $0xb8;
	[tilespmem:$0x1DC80] =	vst v63  }
0x102: {  	s1 =	sand.u32 $0x280, s0  }
0x103: {  	[tilespmem:s21], [sflag:$0x1] =	stream.indirect_vreg.gather [hbm4b:s2+s24], $0x80, v3, vm0, $0xb8;
	[tilespmem:$0x1DC80] =	vst v63  }
0x104: {  	s30 =	sadd.s32 s1, s5  }
0x105: {  	[tilespmem:s22], [sflag:$0x1] =	stream.indirect_vreg.gather [hbm4b:s6+s24], $0x80, v3, vm0, $0xb8;
	[tilespmem:$0x1DC80] =	vst v63  }
0x106: {  	v5 =	vld [tilespmem:s30+$0x0]  }
0x107: {  	v6 =	vld [tilespmem:s30+$0x10]  }
0x108: {  	v7 =	vld [tilespmem:s30+$0x20]  }
0x109: {  	v8 =	vld [tilespmem:s30+$0x30]  }
0x10a: {  	v9 =	vld [tilespmem:s30+$0x40]  }
0x10b: {  	v3 =	vld [tilespmem:s30+$0x50]  }
0x10c: {  	v4 =	vld [tilespmem:s30+$0x60]  }
0x10d: {  	v10 =	vld [tilespmem:s30+$0x70]  }
0x10e: {  	v11 =	vld [tilespmem:s30+$0x400]  }
0x10f: {  	v12 =	vld [tilespmem:s30+$0x410]  }
0x110: {  	v13 =	vld [tilespmem:s30+$0x420]  }
0x111: {  	v14 =	vld [tilespmem:s30+$0x430]  }
0x112: {  	v15 =	vld [tilespmem:s30+$0x440]  }
0x113: {  	v16 =	vld [tilespmem:s30+$0x450]  }
0x114: {  	s1 =	sor.u32 s26, s1;
	v17 =	vld [tilespmem:s30+$0x460]  }
0x115: {  	v19 =	vld [tilespmem:s30+$0x470];
	s30 =	sor.u32 $0x800, s1  }
0x116: {  	v22 =	vld [tilespmem:s30+$0xC80];
	s30 =	sor.u32 $0x810, s1  }
0x117: {  	v23 =	vld [tilespmem:s30+$0xC80];
	s30 =	sor.u32 $0x820, s1  }
0x118: {  	v24 =	vld [tilespmem:s30+$0xC80];
	s30 =	sor.u32 $0x830, s1  }
0x119: {  	v25 =	vld [tilespmem:s30+$0xC80];
	s30 =	sor.u32 $0x840, s1  }
0x11a: {  	v26 =	vld [tilespmem:s30+$0xC80];
	s30 =	sor.u32 $0x850, s1  }
0x11b: {  	v27 =	vld [tilespmem:s30+$0xC80];
	s30 =	sor.u32 $0x860, s1  }
0x11c: {  	v29 =	vld [tilespmem:s30+$0xC80];
	s30 =	sor.u32 $0x870, s1  }
0x11d: {  	v30 =	vld [tilespmem:s30+$0xC80];
	s30 =	sor.u32 $0xC00, s1  }
0x11e: {  	v20 =	vld [tilespmem:s30+$0xC80];
	s30 =	sor.u32 $0xC10, s1  }
0x11f: {  	v18 =	vld [tilespmem:s30+$0xC80];
	s30 =	sor.u32 $0xC20, s1  }
0x120: {  	v32 =	vld [tilespmem:s30+$0xC80];
	s30 =	sor.u32 $0xC30, s1  }
0x121: {  	v21 =	vld [tilespmem:s30+$0xC80];
	s30 =	sor.u32 $0xC40, s1  }
0x122: {  	v33 =	vld [tilespmem:s30+$0xC80];
	s30 =	sor.u32 $0xC50, s1  }
0x123: {  	v28 =	vld [tilespmem:s30+$0xC80];
	s30 =	sor.u32 $0xC60, s1  }
0x124: {  	s1 =	sor.u32 $0xC70, s1;
	v31 =	vld [tilespmem:s30+$0xC80];
	s30 =	sand.u32 $0x3000, s24;
	s24 =	sand.u32 $0x380, s24  }
0x125: {  	v34 =	vld [tilespmem:s1+$0xC80];
	s9 =	sor.u32 s24, s30  }
0x126: {  	s24 =	sadd.s32 $0x11C80, s9;
	v62 =	vld [tilespmem:s9+$0x11C80]  }
0x127: {  	v36 =	vld [tilespmem:s24+$0x810]  }
0x128: {  	v37 =	vld [tilespmem:s24+$0x800]  }
0x129: {  	v38 =	vld [tilespmem:s24+$0x470]  }
0x12a: {  	v39 =	vld [tilespmem:s24+$0x450]  }
0x12b: {  	v63 =	vld [tilespmem:s24+$0x440]  }
0x12c: {  	v52 =	vld [tilespmem:s24+$0x430]  }
0x12d: {  	v42 =	vld [tilespmem:s24+$0x420]  }
0x12e: {  	v43 =	vld [tilespmem:s24+$0x410]  }
0x12f: {  	v44 =	vld [tilespmem:s24+$0xC70]  }
0x130: {  	v45 =	vld [tilespmem:s24+$0x400]  }
0x131: {  	v46 =	vld [tilespmem:s24+$0xC20]  }
0x132: {  	v47 =	vld [tilespmem:s24+$0xC40];
	v35 =	vadd.f32 v62, v5  }
0x133: {  	v53 =	vld [tilespmem:s24+$0x70];
	v42 =	vadd.f32 v42, v13  }
0x134: {  	v49 =	vld [tilespmem:s24+$0x460];
	v43 =	vadd.f32 v43, v12;
	[tilespmem:s9+$0x11C80] =	vst v35  }
0x135: {  	v57 =	vld [tilespmem:s24+$0x820];
	v54 =	vadd.f32 v44, v34;
	[tilespmem:s24+$0x420] =	vst v42  }
0x136: {  	v50 =	vld [tilespmem:s24+$0x830];
	v45 =	vadd.f32 v45, v11;
	[tilespmem:s24+$0x410] =	vst v43  }
0x137: {  	v59 =	vld [tilespmem:s24+$0x840];
	v46 =	vadd.f32 v46, v32;
	[tilespmem:s24+$0xC70] =	vst v54  }
0x138: {  	v60 =	vld [tilespmem:s24+$0x850];
	v61 =	vadd.f32 v47, v33;
	[tilespmem:s24+$0x400] =	vst v45  }
0x139: {  	v41 =	vadd.f32 v52, v14;
	v56 =	vld [tilespmem:s24+$0x10];
	[tilespmem:s24+$0xC20] =	vst v46  }
0x13a: {  	v51 =	vld [tilespmem:s24+$0x870];
	v63 =	vadd.f32 v63, v15;
	[tilespmem:s24+$0xC40] =	vst v61  }
0x13b: {  	v52 =	vadd.f32 v39, v16;
	v48 =	vld [tilespmem:s24+$0x30];
	[tilespmem:s24+$0x430] =	vst v41  }
0x13c: {  	v49 =	vadd.f32 v49, v17;
	v55 =	vld [tilespmem:s24+$0x20];
	[tilespmem:s24+$0x440] =	vst v63  }
0x13d: {  	v62 =	vld [tilespmem:s24+$0x860];
	v40 =	vadd.f32 v37, v22;
	v35 =	vadd.f32 v53, v10;
	[tilespmem:s24+$0x450] =	vst v52  }
0x13e: {  	v39 =	vadd.f32 v50, v25;
	v53 =	vld [tilespmem:s24+$0x40];
	[tilespmem:s24+$0x460] =	vst v49;
	v43 =	vadd.f32 v56, v6  }
0x13f: {  	v37 =	vadd.f32 v59, v26;
	v47 =	vld [tilespmem:s24+$0x60];
	v54 =	vadd.f32 v38, v19;
	[tilespmem:s24+$0x70] =	vst v35  }
0x140: {  	v38 =	vadd.f32 v36, v23;
	v58 =	vadd.f32 v48, v8;
	[tilespmem:s24+$0x10] =	vst v43;
	v43 =	vld [tilespmem:s24+$0xC00]  }
0x141: {  	v36 =	vadd.f32 v57, v24;
	v45 =	vld [tilespmem:s24+$0x50];
	[tilespmem:s24+$0x470] =	vst v54;
	v44 =	vadd.f32 v55, v7  }
0x142: {  	v41 =	vadd.f32 v60, v27;
	v46 =	vld [tilespmem:s24+$0xC10];
	v35 =	vadd.f32 v51, v30;
	[tilespmem:s24+$0x30] =	vst v58  }
0x143: {  	s31 =	simm.s32 $0x200;
	s30 =	simm.s32 $0x80;
	v42 =	vadd.f32 v62, v29;
	v48 =	vld [tilespmem:s24+$0xC30];
	[tilespmem:s24+$0x20] =	vst v44;
	v44 =	vadd.f32 v53, v9  }
.LBB2_5:
0x144: {  	s1 =	smov.u32 s31  }
0x145: {  	s0 =	sand.u32 $0x3000, s31;
	s9 =	sand.u32 $0x380, s30;
	[tilespmem:s24+$0x800] =	vst v40;
	v40 =	vadd.f32 v43, v20;
	v43 =	vld [tilespmem:s24+$0xC50];
	s1 =	sadd.s32 $0x200, s31  }
0x146: {  	p0 =	sne.s32 s31, $0x3E00;
	s0 =	sor.u32 s9, s0;
	v45 =	vadd.f32 v45, v3;
	[tilespmem:s24+$0x810] =	vst v38;
	v38 =	vld [tilespmem:s24+$0xC60]  }
0x147: {  	s9 =	sadd.s32 $0x11C80, s0;
	v47 =	vadd.f32 v47, v4;
	v49 =	vld [tilespmem:s0+$0x11C80];
	[tilespmem:s24+$0x820] =	vst v36  }
0x148: {  	v36 =	vld [tilespmem:s9+$0x810];
	[tilespmem:s24+$0x830] =	vst v39;
	v39 =	vadd.f32 v46, v18  }
0x149: {  	v46 =	vld [tilespmem:s9+$0x800];
	[tilespmem:s24+$0x840] =	vst v37;
	v37 =	vadd.f32 v48, v21  }
0x14a: {  	v48 =	vld [tilespmem:s9+$0x470];
	[tilespmem:s24+$0x850] =	vst v41;
	v41 =	vadd.f32 v43, v28  }
0x14b: {  	v43 =	vld [tilespmem:s9+$0x460];
	[tilespmem:s24+$0x860] =	vst v42;
	v38 =	vadd.f32 v38, v31  }
0x14c: {  	v42 =	vadd.f32 v49, v5;
	v49 =	vld [tilespmem:s9+$0x450];
	[tilespmem:s24+$0x40] =	vst v44  }
0x14d: {  	v44 =	vld [tilespmem:s9+$0x440];
	[tilespmem:s24+$0xC60] =	vst v38  }
0x14e: {  	v38 =	vld [tilespmem:s9+$0x430];
	[tilespmem:s24+$0x60] =	vst v47  }
0x14f: {  	v47 =	vld [tilespmem:s9+$0x420];
	[tilespmem:s24+$0x50] =	vst v45  }
0x150: {  	v45 =	vld [tilespmem:s9+$0x410];
	[tilespmem:s24+$0xC50] =	vst v41  }
0x151: {  	v41 =	vld [tilespmem:s9+$0xC70];
	[tilespmem:s24+$0xC00] =	vst v40  }
0x152: {  	v40 =	vld [tilespmem:s9+$0x400];
	[tilespmem:s24+$0x870] =	vst v35  }
0x153: {  	v35 =	vld [tilespmem:s9+$0xC20];
	[tilespmem:s24+$0xC10] =	vst v39  }
0x154: {  	v39 =	vadd.f32 v47, v13;
	v47 =	vld [tilespmem:s9+$0xC40];
	[tilespmem:s24+$0xC30] =	vst v37;
	s24 =	smov.u32 s9  }
0x155: {  	[tilespmem:s0+$0x11C80] =	vst v42;
	v37 =	vld [tilespmem:s24+$0x70];
	v42 =	vadd.f32 v45, v12  }
0x156: {  	v45 =	vld [tilespmem:s24+$0x30];
	[tilespmem:s24+$0x420] =	vst v39;
	v39 =	vadd.f32 v41, v34  }
0x157: {  	v41 =	vld [tilespmem:s24+$0x20];
	v40 =	vadd.f32 v40, v11;
	[tilespmem:s24+$0x410] =	vst v42;
	v42 =	vadd.f32 v38, v14  }
0x158: {  	v44 =	vadd.f32 v44, v15;
	v38 =	vld [tilespmem:s24+$0x10];
	v35 =	vadd.f32 v35, v32;
	[tilespmem:s24+$0xC70] =	vst v39  }
0x159: {  	v49 =	vadd.f32 v49, v16;
	[tilespmem:s24+$0x400] =	vst v40;
	v39 =	vld [tilespmem:s24+$0x820];
	v40 =	vadd.f32 v47, v33  }
0x15a: {  	v50 =	vadd.f32 v43, v17;
	v37 =	vadd.f32 v37, v10;
	v43 =	vld [tilespmem:s24+$0x830];
	[tilespmem:s24+$0xC20] =	vst v35  }
0x15b: {  	v48 =	vadd.f32 v48, v19;
	v35 =	vadd.f32 v45, v8;
	v45 =	vld [tilespmem:s24+$0x840];
	[tilespmem:s24+$0xC40] =	vst v40  }
0x15c: {  	v40 =	vadd.f32 v46, v22;
	v41 =	vadd.f32 v41, v7;
	[tilespmem:s24+$0x70] =	vst v37;
	v46 =	vld [tilespmem:s24+$0x850]  }
0x15d: {  	v37 =	vadd.f32 v38, v6;
	[tilespmem:s24+$0x30] =	vst v35;
	v38 =	vadd.f32 v36, v23;
	v35 =	vld [tilespmem:s24+$0x860]  }
0x15e: {  	[tilespmem:s24+$0x20] =	vst v41;
	v36 =	vadd.f32 v39, v24;
	v51 =	vld [tilespmem:s24+$0x870]  }
0x15f: {  	[tilespmem:s24+$0x10] =	vst v37;
	v52 =	vld [tilespmem:s24+$0x40];
	v39 =	vadd.f32 v43, v25  }
.Ltmp1:
0x160: {  	[tilespmem:s24+$0x430] =	vst v42;
	v37 =	vadd.f32 v45, v26;
	v43 =	vld [tilespmem:s24+$0xC00];
	(pc) =	sbr.rel @p0 .LBB2_5-.Ltmp1, $4  }
0x161: {  	v45 =	vld [tilespmem:s24+$0x50];
	[tilespmem:s24+$0x440] =	vst v44;
	v41 =	vadd.f32 v46, v27  }
0x162: {  	v47 =	vld [tilespmem:s24+$0x60];
	[tilespmem:s24+$0x450] =	vst v49;
	v42 =	vadd.f32 v35, v29  }
0x163: {  	[tilespmem:s24+$0x460] =	vst v50;
	v35 =	vadd.f32 v51, v30;
	v46 =	vld [tilespmem:s24+$0xC10]  }
0x164: {  	s30 =	sadd.s32 $0x80, s30;
	s31 =	smov.u32 s1;
	v44 =	vadd.f32 v52, v9;
	[tilespmem:s24+$0x470] =	vst v48;
	v48 =	vld [tilespmem:s24+$0xC30]  }
0x165: {  	[tilespmem:s24+$0x800] =	vst v40  }
0x166: {  	[tilespmem:s24+$0x810] =	vst v38  }
0x167: {  	[tilespmem:s24+$0x820] =	vst v36  }
0x168: {  	[tilespmem:s24+$0x830] =	vst v39  }
0x169: {  	[tilespmem:s24+$0x840] =	vst v37  }
0x16a: {  	[tilespmem:s24+$0x850] =	vst v41  }
0x16b: {  	v5 =	vld [tilespmem:s24+$0xC60];
	[tilespmem:s24+$0x860] =	vst v42  }
0x16c: {  	[tilespmem:s24+$0x870] =	vst v35;
	v3 =	vadd.f32 v45, v3  }
0x16d: {  	v6 =	vld [tilespmem:s24+$0xC50];
	[tilespmem:s24+$0x40] =	vst v44;
	v4 =	vadd.f32 v47, v4  }
0x16e: {  	[tilespmem:s24+$0x50] =	vst v3;
	v3 =	vadd.f32 v46, v18  }
0x16f: {  	[tilespmem:s24+$0x60] =	vst v4;
	v4 =	vadd.f32 v43, v20  }
0x170: {  	v5 =	vadd.f32 v5, v31;
	[tilespmem:s24+$0xC10] =	vst v3  }
0x171: {  	[tilespmem:s24+$0xC00] =	vst v4;
	v4 =	vadd.f32 v48, v21  }
0x172: {  	[tilespmem:s24+$0xC60] =	vst v5;
	v5 =	vadd.f32 v6, v28  }
0x173: {  	s0 =	sshll.u32 s10, $0x10;
	[tilespmem:s24+$0xC30] =	vst v4  }
0x174: {  	s0 =	sadd.s32 s0, s7;
	[tilespmem:s24+$0xC50] =	vst v5  }
0x175: {  	[hbm4b:s0+s3] =	stream.linear.scatter [tilespmem:s19], [sflag:$0x2], $0x4000, $0x38;
	[tilespmem:$0x1DC80] =	vst v63  }
0x176: {  	_ =	swait.ge [sflag:s28], $0x4000  }
0x177: {  	[sflag:s28] =	ssyncset.done $0x0  }
0x178: {  	[sflag:s28] =	ssyncadd.s32 $0xFFFFC000  }
0x179: {  	_ =	swait.ge [sflag:s23], $0x4000  }
0x17a: {  	s10 =	sor.u32 $0x2, s8;
	[sflag:s23] =	ssyncset.done $0x0  }
0x17b: {  	p0 =	sgt.u32 s10, $0x61;
	[sflag:s23] =	ssyncadd.s32 $0xFFFFC000  }
0x17c: {  	v3 =	vld @!p0 [tilespmem:s4+$0x80];
	_ =	sdelay $0x4  }
0x17d: {  	v4 =	vshll.u32 @!p0 v3, $0x2  }
0x17e: {  	v5 =	vlaneseq.u32 @!p0;
	v3 =	vand.u32 @!p0 $0x7, v3;
	v4 =	vand.u32 @!p0 $0xFFFFFFE0, v4  }
0x17f: {  	v6 =	vshrl.u32 @!p0 v5, $0x3;
	v3 =	vor.u32 @!p0 v3, v4;
	v4 =	vand.u32 @!p0 $0x7, v5  }
0x180: {  	v6 =	vmul.u32 @!p0 $0x8, v6;
	v7 =	vperm.xlane @!p0 v3, v4;
	_ =	sdelay $0x1  }
0x181: {  	v7 =	vadd.s32 @!p0 v6, v7  }
0x182: {  	v5 =	vor.u32 @!p0 $0x8, v5  }
0x183: {  	v3 =	vperm.xlane @!p0 v3, v5;
	_ =	sdelay $0x1  }
0x184: {  	vm1 =	vmmov @!p0 $0xffff;
	s1 =	simm.s32 @!p0 $0xDC80;
	s0 =	simm.s32 @!p0 $0x0;
	v3 =	vadd.s32 @!p0 v6, v3  }
0x185: {  	[tilespmem:s1], [sflag:$0x1] =	stream.indirect_vreg.gather @!p0 [hbm4b:s2+s0], $0x80, v7, vm1, $0xb8;
	[tilespmem:$0x1DC80] =	vst v63  }
0x186: {  	s1 =	simm.s32 @!p0 $0xE480  }
0x187: {  	[tilespmem:s1], [sflag:$0x1] =	stream.indirect_vreg.gather @!p0 [hbm4b:s6+s0], $0x80, v7, vm1, $0xb8;
	[tilespmem:$0x1DC80] =	vst v63  }
0x188: {  	s1 =	simm.s32 @!p0 $0xEC80  }
0x189: {  	[tilespmem:s1], [sflag:$0x1] =	stream.indirect_vreg.gather @!p0 [hbm4b:s2+s0], $0x80, v3, vm1, $0xb8;
	[tilespmem:$0x1DC80] =	vst v63  }
0x18a: {  	s1 =	simm.s32 @!p0 $0xF480  }
0x18b: {  	[tilespmem:s1], [sflag:$0x1] =	stream.indirect_vreg.gather @!p0 [hbm4b:s6+s0], $0x80, v3, vm1, $0xb8;
	[tilespmem:$0x1DC80] =	vst v63  }
0x18c: {  	v3 =	vld @!p0 [tilespmem:s4+$0x90];
	_ =	sdelay $0x4  }
0x18d: {  	v7 =	vshll.u32 @!p0 v3, $0x2  }
0x18e: {  	v3 =	vand.u32 @!p0 $0x7, v3;
	v7 =	vand.u32 @!p0 $0xFFFFFFE0, v7  }
0x18f: {  	v3 =	vor.u32 @!p0 v3, v7  }
0x190: {  	v4 =	vperm.xlane @!p0 v3, v4;
	_ =	sdelay $0x1  }
0x191: {  	v4 =	vadd.s32 @!p0 v6, v4;
	_ =	sdelay $0x1  }
0x192: {  	v3 =	vperm.xlane @!p0 v3, v5;
	_ =	sdelay $0x1  }
0x193: {  	s1 =	simm.s32 @!p0 $0xFC80;
	v3 =	vadd.s32 @!p0 v6, v3  }
0x194: {  	[tilespmem:s1], [sflag:$0x1] =	stream.indirect_vreg.gather @!p0 [hbm4b:s2+s0], $0x80, v4, vm1, $0xb8;
	[tilespmem:$0x1DC80] =	vst v63  }
0x195: {  	s1 =	simm.s32 @!p0 $0x10480  }
0x196: {  	[tilespmem:s1], [sflag:$0x1] =	stream.indirect_vreg.gather @!p0 [hbm4b:s6+s0], $0x80, v4, vm1, $0xb8;
	[tilespmem:$0x1DC80] =	vst v63  }
0x197: {  	s1 =	simm.s32 @!p0 $0x10C80  }
0x198: {  	[tilespmem:s1], [sflag:$0x1] =	stream.indirect_vreg.gather @!p0 [hbm4b:s2+s0], $0x80, v3, vm1, $0xb8;
	[tilespmem:$0x1DC80] =	vst v63  }
0x199: {  	s24 =	sshll.u32 s10, $0x7;
	s1 =	simm.s32 @!p0 $0x11480  }
0x19a: {  	[tilespmem:s1], [sflag:$0x1] =	stream.indirect_vreg.gather @!p0 [hbm4b:s6+s0], $0x80, v3, vm1, $0xb8;
	[tilespmem:$0x1DC80] =	vst v63  }
0x19b: {  	s0 =	sand.u32 $0x300, s24  }
0x19c: {  	s31 =	sadd.s32 s0, s5  }
0x19d: {  	v5 =	vld [tilespmem:s31+$0x0]  }
0x19e: {  	v6 =	vld [tilespmem:s31+$0x10]  }
0x19f: {  	v7 =	vld [tilespmem:s31+$0x20]  }
0x1a0: {  	v8 =	vld [tilespmem:s31+$0x30]  }
0x1a1: {  	v9 =	vld [tilespmem:s31+$0x40]  }
0x1a2: {  	v3 =	vld [tilespmem:s31+$0x50]  }
0x1a3: {  	v4 =	vld [tilespmem:s31+$0x60]  }
0x1a4: {  	v10 =	vld [tilespmem:s31+$0x70]  }
0x1a5: {  	v11 =	vld [tilespmem:s31+$0x400]  }
0x1a6: {  	v12 =	vld [tilespmem:s31+$0x410]  }
0x1a7: {  	v13 =	vld [tilespmem:s31+$0x420]  }
0x1a8: {  	v14 =	vld [tilespmem:s31+$0x430]  }
0x1a9: {  	v15 =	vld [tilespmem:s31+$0x440]  }
0x1aa: {  	v16 =	vld [tilespmem:s31+$0x450]  }
0x1ab: {  	s0 =	sor.u32 s26, s0;
	v17 =	vld [tilespmem:s31+$0x460]  }
0x1ac: {  	v19 =	vld [tilespmem:s31+$0x470];
	s9 =	sor.u32 $0x800, s0  }
0x1ad: {  	s24 =	sor.u32 $0x810, s0;
	v22 =	vld [tilespmem:s9+$0xC80]  }
0x1ae: {  	s31 =	sor.u32 $0x820, s0;
	v23 =	vld [tilespmem:s24+$0xC80]  }
0x1af: {  	v24 =	vld [tilespmem:s31+$0xC80];
	s9 =	sor.u32 $0x830, s0  }
0x1b0: {  	s24 =	sor.u32 $0x840, s0;
	v25 =	vld [tilespmem:s9+$0xC80]  }
0x1b1: {  	s31 =	sor.u32 $0x850, s0;
	v26 =	vld [tilespmem:s24+$0xC80]  }
0x1b2: {  	v27 =	vld [tilespmem:s31+$0xC80];
	s9 =	sor.u32 $0x860, s0  }
0x1b3: {  	s24 =	sor.u32 $0x870, s0;
	v29 =	vld [tilespmem:s9+$0xC80]  }
0x1b4: {  	s31 =	sor.u32 $0xC00, s0;
	v30 =	vld [tilespmem:s24+$0xC80]  }
0x1b5: {  	v20 =	vld [tilespmem:s31+$0xC80];
	s9 =	sor.u32 $0xC10, s0  }
0x1b6: {  	s24 =	sor.u32 $0xC20, s0;
	v18 =	vld [tilespmem:s9+$0xC80]  }
0x1b7: {  	s31 =	sor.u32 $0xC30, s0;
	v32 =	vld [tilespmem:s24+$0xC80]  }
0x1b8: {  	v21 =	vld [tilespmem:s31+$0xC80];
	s9 =	sor.u32 $0xC40, s0  }
0x1b9: {  	s24 =	sor.u32 $0xC50, s0;
	v33 =	vld [tilespmem:s9+$0xC80]  }
0x1ba: {  	s31 =	sor.u32 $0xC60, s0;
	v28 =	vld [tilespmem:s24+$0xC80];
	s9 =	simm.s32 $0x0  }
0x1bb: {  	s0 =	sor.u32 $0xC70, s0;
	v31 =	vld [tilespmem:s31+$0xC80];
	s24 =	sand.u32 $0x3000, s9;
	s9 =	sand.u32 $0x380, s9  }
0x1bc: {  	v34 =	vld [tilespmem:s0+$0xC80];
	s31 =	sor.u32 s9, s24  }
0x1bd: {  	s24 =	sadd.s32 $0x15C80, s31;
	v57 =	vld [tilespmem:s31+$0x15C80]  }
0x1be: {  	v36 =	vld [tilespmem:s24+$0x810]  }
0x1bf: {  	v37 =	vld [tilespmem:s24+$0x800]  }
0x1c0: {  	v38 =	vld [tilespmem:s24+$0x470]  }
0x1c1: {  	v39 =	vld [tilespmem:s24+$0x450]  }
0x1c2: {  	v40 =	vld [tilespmem:s24+$0x440]  }
0x1c3: {  	v41 =	vld [tilespmem:s24+$0x430]  }
0x1c4: {  	v58 =	vld [tilespmem:s24+$0x420]  }
0x1c5: {  	v59 =	vld [tilespmem:s24+$0x410]  }
0x1c6: {  	v60 =	vld [tilespmem:s24+$0xC70]  }
0x1c7: {  	v61 =	vld [tilespmem:s24+$0x400]  }
0x1c8: {  	v62 =	vld [tilespmem:s24+$0xC20]  }
0x1c9: {  	v63 =	vld [tilespmem:s24+$0xC40];
	v35 =	vadd.f32 v57, v5  }
0x1ca: {  	v52 =	vld [tilespmem:s24+$0x70];
	v42 =	vadd.f32 v58, v13  }
0x1cb: {  	v49 =	vld [tilespmem:s24+$0x460];
	v43 =	vadd.f32 v59, v12;
	[tilespmem:s31+$0x15C80] =	vst v35  }
0x1cc: {  	v50 =	vld [tilespmem:s24+$0x830];
	v54 =	vadd.f32 v60, v34;
	[tilespmem:s24+$0x420] =	vst v42  }
0x1cd: {  	v51 =	vld [tilespmem:s24+$0x870];
	v45 =	vadd.f32 v61, v11;
	[tilespmem:s24+$0x410] =	vst v43  }
0x1ce: {  	v57 =	vld [tilespmem:s24+$0x820];
	v46 =	vadd.f32 v62, v32;
	[tilespmem:s24+$0xC70] =	vst v54  }
0x1cf: {  	v61 =	vadd.f32 v63, v33;
	v53 =	vld [tilespmem:s24+$0x30];
	[tilespmem:s24+$0x400] =	vst v45  }
0x1d0: {  	v41 =	vadd.f32 v41, v14;
	v56 =	vld [tilespmem:s24+$0x10];
	[tilespmem:s24+$0xC20] =	vst v46  }
0x1d1: {  	v59 =	vld [tilespmem:s24+$0x840];
	v63 =	vadd.f32 v40, v15;
	[tilespmem:s24+$0xC40] =	vst v61  }
0x1d2: {  	v60 =	vld [tilespmem:s24+$0x850];
	v49 =	vadd.f32 v49, v17;
	[tilespmem:s24+$0x430] =	vst v41  }
0x1d3: {  	v35 =	vadd.f32 v52, v10;
	v55 =	vld [tilespmem:s24+$0x20];
	[tilespmem:s24+$0x440] =	vst v63  }
0x1d4: {  	v62 =	vld [tilespmem:s24+$0x860];
	v40 =	vadd.f32 v37, v22;
	v52 =	vadd.f32 v39, v16;
	[tilespmem:s24+$0x460] =	vst v49  }
0x1d5: {  	[tilespmem:s24+$0x70] =	vst v35;
	v58 =	vadd.f32 v53, v8;
	v43 =	vadd.f32 v56, v6;
	v53 =	vld [tilespmem:s24+$0x40]  }
0x1d6: {  	v47 =	vld [tilespmem:s24+$0x60];
	v39 =	vadd.f32 v50, v25;
	v54 =	vadd.f32 v38, v19;
	[tilespmem:s24+$0x450] =	vst v52  }
0x1d7: {  	v38 =	vadd.f32 v36, v23;
	v35 =	vadd.f32 v51, v30;
	[tilespmem:s24+$0x10] =	vst v43;
	v43 =	vld [tilespmem:s24+$0xC00]  }
0x1d8: {  	v45 =	vld [tilespmem:s24+$0x50];
	v36 =	vadd.f32 v57, v24;
	[tilespmem:s24+$0x470] =	vst v54;
	v44 =	vadd.f32 v55, v7  }
0x1d9: {  	v48 =	vld [tilespmem:s24+$0xC30];
	v37 =	vadd.f32 v59, v26;
	v41 =	vadd.f32 v60, v27;
	[tilespmem:s24+$0x30] =	vst v58  }
0x1da: {  	s30 =	simm.s32 $0x80;
	s1 =	simm.s32 $0x200;
	v46 =	vld [tilespmem:s24+$0xC10];
	v42 =	vadd.f32 v62, v29;
	[tilespmem:s24+$0x20] =	vst v44;
	v44 =	vadd.f32 v53, v9  }
.LBB2_7:
0x1db: {  	s31 =	smov.u32 s1  }
0x1dc: {  	s0 =	sand.u32 $0x3000, s1;
	s9 =	sand.u32 $0x380, s30;
	[tilespmem:s24+$0x800] =	vst v40;
	v40 =	vadd.f32 v43, v20;
	v43 =	vld [tilespmem:s24+$0xC50];
	s31 =	sadd.s32 $0x200, s1  }
0x1dd: {  	p0 =	sne.s32 s1, $0x3E00;
	s0 =	sor.u32 s9, s0;
	v45 =	vadd.f32 v45, v3;
	[tilespmem:s24+$0x810] =	vst v38;
	v38 =	vld [tilespmem:s24+$0xC60]  }
0x1de: {  	s1 =	sadd.s32 $0x15C80, s0;
	v47 =	vadd.f32 v47, v4;
	v49 =	vld [tilespmem:s0+$0x15C80];
	[tilespmem:s24+$0x820] =	vst v36  }
0x1df: {  	v36 =	vld [tilespmem:s1+$0x810];
	[tilespmem:s24+$0x830] =	vst v39;
	v39 =	vadd.f32 v46, v18  }
0x1e0: {  	v46 =	vld [tilespmem:s1+$0x800];
	[tilespmem:s24+$0x840] =	vst v37;
	v37 =	vadd.f32 v48, v21  }
0x1e1: {  	v48 =	vld [tilespmem:s1+$0x470];
	[tilespmem:s24+$0x850] =	vst v41;
	v41 =	vadd.f32 v43, v28  }
0x1e2: {  	v43 =	vld [tilespmem:s1+$0x460];
	[tilespmem:s24+$0x860] =	vst v42;
	v38 =	vadd.f32 v38, v31  }
0x1e3: {  	v42 =	vadd.f32 v49, v5;
	v49 =	vld [tilespmem:s1+$0x450];
	[tilespmem:s24+$0x40] =	vst v44  }
0x1e4: {  	v44 =	vld [tilespmem:s1+$0x440];
	[tilespmem:s24+$0xC60] =	vst v38  }
0x1e5: {  	v38 =	vld [tilespmem:s1+$0x430];
	[tilespmem:s24+$0x60] =	vst v47  }
0x1e6: {  	v47 =	vld [tilespmem:s1+$0x420];
	[tilespmem:s24+$0x50] =	vst v45  }
0x1e7: {  	v45 =	vld [tilespmem:s1+$0x410];
	[tilespmem:s24+$0xC50] =	vst v41  }
0x1e8: {  	v41 =	vld [tilespmem:s1+$0xC70];
	[tilespmem:s24+$0xC00] =	vst v40  }
0x1e9: {  	v40 =	vld [tilespmem:s1+$0x400];
	[tilespmem:s24+$0x870] =	vst v35  }
0x1ea: {  	v35 =	vld [tilespmem:s1+$0xC20];
	[tilespmem:s24+$0xC10] =	vst v39  }
0x1eb: {  	v39 =	vadd.f32 v47, v13;
	v47 =	vld [tilespmem:s1+$0xC40];
	[tilespmem:s24+$0xC30] =	vst v37;
	s24 =	smov.u32 s1  }
0x1ec: {  	[tilespmem:s0+$0x15C80] =	vst v42;
	v37 =	vld [tilespmem:s24+$0x70];
	v42 =	vadd.f32 v45, v12  }
0x1ed: {  	v45 =	vld [tilespmem:s24+$0x30];
	[tilespmem:s24+$0x420] =	vst v39;
	v39 =	vadd.f32 v41, v34  }
0x1ee: {  	v41 =	vld [tilespmem:s24+$0x20];
	v40 =	vadd.f32 v40, v11;
	[tilespmem:s24+$0x410] =	vst v42;
	v42 =	vadd.f32 v38, v14  }
0x1ef: {  	v44 =	vadd.f32 v44, v15;
	v38 =	vld [tilespmem:s24+$0x10];
	v35 =	vadd.f32 v35, v32;
	[tilespmem:s24+$0xC70] =	vst v39  }
0x1f0: {  	v49 =	vadd.f32 v49, v16;
	[tilespmem:s24+$0x400] =	vst v40;
	v39 =	vld [tilespmem:s24+$0x820];
	v40 =	vadd.f32 v47, v33  }
0x1f1: {  	v50 =	vadd.f32 v43, v17;
	v37 =	vadd.f32 v37, v10;
	v43 =	vld [tilespmem:s24+$0x830];
	[tilespmem:s24+$0xC20] =	vst v35  }
0x1f2: {  	v48 =	vadd.f32 v48, v19;
	v35 =	vadd.f32 v45, v8;
	v45 =	vld [tilespmem:s24+$0x840];
	[tilespmem:s24+$0xC40] =	vst v40  }
0x1f3: {  	v40 =	vadd.f32 v46, v22;
	v41 =	vadd.f32 v41, v7;
	[tilespmem:s24+$0x70] =	vst v37;
	v46 =	vld [tilespmem:s24+$0x850]  }
0x1f4: {  	v37 =	vadd.f32 v38, v6;
	[tilespmem:s24+$0x30] =	vst v35;
	v38 =	vadd.f32 v36, v23;
	v35 =	vld [tilespmem:s24+$0x860]  }
0x1f5: {  	[tilespmem:s24+$0x20] =	vst v41;
	v36 =	vadd.f32 v39, v24;
	v51 =	vld [tilespmem:s24+$0x870]  }
0x1f6: {  	[tilespmem:s24+$0x10] =	vst v37;
	v52 =	vld [tilespmem:s24+$0x40];
	v39 =	vadd.f32 v43, v25  }
.Ltmp2:
0x1f7: {  	[tilespmem:s24+$0x430] =	vst v42;
	v37 =	vadd.f32 v45, v26;
	v43 =	vld [tilespmem:s24+$0xC00];
	(pc) =	sbr.rel @p0 .LBB2_7-.Ltmp2, $4  }
0x1f8: {  	v45 =	vld [tilespmem:s24+$0x50];
	[tilespmem:s24+$0x440] =	vst v44;
	v41 =	vadd.f32 v46, v27  }
0x1f9: {  	v47 =	vld [tilespmem:s24+$0x60];
	[tilespmem:s24+$0x450] =	vst v49;
	v42 =	vadd.f32 v35, v29  }
0x1fa: {  	[tilespmem:s24+$0x460] =	vst v50;
	v35 =	vadd.f32 v51, v30;
	v46 =	vld [tilespmem:s24+$0xC10]  }
0x1fb: {  	s30 =	sadd.s32 $0x80, s30;
	s1 =	smov.u32 s31;
	v44 =	vadd.f32 v52, v9;
	[tilespmem:s24+$0x470] =	vst v48;
	v48 =	vld [tilespmem:s24+$0xC30]  }
0x1fc: {  	[tilespmem:s24+$0x800] =	vst v40  }
0x1fd: {  	[tilespmem:s24+$0x810] =	vst v38  }
0x1fe: {  	[tilespmem:s24+$0x820] =	vst v36  }
0x1ff: {  	[tilespmem:s24+$0x830] =	vst v39  }
0x200: {  	[tilespmem:s24+$0x840] =	vst v37  }
0x201: {  	[tilespmem:s24+$0x850] =	vst v41  }
0x202: {  	v5 =	vld [tilespmem:s24+$0xC60];
	[tilespmem:s24+$0x860] =	vst v42  }
0x203: {  	[tilespmem:s24+$0x870] =	vst v35;
	v3 =	vadd.f32 v45, v3  }
0x204: {  	v6 =	vld [tilespmem:s24+$0xC50];
	[tilespmem:s24+$0x40] =	vst v44;
	v4 =	vadd.f32 v47, v4  }
0x205: {  	[tilespmem:s24+$0x50] =	vst v3;
	v3 =	vadd.f32 v46, v18  }
0x206: {  	[tilespmem:s24+$0x60] =	vst v4;
	v4 =	vadd.f32 v43, v20  }
0x207: {  	v5 =	vadd.f32 v5, v31;
	[tilespmem:s24+$0xC10] =	vst v3  }
0x208: {  	[tilespmem:s24+$0xC00] =	vst v4;
	v4 =	vadd.f32 v48, v21  }
0x209: {  	[tilespmem:s24+$0xC60] =	vst v5;
	v5 =	vadd.f32 v6, v28  }
0x20a: {  	s0 =	sshll.u32 s10, $0x10;
	[tilespmem:s24+$0xC30] =	vst v4  }
0x20b: {  	s0 =	sadd.s32 s0, s7;
	[tilespmem:s24+$0xC50] =	vst v5  }
0x20c: {  	[hbm4b:s0+s3] =	stream.linear.scatter [tilespmem:s29], [sflag:$0x2], $0x4000, $0x38;
	[tilespmem:$0x1DC80] =	vst v63  }
0x20d: {  	_ =	swait.ge [sflag:s28], $0x4000  }
0x20e: {  	[sflag:s28] =	ssyncset.done $0x0  }
0x20f: {  	[sflag:s28] =	ssyncadd.s32 $0xFFFFC000  }
0x210: {  	_ =	swait.ge [sflag:s23], $0x4000  }
0x211: {  	s8 =	sor.u32 $0x3, s8;
	[sflag:s23] =	ssyncset.done $0x0  }
0x212: {  	p0 =	sgt.u32 s8, $0x61;
	[sflag:s23] =	ssyncadd.s32 $0xFFFFC000  }
0x213: {  	v3 =	vld @!p0 [tilespmem:s4+$0xA0];
	_ =	sdelay $0x4  }
0x214: {  	v4 =	vshll.u32 @!p0 v3, $0x2  }
0x215: {  	v5 =	vlaneseq.u32 @!p0;
	v3 =	vand.u32 @!p0 $0x7, v3;
	v4 =	vand.u32 @!p0 $0xFFFFFFE0, v4  }
0x216: {  	v6 =	vshrl.u32 @!p0 v5, $0x3;
	v3 =	vor.u32 @!p0 v3, v4;
	v4 =	vand.u32 @!p0 $0x7, v5  }
0x217: {  	v6 =	vmul.u32 @!p0 $0x8, v6;
	v7 =	vperm.xlane @!p0 v3, v4;
	_ =	sdelay $0x1  }
0x218: {  	v7 =	vadd.s32 @!p0 v6, v7  }
0x219: {  	v5 =	vor.u32 @!p0 $0x8, v5  }
0x21a: {  	v3 =	vperm.xlane @!p0 v3, v5;
	_ =	sdelay $0x1  }
0x21b: {  	vm1 =	vmmov @!p0 $0xffff;
	s1 =	simm.s32 @!p0 $0x11C80;
	s0 =	simm.s32 @!p0 $0x0;
	v3 =	vadd.s32 @!p0 v6, v3  }
0x21c: {  	[tilespmem:s1], [sflag:$0x1] =	stream.indirect_vreg.gather @!p0 [hbm4b:s2+s0], $0x80, v7, vm1, $0xb8;
	[tilespmem:$0x1DC80] =	vst v63  }
0x21d: {  	s1 =	simm.s32 @!p0 $0x12480  }
0x21e: {  	[tilespmem:s1], [sflag:$0x1] =	stream.indirect_vreg.gather @!p0 [hbm4b:s6+s0], $0x80, v7, vm1, $0xb8;
	[tilespmem:$0x1DC80] =	vst v63  }
0x21f: {  	s1 =	simm.s32 @!p0 $0x12C80  }
0x220: {  	[tilespmem:s1], [sflag:$0x1] =	stream.indirect_vreg.gather @!p0 [hbm4b:s2+s0], $0x80, v3, vm1, $0xb8;
	[tilespmem:$0x1DC80] =	vst v63  }
0x221: {  	s1 =	simm.s32 @!p0 $0x13480  }
0x222: {  	[tilespmem:s1], [sflag:$0x1] =	stream.indirect_vreg.gather @!p0 [hbm4b:s6+s0], $0x80, v3, vm1, $0xb8;
	[tilespmem:$0x1DC80] =	vst v63  }
0x223: {  	v3 =	vld @!p0 [tilespmem:s4+$0xB0];
	_ =	sdelay $0x4  }
0x224: {  	v7 =	vshll.u32 @!p0 v3, $0x2  }
0x225: {  	v3 =	vand.u32 @!p0 $0x7, v3;
	v7 =	vand.u32 @!p0 $0xFFFFFFE0, v7  }
0x226: {  	v3 =	vor.u32 @!p0 v3, v7  }
0x227: {  	v4 =	vperm.xlane @!p0 v3, v4;
	_ =	sdelay $0x1  }
0x228: {  	v4 =	vadd.s32 @!p0 v6, v4;
	_ =	sdelay $0x1  }
0x229: {  	v3 =	vperm.xlane @!p0 v3, v5;
	_ =	sdelay $0x1  }
0x22a: {  	s1 =	simm.s32 @!p0 $0x13C80;
	v3 =	vadd.s32 @!p0 v6, v3  }
0x22b: {  	[tilespmem:s1], [sflag:$0x1] =	stream.indirect_vreg.gather @!p0 [hbm4b:s2+s0], $0x80, v4, vm1, $0xb8;
	[tilespmem:$0x1DC80] =	vst v63  }
0x22c: {  	s1 =	simm.s32 @!p0 $0x14480  }
0x22d: {  	[tilespmem:s1], [sflag:$0x1] =	stream.indirect_vreg.gather @!p0 [hbm4b:s6+s0], $0x80, v4, vm1, $0xb8;
	[tilespmem:$0x1DC80] =	vst v63  }
0x22e: {  	s1 =	simm.s32 @!p0 $0x14C80  }
0x22f: {  	[tilespmem:s1], [sflag:$0x1] =	stream.indirect_vreg.gather @!p0 [hbm4b:s2+s0], $0x80, v3, vm1, $0xb8;
	[tilespmem:$0x1DC80] =	vst v63  }
0x230: {  	s10 =	sshll.u32 s8, $0x7;
	s1 =	simm.s32 @!p0 $0x15480  }
0x231: {  	[tilespmem:s1], [sflag:$0x1] =	stream.indirect_vreg.gather @!p0 [hbm4b:s6+s0], $0x80, v3, vm1, $0xb8;
	[tilespmem:$0x1DC80] =	vst v63  }
0x232: {  	s0 =	sand.u32 $0x380, s10  }
0x233: {  	s24 =	sadd.s32 s0, s5  }
0x234: {  	v5 =	vld [tilespmem:s24+$0x0]  }
0x235: {  	v6 =	vld [tilespmem:s24+$0x10]  }
0x236: {  	v7 =	vld [tilespmem:s24+$0x20]  }
0x237: {  	v8 =	vld [tilespmem:s24+$0x30]  }
0x238: {  	v9 =	vld [tilespmem:s24+$0x40]  }
0x239: {  	v3 =	vld [tilespmem:s24+$0x50]  }
0x23a: {  	v4 =	vld [tilespmem:s24+$0x60]  }
0x23b: {  	v10 =	vld [tilespmem:s24+$0x70]  }
0x23c: {  	v11 =	vld [tilespmem:s24+$0x400]  }
0x23d: {  	v12 =	vld [tilespmem:s24+$0x410]  }
0x23e: {  	v13 =	vld [tilespmem:s24+$0x420]  }
0x23f: {  	v14 =	vld [tilespmem:s24+$0x430]  }
0x240: {  	v15 =	vld [tilespmem:s24+$0x440]  }
0x241: {  	v16 =	vld [tilespmem:s24+$0x450]  }
0x242: {  	s0 =	sor.u32 s26, s0;
	v17 =	vld [tilespmem:s24+$0x460]  }
0x243: {  	v19 =	vld [tilespmem:s24+$0x470];
	s30 =	sor.u32 $0x800, s0  }
0x244: {  	s31 =	sor.u32 $0x810, s0;
	v22 =	vld [tilespmem:s30+$0xC80]  }
0x245: {  	s4 =	sor.u32 $0x820, s0;
	v23 =	vld [tilespmem:s31+$0xC80]  }
0x246: {  	s5 =	sor.u32 $0x830, s0;
	v24 =	vld [tilespmem:s4+$0xC80]  }
0x247: {  	s9 =	sor.u32 $0x840, s0;
	v25 =	vld [tilespmem:s5+$0xC80]  }
0x248: {  	s10 =	sor.u32 $0x850, s0;
	v26 =	vld [tilespmem:s9+$0xC80]  }
0x249: {  	s24 =	sor.u32 $0x860, s0;
	v27 =	vld [tilespmem:s10+$0xC80]  }
0x24a: {  	s26 =	sor.u32 $0x870, s0;
	v29 =	vld [tilespmem:s24+$0xC80]  }
0x24b: {  	v30 =	vld [tilespmem:s26+$0xC80];
	s30 =	sor.u32 $0xC00, s0  }
0x24c: {  	s31 =	sor.u32 $0xC10, s0;
	v20 =	vld [tilespmem:s30+$0xC80]  }
0x24d: {  	s4 =	sor.u32 $0xC20, s0;
	v18 =	vld [tilespmem:s31+$0xC80]  }
0x24e: {  	s5 =	sor.u32 $0xC30, s0;
	v32 =	vld [tilespmem:s4+$0xC80]  }
0x24f: {  	s9 =	sor.u32 $0xC40, s0;
	v21 =	vld [tilespmem:s5+$0xC80]  }
0x250: {  	s10 =	sor.u32 $0xC50, s0;
	v33 =	vld [tilespmem:s9+$0xC80]  }
0x251: {  	s24 =	sor.u32 $0xC60, s0;
	s26 =	simm.s32 $0x0;
	v28 =	vld [tilespmem:s10+$0xC80]  }
0x252: {  	s0 =	sor.u32 $0xC70, s0;
	v31 =	vld [tilespmem:s24+$0xC80];
	s30 =	sand.u32 $0x3000, s26;
	s4 =	sand.u32 $0x380, s26  }
0x253: {  	v34 =	vld [tilespmem:s0+$0xC80];
	s31 =	sor.u32 s4, s30  }
0x254: {  	s4 =	sadd.s32 $0x19C80, s31;
	v57 =	vld [tilespmem:s31+$0x19C80]  }
0x255: {  	v36 =	vld [tilespmem:s4+$0x810]  }
0x256: {  	v37 =	vld [tilespmem:s4+$0x800]  }
0x257: {  	v38 =	vld [tilespmem:s4+$0x470]  }
0x258: {  	v39 =	vld [tilespmem:s4+$0x450]  }
0x259: {  	v40 =	vld [tilespmem:s4+$0x440]  }
0x25a: {  	v41 =	vld [tilespmem:s4+$0x430]  }
0x25b: {  	v58 =	vld [tilespmem:s4+$0x420]  }
0x25c: {  	v59 =	vld [tilespmem:s4+$0x410]  }
0x25d: {  	v60 =	vld [tilespmem:s4+$0xC70]  }
0x25e: {  	v61 =	vld [tilespmem:s4+$0x400]  }
0x25f: {  	v62 =	vld [tilespmem:s4+$0xC20]  }
0x260: {  	v63 =	vld [tilespmem:s4+$0xC40];
	v35 =	vadd.f32 v57, v5  }
0x261: {  	v52 =	vld [tilespmem:s4+$0x70];
	v42 =	vadd.f32 v58, v13  }
0x262: {  	v49 =	vld [tilespmem:s4+$0x460];
	v43 =	vadd.f32 v59, v12;
	[tilespmem:s31+$0x19C80] =	vst v35  }
0x263: {  	v50 =	vld [tilespmem:s4+$0x830];
	v54 =	vadd.f32 v60, v34;
	[tilespmem:s4+$0x420] =	vst v42  }
0x264: {  	v51 =	vld [tilespmem:s4+$0x870];
	v45 =	vadd.f32 v61, v11;
	[tilespmem:s4+$0x410] =	vst v43  }
0x265: {  	v57 =	vld [tilespmem:s4+$0x820];
	v46 =	vadd.f32 v62, v32;
	[tilespmem:s4+$0xC70] =	vst v54  }
0x266: {  	v61 =	vadd.f32 v63, v33;
	v53 =	vld [tilespmem:s4+$0x30];
	[tilespmem:s4+$0x400] =	vst v45  }
0x267: {  	v41 =	vadd.f32 v41, v14;
	v56 =	vld [tilespmem:s4+$0x10];
	[tilespmem:s4+$0xC20] =	vst v46  }
0x268: {  	v59 =	vld [tilespmem:s4+$0x840];
	v63 =	vadd.f32 v40, v15;
	[tilespmem:s4+$0xC40] =	vst v61  }
0x269: {  	v60 =	vld [tilespmem:s4+$0x850];
	v49 =	vadd.f32 v49, v17;
	[tilespmem:s4+$0x430] =	vst v41  }
0x26a: {  	v35 =	vadd.f32 v52, v10;
	v55 =	vld [tilespmem:s4+$0x20];
	[tilespmem:s4+$0x440] =	vst v63  }
0x26b: {  	v62 =	vld [tilespmem:s4+$0x860];
	v40 =	vadd.f32 v37, v22;
	v52 =	vadd.f32 v39, v16;
	[tilespmem:s4+$0x460] =	vst v49  }
0x26c: {  	[tilespmem:s4+$0x70] =	vst v35;
	v58 =	vadd.f32 v53, v8;
	v43 =	vadd.f32 v56, v6;
	v53 =	vld [tilespmem:s4+$0x40]  }
0x26d: {  	v47 =	vld [tilespmem:s4+$0x60];
	v39 =	vadd.f32 v50, v25;
	v54 =	vadd.f32 v38, v19;
	[tilespmem:s4+$0x450] =	vst v52  }
0x26e: {  	v38 =	vadd.f32 v36, v23;
	v35 =	vadd.f32 v51, v30;
	[tilespmem:s4+$0x10] =	vst v43;
	v43 =	vld [tilespmem:s4+$0xC00]  }
0x26f: {  	v45 =	vld [tilespmem:s4+$0x50];
	v36 =	vadd.f32 v57, v24;
	[tilespmem:s4+$0x470] =	vst v54;
	v44 =	vadd.f32 v55, v7  }
0x270: {  	v48 =	vld [tilespmem:s4+$0xC30];
	v37 =	vadd.f32 v59, v26;
	v41 =	vadd.f32 v60, v27;
	[tilespmem:s4+$0x30] =	vst v58  }
0x271: {  	s1 =	simm.s32 $0x200;
	s5 =	simm.s32 $0x80;
	v46 =	vld [tilespmem:s4+$0xC10];
	v42 =	vadd.f32 v62, v29;
	[tilespmem:s4+$0x20] =	vst v44;
	v44 =	vadd.f32 v53, v9  }
.LBB2_9:
0x272: {  	s10 =	smov.u32 s1  }
0x273: {  	s0 =	sand.u32 $0x3000, s1;
	s9 =	sand.u32 $0x380, s5;
	[tilespmem:s4+$0x800] =	vst v40;
	v40 =	vadd.f32 v43, v20;
	v43 =	vld [tilespmem:s4+$0xC50];
	s10 =	sadd.s32 $0x200, s1  }
0x274: {  	p0 =	sne.s32 s1, $0x3E00;
	s0 =	sor.u32 s9, s0;
	v45 =	vadd.f32 v45, v3;
	[tilespmem:s4+$0x810] =	vst v38;
	v38 =	vld [tilespmem:s4+$0xC60]  }
0x275: {  	s1 =	sadd.s32 $0x19C80, s0;
	v47 =	vadd.f32 v47, v4;
	v49 =	vld [tilespmem:s0+$0x19C80];
	[tilespmem:s4+$0x820] =	vst v36  }
0x276: {  	v36 =	vld [tilespmem:s1+$0x810];
	[tilespmem:s4+$0x830] =	vst v39;
	v39 =	vadd.f32 v46, v18  }
0x277: {  	v46 =	vld [tilespmem:s1+$0x800];
	[tilespmem:s4+$0x840] =	vst v37;
	v37 =	vadd.f32 v48, v21  }
0x278: {  	v48 =	vld [tilespmem:s1+$0x470];
	[tilespmem:s4+$0x850] =	vst v41;
	v41 =	vadd.f32 v43, v28  }
0x279: {  	v43 =	vld [tilespmem:s1+$0x460];
	[tilespmem:s4+$0x860] =	vst v42;
	v38 =	vadd.f32 v38, v31  }
0x27a: {  	v42 =	vadd.f32 v49, v5;
	v49 =	vld [tilespmem:s1+$0x450];
	[tilespmem:s4+$0x40] =	vst v44  }
0x27b: {  	v44 =	vld [tilespmem:s1+$0x440];
	[tilespmem:s4+$0xC60] =	vst v38  }
0x27c: {  	v38 =	vld [tilespmem:s1+$0x430];
	[tilespmem:s4+$0x60] =	vst v47  }
0x27d: {  	v47 =	vld [tilespmem:s1+$0x420];
	[tilespmem:s4+$0x50] =	vst v45  }
0x27e: {  	v45 =	vld [tilespmem:s1+$0x410];
	[tilespmem:s4+$0xC50] =	vst v41  }
0x27f: {  	v41 =	vld [tilespmem:s1+$0xC70];
	[tilespmem:s4+$0xC00] =	vst v40  }
0x280: {  	v40 =	vld [tilespmem:s1+$0x400];
	[tilespmem:s4+$0x870] =	vst v35  }
0x281: {  	v35 =	vld [tilespmem:s1+$0xC20];
	[tilespmem:s4+$0xC10] =	vst v39  }
0x282: {  	v39 =	vadd.f32 v47, v13;
	v47 =	vld [tilespmem:s1+$0xC40];
	[tilespmem:s4+$0xC30] =	vst v37;
	s4 =	smov.u32 s1  }
0x283: {  	[tilespmem:s0+$0x19C80] =	vst v42;
	v37 =	vld [tilespmem:s4+$0x70];
	v42 =	vadd.f32 v45, v12  }
0x284: {  	v45 =	vld [tilespmem:s4+$0x30];
	[tilespmem:s4+$0x420] =	vst v39;
	v39 =	vadd.f32 v41, v34  }
0x285: {  	v41 =	vld [tilespmem:s4+$0x20];
	v40 =	vadd.f32 v40, v11;
	[tilespmem:s4+$0x410] =	vst v42;
	v42 =	vadd.f32 v38, v14  }
0x286: {  	v44 =	vadd.f32 v44, v15;
	v38 =	vld [tilespmem:s4+$0x10];
	v35 =	vadd.f32 v35, v32;
	[tilespmem:s4+$0xC70] =	vst v39  }
0x287: {  	v49 =	vadd.f32 v49, v16;
	[tilespmem:s4+$0x400] =	vst v40;
	v39 =	vld [tilespmem:s4+$0x820];
	v40 =	vadd.f32 v47, v33  }
0x288: {  	v50 =	vadd.f32 v43, v17;
	v37 =	vadd.f32 v37, v10;
	v43 =	vld [tilespmem:s4+$0x830];
	[tilespmem:s4+$0xC20] =	vst v35  }
0x289: {  	v48 =	vadd.f32 v48, v19;
	v35 =	vadd.f32 v45, v8;
	v45 =	vld [tilespmem:s4+$0x840];
	[tilespmem:s4+$0xC40] =	vst v40  }
0x28a: {  	v40 =	vadd.f32 v46, v22;
	v41 =	vadd.f32 v41, v7;
	[tilespmem:s4+$0x70] =	vst v37;
	v46 =	vld [tilespmem:s4+$0x850]  }
0x28b: {  	v37 =	vadd.f32 v38, v6;
	[tilespmem:s4+$0x30] =	vst v35;
	v38 =	vadd.f32 v36, v23;
	v35 =	vld [tilespmem:s4+$0x860]  }
0x28c: {  	[tilespmem:s4+$0x20] =	vst v41;
	v36 =	vadd.f32 v39, v24;
	v51 =	vld [tilespmem:s4+$0x870]  }
0x28d: {  	[tilespmem:s4+$0x10] =	vst v37;
	v52 =	vld [tilespmem:s4+$0x40];
	v39 =	vadd.f32 v43, v25  }
.Ltmp3:
0x28e: {  	[tilespmem:s4+$0x430] =	vst v42;
	v37 =	vadd.f32 v45, v26;
	v43 =	vld [tilespmem:s4+$0xC00];
	(pc) =	sbr.rel @p0 .LBB2_9-.Ltmp3, $4  }
0x28f: {  	v45 =	vld [tilespmem:s4+$0x50];
	[tilespmem:s4+$0x440] =	vst v44;
	v41 =	vadd.f32 v46, v27  }
0x290: {  	v47 =	vld [tilespmem:s4+$0x60];
	[tilespmem:s4+$0x450] =	vst v49;
	v42 =	vadd.f32 v35, v29  }
0x291: {  	[tilespmem:s4+$0x460] =	vst v50;
	v35 =	vadd.f32 v51, v30;
	v46 =	vld [tilespmem:s4+$0xC10]  }
0x292: {  	s5 =	sadd.s32 $0x80, s5;
	s1 =	smov.u32 s10;
	v44 =	vadd.f32 v52, v9;
	[tilespmem:s4+$0x470] =	vst v48;
	v48 =	vld [tilespmem:s4+$0xC30]  }
0x293: {  	[tilespmem:s4+$0x800] =	vst v40  }
0x294: {  	[tilespmem:s4+$0x810] =	vst v38  }
0x295: {  	[tilespmem:s4+$0x820] =	vst v36  }
0x296: {  	[tilespmem:s4+$0x830] =	vst v39  }
0x297: {  	[tilespmem:s4+$0x840] =	vst v37  }
0x298: {  	[tilespmem:s4+$0x850] =	vst v41  }
0x299: {  	[tilespmem:s4+$0x860] =	vst v42  }
0x29a: {  	v5 =	vld [tilespmem:s4+$0xC60];
	v62 =	vadd.f32 v43, v20;
	[tilespmem:s4+$0x870] =	vst v35  }
0x29b: {  	v6 =	vld [tilespmem:s4+$0xC50];
	[tilespmem:s4+$0x40] =	vst v44;
	v3 =	vadd.f32 v45, v3  }
0x29c: {  	v4 =	vadd.f32 v47, v4;
	[tilespmem:s4+$0xC00] =	vst v62  }
0x29d: {  	s25 =	sadd.s32 $0x1, s25;
	[tilespmem:s4+$0x50] =	vst v3;
	v3 =	vadd.f32 v46, v18  }
0x29e: {  	p0 =	sne.s32 s25, $0x19;
	[tilespmem:s4+$0x60] =	vst v4;
	v63 =	vadd.f32 v48, v21  }
.Ltmp4:
0x29f: {  	v5 =	vadd.f32 v5, v31;
	[tilespmem:s4+$0xC10] =	vst v3;
	(pc) =	sbr.rel @p0 .LBB2_2-.Ltmp4, $4  }
0x2a0: {  	v61 =	vadd.f32 v6, v28;
	[tilespmem:s4+$0xC30] =	vst v63  }
0x2a1: {  	s0 =	sshll.u32 s8, $0x10;
	[tilespmem:s4+$0xC60] =	vst v5  }
0x2a2: {  	s0 =	sadd.s32 s0, s7;
	[tilespmem:s4+$0xC50] =	vst v61  }
0x2a3: {  	[hbm4b:s0+s3] =	stream.linear.scatter [tilespmem:s14], [sflag:$0x2], $0x4000, $0x38;
	[tilespmem:$0x1DC80] =	vst v63  }
0x2a4: {  	_ =	swait.ge [sflag:s23], $0x4000  }
0x2a5: {  	[sflag:s23] =	ssyncset.done $0x0  }
0x2a6: {  	[sflag:s23] =	ssyncadd.s32 $0xFFFFC000  }
0x2a7: {  	_ =	swait.ge [sflag:s23], $0x4000  }
0x2a8: {  	s1 =	rddreg [dreg:$0x7]  }
0x2a9: {  	s0 =	rddreg [dreg:$0x6];
	s1 =	sadd.s32 $0x1, s1  }
0x2aa: {  	p0 =	sne.s32 s1, s0  }
.Ltmp5:
0x2ab: {  	_ = 	snop;
	(pc) =	sbr.rel @p0 .LBB2_1-.Ltmp5, $3  }
0x2ac: {  	_ =	sdelay $0x1  }
0x2ad: {  	[sflag:s23] =	ssyncset.done $0x0  }
0x2ae: {  	[sflag:s23] =	ssyncadd.s32 $0xFFFFC000  }
0x2af: {  	_ =	sfence.sel $0x180000  }
0x2b0: {  	[bflag:$0x0] =	sbarrier.arrive $0xFFFF  }
0x2b1: {  	_ =	strace $0x90000047  }
0x2b2: {  	s0 =	stileid.u32;
	[bflag:$0x2] =	sbarrier.arrive $0xFFFF  }
0x2b3: {  	p0 =	sne.s32 s0, $0x0;
	s0 =	rddreg [dreg:$0x3]  }
0x2b4: {  	s0 =	sadd.s32 @!p0 $0x100000, s0  }
0x2b5: {  	[sflag:s0] =	ssyncadd.tile.s32 @!p0 $0x1;
	_ =	shalt  }
.Lfunc_end2:
_tile_overlayer_lowered:
.L_overlay_start_2:
0x2b6: {  	(tag) =	ssettag $0x2  }
0x2b7: {  	s0 =	rddreg [dreg:$0x0];
	s2 =	stileid.u32  }
0x2b8: {  	s1 =	rddreg [dreg:$0x1];
	p0 =	sne.s32 s2, $0x0  }
0x2b9: {  	s3 =	rddreg [dreg:$0x2];
	[bflag:$0x3] =	sbarrier.arrive $0xFFFF;
	s2 =	simm.s32 @!p0 $0x1C03  }
0x2ba: {  	[timem:s3], [sflag:s2] =	dma.local @!p0 [hbm:s0], s1  }
0x2bb: {  	s0 =	simm.s32 @!p0 $0x3  }
0x2bc: {  	_ =	swait.ge @!p0 [sflag:s0], s1  }
0x2bd: {  	s1 =	ssub.s32 @!p0 $0x0, s1;
	[sflag:s0] =	ssyncset.done @!p0 $0x0  }
0x2be: {  	[sflag:s0] =	ssyncadd.s32 @!p0 s1  }
0x2bf: {  	[bflag:$0x3] =	sbarrier.arrive $0xFFFF  }
0x2c0: {  	_ =	shalt  }

</sc_bundles>
